<compile_context>
chip_gen: v7x
topology: tpu7x:2x2x1
jax: 0.10.2.dev20260603
libtpu: 0.0.44.dev20260713+nightly
codegen_flags: <defaults>
</compile_context>

<pallas_src>
import functools

import jax
import jax.numpy as jnp
from jax import lax
from jax.experimental import pallas as pl
from jax.experimental.pallas import tpu as pltpu
from jax.experimental.pallas import tpu_sc as plsc

N = 10000
NP = 10240
D = 256
DH = 128
E = 160000
K = 64
NS = 16
ROWS_PER_TILE = NP // NS
EPT = E // NS
C = 200
NCHUNK = EPT // C
CA = 128
NCA = 80
EPAD = NS * NCA * CA
PADE = EPAD - E
BLK = 1280
GRID = NP // BLK

@functools.cache
def _sc_mesh():
    return plsc.VectorSubcoreMesh(core_axis_name="c", subcore_axis_name="s",
                                  num_cores=2, num_subcores=NS)



def _deg_body(ei_ref, zero16_ref, degs_ref, idx_v, ones_v, deg_sh, zsem):
    cid = lax.axis_index("c")
    tid = lax.axis_index("s")

    @pl.loop(0, C)
    def _ones(i):
        ones_v[i, :] = jnp.ones((16,), jnp.float32)

    pltpu.sync_copy(zero16_ref, deg_sh.at[pl.ds(tid * ROWS_PER_TILE, ROWS_PER_TILE)])
    plsc.subcore_barrier()

    ebase = cid * E + tid * EPT

    @pl.loop(0, NCHUNK)
    def _chunk(c):
        pltpu.sync_copy(ei_ref.at[pl.ds(ebase + c * C, C)], idx_v)
        pltpu.sync_copy(ones_v, deg_sh.at[idx_v], add=True)

    plsc.subcore_barrier()
    pltpu.sync_copy(
        deg_sh.at[pl.ds(tid * ROWS_PER_TILE, ROWS_PER_TILE)],
        degs_ref.at[cid, pl.ds(tid * ROWS_PER_TILE, ROWS_PER_TILE)],
    )


def _agg_body(g_ref, src2_ref, dst_ref, zero_ref, agg_ref,
              src_v, dstb0, dstb1, buf0, buf1, agg_sh,
              sem0, sem1, semd0, semd1):
    cid = lax.axis_index("c")
    tid = lax.axis_index("s")

    pltpu.sync_copy(src2_ref.at[cid, tid], src_v)

    pltpu.sync_copy(zero_ref, agg_sh.at[pl.ds(tid * ROWS_PER_TILE, ROWS_PER_TILE)])
    plsc.subcore_barrier()

    pltpu.async_copy(dst_ref.at[tid, 0], dstb0, semd0)
    pltpu.async_copy(dst_ref.at[tid, 1], dstb1, semd1)
    pltpu.async_copy(g_ref.at[src_v.at[0]], buf0, sem0)
    pltpu.async_copy(g_ref.at[src_v.at[1]], buf1, sem1)

    @pl.loop(0, NCA // 2)
    def _pair(t):
        c0 = 2 * t
        c1 = c0 + 1

        pltpu.make_async_copy(g_ref.at[src_v.at[c0]], buf0, sem0).wait()
        pltpu.make_async_copy(dst_ref.at[tid, c0], dstb0, semd0).wait()
        pltpu.sync_copy(buf0, agg_sh.at[dstb0], add=True)

        @pl.when(c0 + 2 < NCA)
        def _next0():
            pltpu.async_copy(dst_ref.at[tid, c0 + 2], dstb0, semd0)
            pltpu.async_copy(g_ref.at[src_v.at[c0 + 2]], buf0, sem0)

        pltpu.make_async_copy(g_ref.at[src_v.at[c1]], buf1, sem1).wait()
        pltpu.make_async_copy(dst_ref.at[tid, c1], dstb1, semd1).wait()
        pltpu.sync_copy(buf1, agg_sh.at[dstb1], add=True)

        @pl.when(c1 + 2 < NCA)
        def _next1():
            pltpu.async_copy(dst_ref.at[tid, c1 + 2], dstb1, semd1)
            pltpu.async_copy(g_ref.at[src_v.at[c1 + 2]], buf1, sem1)

    plsc.subcore_barrier()
    pltpu.sync_copy(
        agg_sh.at[pl.ds(tid * ROWS_PER_TILE, ROWS_PER_TILE)],
        agg_ref.at[cid, pl.ds(tid * ROWS_PER_TILE, ROWS_PER_TILE)],
    )


def _sc_degrees(ei_flat, zero16):
    k = pl.kernel(
        _deg_body,
        out_type=jax.ShapeDtypeStruct((2, NP, 16), jnp.float32),
        mesh=_sc_mesh(),
        scratch_types=[
            pltpu.VMEM((C,), jnp.int32),
            pltpu.VMEM((C, 16), jnp.float32),
            pltpu.VMEM_SHARED((NP, 16), jnp.float32),
            pltpu.SemaphoreType.DMA,
        ],
    )
    return k(ei_flat, zero16)


def _sc_aggregate(g_flat, src2, dst, zero_blk):
    k = pl.kernel(
        _agg_body,
        out_type=jax.ShapeDtypeStruct((2, NP, DH), jnp.float32),
        mesh=_sc_mesh(),
        scratch_types=[
            pltpu.VMEM((NCA, CA), jnp.int32),
            pltpu.VMEM((CA,), jnp.int32),
            pltpu.VMEM((CA,), jnp.int32),
            pltpu.VMEM((CA, DH), jnp.float32),
            pltpu.VMEM((CA, DH), jnp.float32),
            pltpu.VMEM_SHARED((NP, DH), jnp.float32),
            pltpu.SemaphoreType.DMA,
            pltpu.SemaphoreType.DMA,
            pltpu.SemaphoreType.DMA,
            pltpu.SemaphoreType.DMA,
        ],
    )
    return k(g_flat, src2, dst, zero_blk)



def _norm_body(do_ref, di_ref, x_ref, no_ref, ni_ref, g_ref):
    i = pl.program_id(0)
    row = lax.broadcasted_iota(jnp.int32, (BLK, 1), 0) + i * BLK
    valid = row < N
    no = jnp.where(valid, lax.rsqrt(do_ref[...] + 1.0), 0.0)
    ni = jnp.where(valid, lax.rsqrt(di_ref[...] + 1.0), 0.0)
    no_ref[...] = no
    ni_ref[...] = ni
    g_ref[0] = x_ref[:, :DH] * no
    g_ref[1] = x_ref[:, DH:] * no


def _layer_body(agg_ref, g_ref, ni_ref, no_ref, w_ref, b_ref, out_ref, *, last):
    a0 = agg_ref[0] + g_ref[0]
    a1 = agg_ref[1] + g_ref[1]
    ab = jnp.concatenate([a0, a1], axis=1) * ni_ref[...]
    t = lax.dot_general(ab, w_ref[...], (((1,), (0,)), ((), ())),
                        precision=lax.Precision.HIGHEST,
                        preferred_element_type=jnp.float32)
    h = jnp.maximum(t + b_ref[...], 0.0)
    if last:
        out_ref[...] = h
    else:
        no = no_ref[...]
        out_ref[0] = h[:, :DH] * no
        out_ref[1] = h[:, DH:] * no


def _tc_norms(deg_out, deg_in, xp):
    return pl.pallas_call(
        _norm_body,
        grid=(GRID,),
        in_specs=[
            pl.BlockSpec((BLK, 1), lambda i: (i, 0)),
            pl.BlockSpec((BLK, 1), lambda i: (i, 0)),
            pl.BlockSpec((BLK, D), lambda i: (i, 0)),
        ],
        out_specs=[
            pl.BlockSpec((BLK, 1), lambda i: (i, 0)),
            pl.BlockSpec((BLK, 1), lambda i: (i, 0)),
            pl.BlockSpec((2, BLK, DH), lambda i: (0, i, 0)),
        ],
        out_shape=[
            jax.ShapeDtypeStruct((NP, 1), jnp.float32),
            jax.ShapeDtypeStruct((NP, 1), jnp.float32),
            jax.ShapeDtypeStruct((2, NP, DH), jnp.float32),
        ],
    )(deg_out, deg_in, xp)


def _tc_layer(agg, g, ni, no, w, b, last):
    out_spec = (pl.BlockSpec((BLK, D), lambda i: (i, 0)) if last
                else pl.BlockSpec((2, BLK, DH), lambda i: (0, i, 0)))
    out_shape = (jax.ShapeDtypeStruct((NP, D), jnp.float32) if last
                 else jax.ShapeDtypeStruct((2, NP, DH), jnp.float32))
    return pl.pallas_call(
        functools.partial(_layer_body, last=last),
        grid=(GRID,),
        in_specs=[
            pl.BlockSpec((2, BLK, DH), lambda i: (0, i, 0)),
            pl.BlockSpec((2, BLK, DH), lambda i: (0, i, 0)),
            pl.BlockSpec((BLK, 1), lambda i: (i, 0)),
            pl.BlockSpec((BLK, 1), lambda i: (i, 0)),
            pl.BlockSpec((D, D), lambda i: (0, 0)),
            pl.BlockSpec((1, D), lambda i: (0, 0)),
        ],
        out_specs=out_spec,
        out_shape=out_shape,
    )(agg, g, ni, no, w, b)


def _pool_body(h_ref, out_ref, sel_ref):
    h3 = jnp.reshape(h_ref[...], (NP // 128, 128, D))
    fiota = (lax.broadcasted_iota(jnp.int32, (NP // 128, 128), 0) * 128
             + lax.broadcasted_iota(jnp.int32, (NP // 128, 128), 1))
    scores = jnp.max(h3, axis=2)
    scores = jnp.where(fiota < N, scores, -jnp.inf)

    def step(i, sc):
        m = jnp.max(sc)
        kidx = jnp.min(jnp.where(sc == m, fiota, NP))
        sel_ref[pl.ds(i, 1), :] = h_ref[pl.ds(kidx, 1), :]
        return jnp.where(fiota == kidx, -jnp.inf, sc)

    lax.fori_loop(0, K, step, scores)

    R = 8
    jio = lax.broadcasted_iota(jnp.int32, (R, D, D), 1)
    kio = lax.broadcasted_iota(jnp.int32, (R, D, D), 2)
    for s in range(K // R):
        vals = sel_ref[R * s:R * (s + 1), :]
        vk = jnp.broadcast_to(vals[:, None, :], (R, D, D))
        vj = jnp.broadcast_to(vals[:, :, None], (R, D, D))
        less = (vk < vj) | ((vk == vj) & (kio < jio))
        rank = jnp.sum(less.astype(jnp.int32), axis=2)
        onehot = (jnp.broadcast_to(rank[:, :, None], (R, D, D)) == kio)
        srow = jnp.sum(jnp.where(onehot, vj, 0.0), axis=1)
        out_ref[R * s:R * (s + 1), :] = srow


def _tc_pool(h4):
    return pl.pallas_call(
        _pool_body,
        out_shape=jax.ShapeDtypeStruct((K, D), jnp.float32),
        scratch_shapes=[pltpu.VMEM((K, D), jnp.float32)],
    )(h4)



def kernel(x, edge_index, W1, b1, W2, b2, W3, b3, W4, b4):
    src = edge_index[0]
    dst = edge_index[1]
    ei_flat = edge_index.reshape(-1)
    pad_idx = jnp.arange(PADE, dtype=jnp.int32)
    src_pad = jnp.concatenate([src, pad_idx % N])
    dst_pad = jnp.concatenate([dst, N + pad_idx % (NP - N)])
    src2 = jnp.concatenate([src_pad, src_pad + NP]).reshape(2, NS, NCA, CA)
    dst_blk = dst_pad.reshape(NS, NCA, CA)
    zero_blk = jnp.zeros((ROWS_PER_TILE, DH), jnp.float32)
    xp = jnp.zeros((NP, D), x.dtype).at[:N].set(x)

    degs = _sc_degrees(ei_flat, jnp.zeros((ROWS_PER_TILE, 16), jnp.float32))
    deg_out = degs[0, :, 0][:, None]
    deg_in = degs[1, :, 0][:, None]

    no, ni, g = _tc_norms(deg_out, deg_in, xp)

    ws = [(W1, b1.reshape(1, D)), (W2, b2.reshape(1, D)),
          (W3, b3.reshape(1, D)), (W4, b4.reshape(1, D))]
    for li, (w, b) in enumerate(ws):
        agg = _sc_aggregate(g.reshape(2 * NP, DH), src2, dst_blk, zero_blk)
        out = _tc_layer(agg, g, ni, no, w, b, last=(li == 3))
        if li < 3:
            g = out
        else:
            h4 = out

    pooled = _tc_pool(h4)
    return pooled.reshape(1, K * D)

# --- scband reference (transcript-rebuilt; emitter-appended) ---
"""Pipeline reference for scband-dgcnnencoder-49855980372178 (READ-ONLY COPY).

The authoritative reference and input builder live on the scoring server;
editing this copy changes nothing except your own understanding.
"""

import jax, jax.numpy as jnp
import numpy as np

N = 10000
E = 160000
D = 256
HID = [256, 256, 256, 256]
K = 64


def setup_inputs(seed: int = 0) -> dict:
    key = jax.random.key(seed)
    ks = jax.random.split(key, 16)
    inp = {}
    inp["x"] = jax.random.normal(ks[0], (N, D), dtype=jnp.float32)
    inp["edge_index"] = jax.random.randint(ks[1], (2, E), 0, N, dtype=jnp.int32)
    dims = [D] + HID
    for i in range(4):
        fan_in, fan_out = dims[i], dims[i + 1]
        scale = float(np.sqrt(2.0 / (fan_in + fan_out)))
        inp[f"W{i+1}"] = jax.random.normal(ks[2 + 2 * i], (fan_in, fan_out), dtype=jnp.float32) * scale
        inp[f"b{i+1}"] = jnp.zeros((fan_out,), dtype=jnp.float32)
    return inp


def reference(x, edge_index, W1, b1, W2, b2, W3, b3, W4, b4):
    n = x.shape[0]
    # dgl.add_self_loop
    self_loop = jnp.arange(n, dtype=edge_index.dtype)
    src = jnp.concatenate([edge_index[0], self_loop])
    dst = jnp.concatenate([edge_index[1], self_loop])
    # GraphConv norm='both': D_out^{-1/2} on source side, D_in^{-1/2} on dest side
    deg_out = jnp.bincount(src, length=n).astype(x.dtype)
    deg_in = jnp.bincount(dst, length=n).astype(x.dtype)
    norm_out = jnp.where(deg_out > 0, jax.lax.rsqrt(jnp.maximum(deg_out, 1e-12)), 0.0)
    norm_in = jnp.where(deg_in > 0, jax.lax.rsqrt(jnp.maximum(deg_in, 1e-12)), 0.0)

    def conv(h, W, b):
        h = h * norm_out[:, None]
        agg = jax.ops.segment_sum(h[src], dst, num_segments=n)
        agg = agg * norm_in[:, None]
        return agg @ W + b

    h = jax.nn.relu(conv(x, W1, b1))
    h = jax.nn.relu(conv(h, W2, b2))
    h = jax.nn.relu(conv(h, W3, b3))
    h = jax.nn.relu(conv(h, W4, b4))
    # DGL SortPooling(k=K): sort each node's features ascending, then take
    # top-k nodes by the last (largest) feature channel, flatten per graph.
    feat = jnp.sort(h, axis=-1)
    scores = feat[:, -1]
    _, idx = jax.lax.top_k(scores, K)
    pooled = feat[idx].reshape(1, K * feat.shape[-1])
    # nn.Dropout is identity in eval mode
    return pooled

if __name__ == "__main__":
    import jax
    _d = setup_inputs()
    print(jax.jit(kernel)(*tuple(_d.values())))

</pallas_src>

<mosaic_0001>
#map = affine_map<(d0, d1) -> (0, 0)>
#map1 = affine_map<(d0, d1) -> (0, 0, 0, 0)>
#map2 = affine_map<(d0, d1) -> (0, 0, 0)>
module attributes {stable_mosaic.version = 14 : i64} {
  func.func @_agg_body(%arg0: i32, %arg1: i32, %arg2: memref<20480x128xf32, #tpu.memory_space<hbm>>, %arg3: memref<2x16x80x128xi32, #tpu.memory_space<hbm>>, %arg4: memref<16x80x128xi32, #tpu.memory_space<hbm>>, %arg5: memref<640x128xf32, #tpu.memory_space<hbm>>, %arg6: memref<2x10240x128xf32, #tpu.memory_space<hbm>>, %arg7: memref<80x128xi32, #tpu.memory_space<vmem>>, %arg8: memref<128xi32, #tpu.memory_space<vmem>>, %arg9: memref<128xi32, #tpu.memory_space<vmem>>, %arg10: memref<128x128xf32, #tpu.memory_space<vmem>>, %arg11: memref<128x128xf32, #tpu.memory_space<vmem>>, %arg12: memref<10240x128xf32, #tpu.memory_space<vmem_shared>>, %arg13: memref<!tpu.dma_semaphore, #tpu.memory_space<semaphore_mem>>, %arg14: memref<!tpu.dma_semaphore, #tpu.memory_space<semaphore_mem>>, %arg15: memref<!tpu.dma_semaphore, #tpu.memory_space<semaphore_mem>>, %arg16: memref<!tpu.dma_semaphore, #tpu.memory_space<semaphore_mem>>) attributes {dimension_semantics = [#tpu.dimension_semantics<core_parallel>, #tpu.dimension_semantics<subcore_parallel>], iteration_bounds = array<i64: 2, 16>, scalar_prefetch = 0 : i64, scratch_operands = 10 : i64, tpu.core_type = #tpu.core_type<sc_vector_subcore>, window_params = [{transform_indices = #map}, {transform_indices = #map1}, {transform_indices = #map2}, {transform_indices = #map}, {transform_indices = #map2}]} {
    "tpu.region"() ({
      %run_scoped3A = tpu.sem_alloc : memref<!tpu.dma_semaphore, #tpu.memory_space<semaphore_mem>>
      %dma_start3A_37 = arith.constant 0 : i32
      %dma_start3A_38 = arith.constant 0 : i32
      %dma_start3A_39 = tpu.memref_slice %arg3[%arg0, %arg1, %dma_start3A_37, %dma_start3A_38] : memref<2x16x80x128xi32, #tpu.memory_space<hbm>> -> memref<1x1x80x128xi32, #tpu.memory_space<hbm>>
      %dma_start3A_40 = tpu.memref_squeeze %dma_start3A_39 : memref<1x1x80x128xi32, #tpu.memory_space<hbm>> -> memref<80x128xi32, #tpu.memory_space<hbm>>
      %dma_start3A_41 = arith.constant 0 : i32
      %dma_start3A_42 = arith.constant 0 : i32
      %dma_start3A_43 = tpu.memref_slice %arg3[%arg0, %arg1, %dma_start3A_41, %dma_start3A_42] : memref<2x16x80x128xi32, #tpu.memory_space<hbm>> -> memref<1x1x80x128xi32, #tpu.memory_space<hbm>>
      %dma_start3A_44 = tpu.memref_squeeze %dma_start3A_43 : memref<1x1x80x128xi32, #tpu.memory_space<hbm>> -> memref<80x128xi32, #tpu.memory_space<hbm>>
      tpu.enqueue_dma source(%dma_start3A_44 : memref<80x128xi32, #tpu.memory_space<hbm>>) target(%arg7 : memref<80x128xi32, #tpu.memory_space<vmem>>) target_semaphore(%run_scoped3A : memref<!tpu.dma_semaphore, #tpu.memory_space<semaphore_mem>>)
      %dma_wait3A = arith.constant 0 : i32
      %dma_wait3A_45 = arith.constant 0 : i32
      %dma_wait3A_46 = tpu.memref_slice %arg3[%arg0, %arg1, %dma_wait3A, %dma_wait3A_45] : memref<2x16x80x128xi32, #tpu.memory_space<hbm>> -> memref<1x1x80x128xi32, #tpu.memory_space<hbm>>
      %dma_wait3A_47 = tpu.memref_squeeze %dma_wait3A_46 : memref<1x1x80x128xi32, #tpu.memory_space<hbm>> -> memref<80x128xi32, #tpu.memory_space<hbm>>
      %dma_wait3A_48 = arith.constant 0 : i32
      %dma_wait3A_49 = arith.constant 0 : i32
      %dma_wait3A_50 = tpu.memref_slice %arg3[%arg0, %arg1, %dma_wait3A_48, %dma_wait3A_49] : memref<2x16x80x128xi32, #tpu.memory_space<hbm>> -> memref<1x1x80x128xi32, #tpu.memory_space<hbm>>
      %dma_wait3A_51 = tpu.memref_squeeze %dma_wait3A_50 : memref<1x1x80x128xi32, #tpu.memory_space<hbm>> -> memref<80x128xi32, #tpu.memory_space<hbm>>
      tpu.wait_dma2 semaphore(%run_scoped3A : memref<!tpu.dma_semaphore, #tpu.memory_space<semaphore_mem>>) src(%dma_wait3A_51 : memref<80x128xi32, #tpu.memory_space<hbm>>) dst(%arg7 : memref<80x128xi32, #tpu.memory_space<vmem>>)
      tpu.yield
    }) : () -> ()
    %mul3A = arith.constant 640 : i32
    %mul3A_0 = arith.muli %arg1, %mul3A : i32
    "tpu.region"() ({
      %run_scoped3A = tpu.sem_alloc : memref<!tpu.dma_semaphore, #tpu.memory_space<semaphore_mem>>
      %dma_start3A_37 = arith.constant 0 : i32
      %dma_start3A_38 = tpu.memref_slice %arg12[%mul3A_0, %dma_start3A_37] : memref<10240x128xf32, #tpu.memory_space<vmem_shared>> -> memref<640x128xf32, #tpu.memory_space<vmem_shared>>
      tpu.enqueue_dma source(%arg5 : memref<640x128xf32, #tpu.memory_space<hbm>>) target(%dma_start3A_38 : memref<640x128xf32, #tpu.memory_space<vmem_shared>>) target_semaphore(%run_scoped3A : memref<!tpu.dma_semaphore, #tpu.memory_space<semaphore_mem>>)
      %dma_wait3A = arith.constant 0 : i32
      %dma_wait3A_39 = tpu.memref_slice %arg12[%mul3A_0, %dma_wait3A] : memref<10240x128xf32, #tpu.memory_space<vmem_shared>> -> memref<640x128xf32, #tpu.memory_space<vmem_shared>>
      tpu.wait_dma2 semaphore(%run_scoped3A : memref<!tpu.dma_semaphore, #tpu.memory_space<semaphore_mem>>) src(%arg5 : memref<640x128xf32, #tpu.memory_space<hbm>>) dst(%dma_wait3A_39 : memref<640x128xf32, #tpu.memory_space<vmem_shared>>)
      tpu.yield
    }) : () -> ()
    %barrier3A = arith.constant 0 : index
    tpu.barrier barrier_id(%barrier3A)
    %dma_start3A = arith.constant 0 : i32
    %dma_start3A_1 = arith.constant 0 : i32
    %dma_start3A_2 = tpu.memref_slice %arg4[%arg1, %dma_start3A, %dma_start3A_1] : memref<16x80x128xi32, #tpu.memory_space<hbm>> -> memref<1x1x128xi32, #tpu.memory_space<hbm>>
    %dma_start3A_3 = tpu.memref_squeeze %dma_start3A_2 : memref<1x1x128xi32, #tpu.memory_space<hbm>> -> memref<128xi32, #tpu.memory_space<hbm>>
    %dma_start3A_4 = arith.constant 0 : i32
    %dma_start3A_5 = tpu.memref_slice %arg4[%arg1, %dma_start3A, %dma_start3A_4] : memref<16x80x128xi32, #tpu.memory_space<hbm>> -> memref<1x1x128xi32, #tpu.memory_space<hbm>>
    %dma_start3A_6 = tpu.memref_squeeze %dma_start3A_5 : memref<1x1x128xi32, #tpu.memory_space<hbm>> -> memref<128xi32, #tpu.memory_space<hbm>>
    tpu.enqueue_dma source(%dma_start3A_6 : memref<128xi32, #tpu.memory_space<hbm>>) target(%arg8 : memref<128xi32, #tpu.memory_space<vmem>>) target_semaphore(%arg15 : memref<!tpu.dma_semaphore, #tpu.memory_space<semaphore_mem>>)
    %dma_start3A_7 = arith.constant 1 : i32
    %dma_start3A_8 = arith.constant 0 : i32
    %dma_start3A_9 = tpu.memref_slice %arg4[%arg1, %dma_start3A_7, %dma_start3A_8] : memref<16x80x128xi32, #tpu.memory_space<hbm>> -> memref<1x1x128xi32, #tpu.memory_space<hbm>>
    %dma_start3A_10 = tpu.memref_squeeze %dma_start3A_9 : memref<1x1x128xi32, #tpu.memory_space<hbm>> -> memref<128xi32, #tpu.memory_space<hbm>>
    %dma_start3A_11 = arith.constant 0 : i32
    %dma_start3A_12 = tpu.memref_slice %arg4[%arg1, %dma_start3A_7, %dma_start3A_11] : memref<16x80x128xi32, #tpu.memory_space<hbm>> -> memref<1x1x128xi32, #tpu.memory_space<hbm>>
    %dma_start3A_13 = tpu.memref_squeeze %dma_start3A_12 : memref<1x1x128xi32, #tpu.memory_space<hbm>> -> memref<128xi32, #tpu.memory_space<hbm>>
    tpu.enqueue_dma source(%dma_start3A_13 : memref<128xi32, #tpu.memory_space<hbm>>) target(%arg9 : memref<128xi32, #tpu.memory_space<vmem>>) target_semaphore(%arg16 : memref<!tpu.dma_semaphore, #tpu.memory_space<semaphore_mem>>)
    %dma_start3A_14 = arith.constant 0 : i32
    %dma_start3A_15 = arith.constant 0 : i32
    %dma_start3A_16 = tpu.memref_slice %arg7[%dma_start3A_14, %dma_start3A_15] : memref<80x128xi32, #tpu.memory_space<vmem>> -> memref<1x128xi32, #tpu.memory_space<vmem>>
    %dma_start3A_17 = tpu.memref_squeeze %dma_start3A_16 : memref<1x128xi32, #tpu.memory_space<vmem>> -> memref<128xi32, #tpu.memory_space<vmem>>
    %dma_start3A_18 = arith.constant 0 : i32
    %dma_start3A_19 = arith.constant 0 : i32
    %dma_start3A_20 = tpu.memref_slice %arg2[%dma_start3A_18, %dma_start3A_19] : memref<20480x128xf32, #tpu.memory_space<hbm>> -> memref<20480x128xf32, #tpu.memory_space<hbm>>
    tpu.enqueue_indirect_dma source(%dma_start3A_20 : memref<20480x128xf32, #tpu.memory_space<hbm>>) target(%arg10 : memref<128x128xf32, #tpu.memory_space<vmem>>) offsets(%dma_start3A_17 : memref<128xi32, #tpu.memory_space<vmem>>) semaphore(%arg13 : memref<!tpu.dma_semaphore, #tpu.memory_space<semaphore_mem>>)
    %dma_start3A_21 = arith.constant 1 : i32
    %dma_start3A_22 = arith.constant 0 : i32
    %dma_start3A_23 = tpu.memref_slice %arg7[%dma_start3A_21, %dma_start3A_22] : memref<80x128xi32, #tpu.memory_space<vmem>> -> memref<1x128xi32, #tpu.memory_space<vmem>>
    %dma_start3A_24 = tpu.memref_squeeze %dma_start3A_23 : memref<1x128xi32, #tpu.memory_space<vmem>> -> memref<128xi32, #tpu.memory_space<vmem>>
    %dma_start3A_25 = arith.constant 0 : i32
    %dma_start3A_26 = arith.constant 0 : i32
    %dma_start3A_27 = tpu.memref_slice %arg2[%dma_start3A_25, %dma_start3A_26] : memref<20480x128xf32, #tpu.memory_space<hbm>> -> memref<20480x128xf32, #tpu.memory_space<hbm>>
    tpu.enqueue_indirect_dma source(%dma_start3A_27 : memref<20480x128xf32, #tpu.memory_space<hbm>>) target(%arg11 : memref<128x128xf32, #tpu.memory_space<vmem>>) offsets(%dma_start3A_24 : memref<128xi32, #tpu.memory_space<vmem>>) semaphore(%arg14 : memref<!tpu.dma_semaphore, #tpu.memory_space<semaphore_mem>>)
    %scan3A = arith.constant 0 : i32
    %scan3A_28 = arith.constant 40 : i32
    %scan3A_29 = arith.addi %scan3A, %scan3A_28 : i32
    %scan3A_30 = arith.constant 1 : i32
    scf.for %scan3A_37 = %scan3A to %scan3A_29 step %scan3A_30  : i32 {
      %mul3A_38 = arith.constant 1 : i32
      %mul3A_39 = arith.muli %scan3A_37, %mul3A_38 : i32
      %add3A = arith.constant 0 : i32
      %add3A_40 = arith.addi %add3A, %mul3A_39 : i32
      %mul3A_41 = arith.constant 2 : i32
      %mul3A_42 = arith.muli %mul3A_41, %add3A_40 : i32
      %add3A_43 = arith.constant 1 : i32
      %add3A_44 = arith.addi %mul3A_42, %add3A_43 : i32
      %dma_wait3A = arith.constant 0 : i32
      %dma_wait3A_45 = tpu.memref_slice %arg7[%mul3A_42, %dma_wait3A] : memref<80x128xi32, #tpu.memory_space<vmem>> -> memref<1x128xi32, #tpu.memory_space<vmem>>
      %dma_wait3A_46 = tpu.memref_squeeze %dma_wait3A_45 : memref<1x128xi32, #tpu.memory_space<vmem>> -> memref<128xi32, #tpu.memory_space<vmem>>
      %dma_wait3A_47 = arith.constant 0 : i32
      %dma_wait3A_48 = arith.constant 0 : i32
      %dma_wait3A_49 = tpu.memref_slice %arg2[%dma_wait3A_47, %dma_wait3A_48] : memref<20480x128xf32, #tpu.memory_space<hbm>> -> memref<20480x128xf32, #tpu.memory_space<hbm>>
      tpu.wait_indirect_dma semaphore(%arg13 : memref<!tpu.dma_semaphore, #tpu.memory_space<semaphore_mem>>) src(%dma_wait3A_49 : memref<20480x128xf32, #tpu.memory_space<hbm>>) dst(%arg10 : memref<128x128xf32, #tpu.memory_space<vmem>>)
      %dma_wait3A_50 = arith.constant 0 : i32
      %dma_wait3A_51 = tpu.memref_slice %arg4[%arg1, %mul3A_42, %dma_wait3A_50] : memref<16x80x128xi32, #tpu.memory_space<hbm>> -> memref<1x1x128xi32, #tpu.memory_space<hbm>>
      %dma_wait3A_52 = tpu.memref_squeeze %dma_wait3A_51 : memref<1x1x128xi32, #tpu.memory_space<hbm>> -> memref<128xi32, #tpu.memory_space<hbm>>
      %dma_wait3A_53 = arith.constant 0 : i32
      %dma_wait3A_54 = tpu.memref_slice %arg4[%arg1, %mul3A_42, %dma_wait3A_53] : memref<16x80x128xi32, #tpu.memory_space<hbm>> -> memref<1x1x128xi32, #tpu.memory_space<hbm>>
      %dma_wait3A_55 = tpu.memref_squeeze %dma_wait3A_54 : memref<1x1x128xi32, #tpu.memory_space<hbm>> -> memref<128xi32, #tpu.memory_space<hbm>>
      tpu.wait_dma2 semaphore(%arg15 : memref<!tpu.dma_semaphore, #tpu.memory_space<semaphore_mem>>) src(%dma_wait3A_55 : memref<128xi32, #tpu.memory_space<hbm>>) dst(%arg8 : memref<128xi32, #tpu.memory_space<vmem>>)
      "tpu.region"() ({
        %run_scoped3A = tpu.sem_alloc : memref<!tpu.dma_semaphore, #tpu.memory_space<semaphore_mem>>
        %dma_start3A_79 = arith.constant 0 : i32
        %dma_start3A_80 = arith.constant 0 : i32
        %dma_start3A_81 = tpu.memref_slice %arg12[%dma_start3A_79, %dma_start3A_80] : memref<10240x128xf32, #tpu.memory_space<vmem_shared>> -> memref<10240x128xf32, #tpu.memory_space<vmem_shared>>
        tpu.enqueue_indirect_dma source(%arg10 : memref<128x128xf32, #tpu.memory_space<vmem>>) target(%dma_start3A_81 : memref<10240x128xf32, #tpu.memory_space<vmem_shared>>) offsets(%arg8 : memref<128xi32, #tpu.memory_space<vmem>>) semaphore(%run_scoped3A : memref<!tpu.dma_semaphore, #tpu.memory_space<semaphore_mem>>) {add = true}
        %dma_wait3A_82 = arith.constant 0 : i32
        %dma_wait3A_83 = arith.constant 0 : i32
        %dma_wait3A_84 = tpu.memref_slice %arg12[%dma_wait3A_82, %dma_wait3A_83] : memref<10240x128xf32, #tpu.memory_space<vmem_shared>> -> memref<10240x128xf32, #tpu.memory_space<vmem_shared>>
        tpu.wait_indirect_dma semaphore(%run_scoped3A : memref<!tpu.dma_semaphore, #tpu.memory_space<semaphore_mem>>) src(%arg10 : memref<128x128xf32, #tpu.memory_space<vmem>>) dst(%dma_wait3A_84 : memref<10240x128xf32, #tpu.memory_space<vmem_shared>>)
        tpu.yield
      }) : () -> ()
      %add3A_56 = arith.constant 2 : i32
      %add3A_57 = arith.addi %mul3A_42, %add3A_56 : i32
      %lt3A = arith.constant 80 : i32
      %lt3A_58 = arith.cmpi slt, %add3A_57, %lt3A : i32
      %convert_element_type3A = arith.extui %lt3A_58 : i1 to i32
      %cond3A = arith.constant 0 : i32
      %cond3A_59 = arith.cmpi ne, %convert_element_type3A, %cond3A : i32
      scf.if %cond3A_59 {
        %add3A_79 = arith.constant 2 : i32
        %add3A_80 = arith.addi %mul3A_42, %add3A_79 : i32
        %dma_start3A_81 = arith.constant 0 : i32
        %dma_start3A_82 = tpu.memref_slice %arg4[%arg1, %add3A_80, %dma_start3A_81] : memref<16x80x128xi32, #tpu.memory_space<hbm>> -> memref<1x1x128xi32, #tpu.memory_space<hbm>>
        %dma_start3A_83 = tpu.memref_squeeze %dma_start3A_82 : memref<1x1x128xi32, #tpu.memory_space<hbm>> -> memref<128xi32, #tpu.memory_space<hbm>>
        %dma_start3A_84 = arith.constant 0 : i32
        %dma_start3A_85 = tpu.memref_slice %arg4[%arg1, %add3A_80, %dma_start3A_84] : memref<16x80x128xi32, #tpu.memory_space<hbm>> -> memref<1x1x128xi32, #tpu.memory_space<hbm>>
        %dma_start3A_86 = tpu.memref_squeeze %dma_start3A_85 : memref<1x1x128xi32, #tpu.memory_space<hbm>> -> memref<128xi32, #tpu.memory_space<hbm>>
        tpu.enqueue_dma source(%dma_start3A_86 : memref<128xi32, #tpu.memory_space<hbm>>) target(%arg8 : memref<128xi32, #tpu.memory_space<vmem>>) target_semaphore(%arg15 : memref<!tpu.dma_semaphore, #tpu.memory_space<semaphore_mem>>)
        %add3A_87 = arith.constant 2 : i32
        %add3A_88 = arith.addi %mul3A_42, %add3A_87 : i32
        %dma_start3A_89 = arith.constant 0 : i32
        %dma_start3A_90 = tpu.memref_slice %arg7[%add3A_88, %dma_start3A_89] : memref<80x128xi32, #tpu.memory_space<vmem>> -> memref<1x128xi32, #tpu.memory_space<vmem>>
        %dma_start3A_91 = tpu.memref_squeeze %dma_start3A_90 : memref<1x128xi32, #tpu.memory_space<vmem>> -> memref<128xi32, #tpu.memory_space<vmem>>
        %dma_start3A_92 = arith.constant 0 : i32
        %dma_start3A_93 = arith.constant 0 : i32
        %dma_start3A_94 = tpu.memref_slice %arg2[%dma_start3A_92, %dma_start3A_93] : memref<20480x128xf32, #tpu.memory_space<hbm>> -> memref<20480x128xf32, #tpu.memory_space<hbm>>
        tpu.enqueue_indirect_dma source(%dma_start3A_94 : memref<20480x128xf32, #tpu.memory_space<hbm>>) target(%arg10 : memref<128x128xf32, #tpu.memory_space<vmem>>) offsets(%dma_start3A_91 : memref<128xi32, #tpu.memory_space<vmem>>) semaphore(%arg13 : memref<!tpu.dma_semaphore, #tpu.memory_space<semaphore_mem>>)
      } else {
      }
      %dma_wait3A_60 = arith.constant 0 : i32
      %dma_wait3A_61 = tpu.memref_slice %arg7[%add3A_44, %dma_wait3A_60] : memref<80x128xi32, #tpu.memory_space<vmem>> -> memref<1x128xi32, #tpu.memory_space<vmem>>
      %dma_wait3A_62 = tpu.memref_squeeze %dma_wait3A_61 : memref<1x128xi32, #tpu.memory_space<vmem>> -> memref<128xi32, #tpu.memory_space<vmem>>
      %dma_wait3A_63 = arith.constant 0 : i32
      %dma_wait3A_64 = arith.constant 0 : i32
      %dma_wait3A_65 = tpu.memref_slice %arg2[%dma_wait3A_63, %dma_wait3A_64] : memref<20480x128xf32, #tpu.memory_space<hbm>> -> memref<20480x128xf32, #tpu.memory_space<hbm>>
      tpu.wait_indirect_dma semaphore(%arg14 : memref<!tpu.dma_semaphore, #tpu.memory_space<semaphore_mem>>) src(%dma_wait3A_65 : memref<20480x128xf32, #tpu.memory_space<hbm>>) dst(%arg11 : memref<128x128xf32, #tpu.memory_space<vmem>>)
      %dma_wait3A_66 = arith.constant 0 : i32
      %dma_wait3A_67 = tpu.memref_slice %arg4[%arg1, %add3A_44, %dma_wait3A_66] : memref<16x80x128xi32, #tpu.memory_space<hbm>> -> memref<1x1x128xi32, #tpu.memory_space<hbm>>
      %dma_wait3A_68 = tpu.memref_squeeze %dma_wait3A_67 : memref<1x1x128xi32, #tpu.memory_space<hbm>> -> memref<128xi32, #tpu.memory_space<hbm>>
      %dma_wait3A_69 = arith.constant 0 : i32
      %dma_wait3A_70 = tpu.memref_slice %arg4[%arg1, %add3A_44, %dma_wait3A_69] : memref<16x80x128xi32, #tpu.memory_space<hbm>> -> memref<1x1x128xi32, #tpu.memory_space<hbm>>
      %dma_wait3A_71 = tpu.memref_squeeze %dma_wait3A_70 : memref<1x1x128xi32, #tpu.memory_space<hbm>> -> memref<128xi32, #tpu.memory_space<hbm>>
      tpu.wait_dma2 semaphore(%arg16 : memref<!tpu.dma_semaphore, #tpu.memory_space<semaphore_mem>>) src(%dma_wait3A_71 : memref<128xi32, #tpu.memory_space<hbm>>) dst(%arg9 : memref<128xi32, #tpu.memory_space<vmem>>)
      "tpu.region"() ({
        %run_scoped3A = tpu.sem_alloc : memref<!tpu.dma_semaphore, #tpu.memory_space<semaphore_mem>>
        %dma_start3A_79 = arith.constant 0 : i32
        %dma_start3A_80 = arith.constant 0 : i32
        %dma_start3A_81 = tpu.memref_slice %arg12[%dma_start3A_79, %dma_start3A_80] : memref<10240x128xf32, #tpu.memory_space<vmem_shared>> -> memref<10240x128xf32, #tpu.memory_space<vmem_shared>>
        tpu.enqueue_indirect_dma source(%arg11 : memref<128x128xf32, #tpu.memory_space<vmem>>) target(%dma_start3A_81 : memref<10240x128xf32, #tpu.memory_space<vmem_shared>>) offsets(%arg9 : memref<128xi32, #tpu.memory_space<vmem>>) semaphore(%run_scoped3A : memref<!tpu.dma_semaphore, #tpu.memory_space<semaphore_mem>>) {add = true}
        %dma_wait3A_82 = arith.constant 0 : i32
        %dma_wait3A_83 = arith.constant 0 : i32
        %dma_wait3A_84 = tpu.memref_slice %arg12[%dma_wait3A_82, %dma_wait3A_83] : memref<10240x128xf32, #tpu.memory_space<vmem_shared>> -> memref<10240x128xf32, #tpu.memory_space<vmem_shared>>
        tpu.wait_indirect_dma semaphore(%run_scoped3A : memref<!tpu.dma_semaphore, #tpu.memory_space<semaphore_mem>>) src(%arg11 : memref<128x128xf32, #tpu.memory_space<vmem>>) dst(%dma_wait3A_84 : memref<10240x128xf32, #tpu.memory_space<vmem_shared>>)
        tpu.yield
      }) : () -> ()
      %add3A_72 = arith.constant 2 : i32
      %add3A_73 = arith.addi %add3A_44, %add3A_72 : i32
      %lt3A_74 = arith.constant 80 : i32
      %lt3A_75 = arith.cmpi slt, %add3A_73, %lt3A_74 : i32
      %convert_element_type3A_76 = arith.extui %lt3A_75 : i1 to i32
      %cond3A_77 = arith.constant 0 : i32
      %cond3A_78 = arith.cmpi ne, %convert_element_type3A_76, %cond3A_77 : i32
      scf.if %cond3A_78 {
        %add3A_79 = arith.constant 2 : i32
        %add3A_80 = arith.addi %add3A_44, %add3A_79 : i32
        %dma_start3A_81 = arith.constant 0 : i32
        %dma_start3A_82 = tpu.memref_slice %arg4[%arg1, %add3A_80, %dma_start3A_81] : memref<16x80x128xi32, #tpu.memory_space<hbm>> -> memref<1x1x128xi32, #tpu.memory_space<hbm>>
        %dma_start3A_83 = tpu.memref_squeeze %dma_start3A_82 : memref<1x1x128xi32, #tpu.memory_space<hbm>> -> memref<128xi32, #tpu.memory_space<hbm>>
        %dma_start3A_84 = arith.constant 0 : i32
        %dma_start3A_85 = tpu.memref_slice %arg4[%arg1, %add3A_80, %dma_start3A_84] : memref<16x80x128xi32, #tpu.memory_space<hbm>> -> memref<1x1x128xi32, #tpu.memory_space<hbm>>
        %dma_start3A_86 = tpu.memref_squeeze %dma_start3A_85 : memref<1x1x128xi32, #tpu.memory_space<hbm>> -> memref<128xi32, #tpu.memory_space<hbm>>
        tpu.enqueue_dma source(%dma_start3A_86 : memref<128xi32, #tpu.memory_space<hbm>>) target(%arg9 : memref<128xi32, #tpu.memory_space<vmem>>) target_semaphore(%arg16 : memref<!tpu.dma_semaphore, #tpu.memory_space<semaphore_mem>>)
        %add3A_87 = arith.constant 2 : i32
        %add3A_88 = arith.addi %add3A_44, %add3A_87 : i32
        %dma_start3A_89 = arith.constant 0 : i32
        %dma_start3A_90 = tpu.memref_slice %arg7[%add3A_88, %dma_start3A_89] : memref<80x128xi32, #tpu.memory_space<vmem>> -> memref<1x128xi32, #tpu.memory_space<vmem>>
        %dma_start3A_91 = tpu.memref_squeeze %dma_start3A_90 : memref<1x128xi32, #tpu.memory_space<vmem>> -> memref<128xi32, #tpu.memory_space<vmem>>
        %dma_start3A_92 = arith.constant 0 : i32
        %dma_start3A_93 = arith.constant 0 : i32
        %dma_start3A_94 = tpu.memref_slice %arg2[%dma_start3A_92, %dma_start3A_93] : memref<20480x128xf32, #tpu.memory_space<hbm>> -> memref<20480x128xf32, #tpu.memory_space<hbm>>
        tpu.enqueue_indirect_dma source(%dma_start3A_94 : memref<20480x128xf32, #tpu.memory_space<hbm>>) target(%arg11 : memref<128x128xf32, #tpu.memory_space<vmem>>) offsets(%dma_start3A_91 : memref<128xi32, #tpu.memory_space<vmem>>) semaphore(%arg14 : memref<!tpu.dma_semaphore, #tpu.memory_space<semaphore_mem>>)
      } else {
      }
    }
    %scan3A_31 = arith.constant 40 : i32
    %barrier3A_32 = arith.constant 0 : index
    tpu.barrier barrier_id(%barrier3A_32)
    %mul3A_33 = arith.constant 640 : i32
    %mul3A_34 = arith.muli %arg1, %mul3A_33 : i32
    %mul3A_35 = arith.constant 640 : i32
    %mul3A_36 = arith.muli %arg1, %mul3A_35 : i32
    "tpu.region"() ({
      %run_scoped3A = tpu.sem_alloc : memref<!tpu.dma_semaphore, #tpu.memory_space<semaphore_mem>>
      %dma_start3A_37 = arith.constant 0 : i32
      %dma_start3A_38 = tpu.memref_slice %arg6[%arg0, %mul3A_36, %dma_start3A_37] : memref<2x10240x128xf32, #tpu.memory_space<hbm>> -> memref<1x640x128xf32, #tpu.memory_space<hbm>>
      %dma_start3A_39 = tpu.memref_squeeze %dma_start3A_38 : memref<1x640x128xf32, #tpu.memory_space<hbm>> -> memref<640x128xf32, #tpu.memory_space<hbm>>
      %dma_start3A_40 = arith.constant 0 : i32
      %dma_start3A_41 = tpu.memref_slice %arg12[%mul3A_34, %dma_start3A_40] : memref<10240x128xf32, #tpu.memory_space<vmem_shared>> -> memref<640x128xf32, #tpu.memory_space<vmem_shared>>
      tpu.enqueue_dma source(%dma_start3A_41 : memref<640x128xf32, #tpu.memory_space<vmem_shared>>) target(%dma_start3A_39 : memref<640x128xf32, #tpu.memory_space<hbm>>) target_semaphore(%run_scoped3A : memref<!tpu.dma_semaphore, #tpu.memory_space<semaphore_mem>>)
      %dma_wait3A = arith.constant 0 : i32
      %dma_wait3A_42 = tpu.memref_slice %arg6[%arg0, %mul3A_36, %dma_wait3A] : memref<2x10240x128xf32, #tpu.memory_space<hbm>> -> memref<1x640x128xf32, #tpu.memory_space<hbm>>
      %dma_wait3A_43 = tpu.memref_squeeze %dma_wait3A_42 : memref<1x640x128xf32, #tpu.memory_space<hbm>> -> memref<640x128xf32, #tpu.memory_space<hbm>>
      %dma_wait3A_44 = arith.constant 0 : i32
      %dma_wait3A_45 = tpu.memref_slice %arg12[%mul3A_34, %dma_wait3A_44] : memref<10240x128xf32, #tpu.memory_space<vmem_shared>> -> memref<640x128xf32, #tpu.memory_space<vmem_shared>>
      tpu.wait_dma2 semaphore(%run_scoped3A : memref<!tpu.dma_semaphore, #tpu.memory_space<semaphore_mem>>) src(%dma_wait3A_45 : memref<640x128xf32, #tpu.memory_space<vmem_shared>>) dst(%dma_wait3A_43 : memref<640x128xf32, #tpu.memory_space<hbm>>)
      tpu.yield
    }) : () -> ()
    return
  }
}

#map = affine_map<(d0, d1) -> (0, 0)>
#map1 = affine_map<(d0, d1) -> (0, 0, 0, 0)>
#map2 = affine_map<(d0, d1) -> (0, 0, 0)>
module attributes {stable_mosaic.version = 14 : i64} {
  func.func @_agg_body(%arg0: i32, %arg1: i32, %arg2: memref<20480x128xf32, #tpu.memory_space<hbm>>, %arg3: memref<2x16x80x128xi32, #tpu.memory_space<hbm>>, %arg4: memref<16x80x128xi32, #tpu.memory_space<hbm>>, %arg5: memref<640x128xf32, #tpu.memory_space<hbm>>, %arg6: memref<2x10240x128xf32, #tpu.memory_space<hbm>>, %arg7: memref<80x128xi32, #tpu.memory_space<vmem>>, %arg8: memref<128xi32, #tpu.memory_space<vmem>>, %arg9: memref<128xi32, #tpu.memory_space<vmem>>, %arg10: memref<128x128xf32, #tpu.memory_space<vmem>>, %arg11: memref<128x128xf32, #tpu.memory_space<vmem>>, %arg12: memref<10240x128xf32, #tpu.memory_space<vmem_shared>>, %arg13: memref<!tpu.dma_semaphore, #tpu.memory_space<semaphore_mem>>, %arg14: memref<!tpu.dma_semaphore, #tpu.memory_space<semaphore_mem>>, %arg15: memref<!tpu.dma_semaphore, #tpu.memory_space<semaphore_mem>>, %arg16: memref<!tpu.dma_semaphore, #tpu.memory_space<semaphore_mem>>) attributes {dimension_semantics = [#tpu.dimension_semantics<core_parallel>, #tpu.dimension_semantics<subcore_parallel>], iteration_bounds = array<i64: 2, 16>, scalar_prefetch = 0 : i64, scratch_operands = 10 : i64, tpu.core_type = #tpu.core_type<sc_vector_subcore>, window_params = [{transform_indices = #map}, {transform_indices = #map1}, {transform_indices = #map2}, {transform_indices = #map}, {transform_indices = #map2}]} {
    "tpu.region"() ({
      %run_scoped3A = tpu.sem_alloc : memref<!tpu.dma_semaphore, #tpu.memory_space<semaphore_mem>>
      %dma_start3A_37 = arith.constant 0 : i32
      %dma_start3A_38 = arith.constant 0 : i32
      %dma_start3A_39 = tpu.memref_slice %arg3[%arg0, %arg1, %dma_start3A_37, %dma_start3A_38] : memref<2x16x80x128xi32, #tpu.memory_space<hbm>> -> memref<1x1x80x128xi32, #tpu.memory_space<hbm>>
      %dma_start3A_40 = tpu.memref_squeeze %dma_start3A_39 : memref<1x1x80x128xi32, #tpu.memory_space<hbm>> -> memref<80x128xi32, #tpu.memory_space<hbm>>
      %dma_start3A_41 = arith.constant 0 : i32
      %dma_start3A_42 = arith.constant 0 : i32
      %dma_start3A_43 = tpu.memref_slice %arg3[%arg0, %arg1, %dma_start3A_41, %dma_start3A_42] : memref<2x16x80x128xi32, #tpu.memory_space<hbm>> -> memref<1x1x80x128xi32, #tpu.memory_space<hbm>>
      %dma_start3A_44 = tpu.memref_squeeze %dma_start3A_43 : memref<1x1x80x128xi32, #tpu.memory_space<hbm>> -> memref<80x128xi32, #tpu.memory_space<hbm>>
      tpu.enqueue_dma source(%dma_start3A_44 : memref<80x128xi32, #tpu.memory_space<hbm>>) target(%arg7 : memref<80x128xi32, #tpu.memory_space<vmem>>) target_semaphore(%run_scoped3A : memref<!tpu.dma_semaphore, #tpu.memory_space<semaphore_mem>>)
      %dma_wait3A = arith.constant 0 : i32
      %dma_wait3A_45 = arith.constant 0 : i32
      %dma_wait3A_46 = tpu.memref_slice %arg3[%arg0, %arg1, %dma_wait3A, %dma_wait3A_45] : memref<2x16x80x128xi32, #tpu.memory_space<hbm>> -> memref<1x1x80x128xi32, #tpu.memory_space<hbm>>
      %dma_wait3A_47 = tpu.memref_squeeze %dma_wait3A_46 : memref<1x1x80x128xi32, #tpu.memory_space<hbm>> -> memref<80x128xi32, #tpu.memory_space<hbm>>
      %dma_wait3A_48 = arith.constant 0 : i32
      %dma_wait3A_49 = arith.constant 0 : i32
      %dma_wait3A_50 = tpu.memref_slice %arg3[%arg0, %arg1, %dma_wait3A_48, %dma_wait3A_49] : memref<2x16x80x128xi32, #tpu.memory_space<hbm>> -> memref<1x1x80x128xi32, #tpu.memory_space<hbm>>
      %dma_wait3A_51 = tpu.memref_squeeze %dma_wait3A_50 : memref<1x1x80x128xi32, #tpu.memory_space<hbm>> -> memref<80x128xi32, #tpu.memory_space<hbm>>
      tpu.wait_dma2 semaphore(%run_scoped3A : memref<!tpu.dma_semaphore, #tpu.memory_space<semaphore_mem>>) src(%dma_wait3A_51 : memref<80x128xi32, #tpu.memory_space<hbm>>) dst(%arg7 : memref<80x128xi32, #tpu.memory_space<vmem>>)
      tpu.yield
    }) : () -> ()
    %mul3A = arith.constant 640 : i32
    %mul3A_0 = arith.muli %arg1, %mul3A : i32
    "tpu.region"() ({
      %run_scoped3A = tpu.sem_alloc : memref<!tpu.dma_semaphore, #tpu.memory_space<semaphore_mem>>
      %dma_start3A_37 = arith.constant 0 : i32
      %dma_start3A_38 = tpu.memref_slice %arg12[%mul3A_0, %dma_start3A_37] : memref<10240x128xf32, #tpu.memory_space<vmem_shared>> -> memref<640x128xf32, #tpu.memory_space<vmem_shared>>
      tpu.enqueue_dma source(%arg5 : memref<640x128xf32, #tpu.memory_space<hbm>>) target(%dma_start3A_38 : memref<640x128xf32, #tpu.memory_space<vmem_shared>>) target_semaphore(%run_scoped3A : memref<!tpu.dma_semaphore, #tpu.memory_space<semaphore_mem>>)
      %dma_wait3A = arith.constant 0 : i32
      %dma_wait3A_39 = tpu.memref_slice %arg12[%mul3A_0, %dma_wait3A] : memref<10240x128xf32, #tpu.memory_space<vmem_shared>> -> memref<640x128xf32, #tpu.memory_space<vmem_shared>>
      tpu.wait_dma2 semaphore(%run_scoped3A : memref<!tpu.dma_semaphore, #tpu.memory_space<semaphore_mem>>) src(%arg5 : memref<640x128xf32, #tpu.memory_space<hbm>>) dst(%dma_wait3A_39 : memref<640x128xf32, #tpu.memory_space<vmem_shared>>)
      tpu.yield
    }) : () -> ()
    %barrier3A = arith.constant 0 : index
    tpu.barrier barrier_id(%barrier3A)
    %dma_start3A = arith.constant 0 : i32
    %dma_start3A_1 = arith.constant 0 : i32
    %dma_start3A_2 = tpu.memref_slice %arg4[%arg1, %dma_start3A, %dma_start3A_1] : memref<16x80x128xi32, #tpu.memory_space<hbm>> -> memref<1x1x128xi32, #tpu.memory_space<hbm>>
    %dma_start3A_3 = tpu.memref_squeeze %dma_start3A_2 : memref<1x1x128xi32, #tpu.memory_space<hbm>> -> memref<128xi32, #tpu.memory_space<hbm>>
    %dma_start3A_4 = arith.constant 0 : i32
    %dma_start3A_5 = tpu.memref_slice %arg4[%arg1, %dma_start3A, %dma_start3A_4] : memref<16x80x128xi32, #tpu.memory_space<hbm>> -> memref<1x1x128xi32, #tpu.memory_space<hbm>>
    %dma_start3A_6 = tpu.memref_squeeze %dma_start3A_5 : memref<1x1x128xi32, #tpu.memory_space<hbm>> -> memref<128xi32, #tpu.memory_space<hbm>>
    tpu.enqueue_dma source(%dma_start3A_6 : memref<128xi32, #tpu.memory_space<hbm>>) target(%arg8 : memref<128xi32, #tpu.memory_space<vmem>>) target_semaphore(%arg15 : memref<!tpu.dma_semaphore, #tpu.memory_space<semaphore_mem>>)
    %dma_start3A_7 = arith.constant 1 : i32
    %dma_start3A_8 = arith.constant 0 : i32
    %dma_start3A_9 = tpu.memref_slice %arg4[%arg1, %dma_start3A_7, %dma_start3A_8] : memref<16x80x128xi32, #tpu.memory_space<hbm>> -> memref<1x1x128xi32, #tpu.memory_space<hbm>>
    %dma_start3A_10 = tpu.memref_squeeze %dma_start3A_9 : memref<1x1x128xi32, #tpu.memory_space<hbm>> -> memref<128xi32, #tpu.memory_space<hbm>>
    %dma_start3A_11 = arith.constant 0 : i32
    %dma_start3A_12 = tpu.memref_slice %arg4[%arg1, %dma_start3A_7, %dma_start3A_11] : memref<16x80x128xi32, #tpu.memory_space<hbm>> -> memref<1x1x128xi32, #tpu.memory_space<hbm>>
    %dma_start3A_13 = tpu.memref_squeeze %dma_start3A_12 : memref<1x1x128xi32, #tpu.memory_space<hbm>> -> memref<128xi32, #tpu.memory_space<hbm>>
    tpu.enqueue_dma source(%dma_start3A_13 : memref<128xi32, #tpu.memory_space<hbm>>) target(%arg9 : memref<128xi32, #tpu.memory_space<vmem>>) target_semaphore(%arg16 : memref<!tpu.dma_semaphore, #tpu.memory_space<semaphore_mem>>)
    %dma_start3A_14 = arith.constant 0 : i32
    %dma_start3A_15 = arith.constant 0 : i32
    %dma_start3A_16 = tpu.memref_slice %arg7[%dma_start3A_14, %dma_start3A_15] : memref<80x128xi32, #tpu.memory_space<vmem>> -> memref<1x128xi32, #tpu.memory_space<vmem>>
    %dma_start3A_17 = tpu.memref_squeeze %dma_start3A_16 : memref<1x128xi32, #tpu.memory_space<vmem>> -> memref<128xi32, #tpu.memory_space<vmem>>
    %dma_start3A_18 = arith.constant 0 : i32
    %dma_start3A_19 = arith.constant 0 : i32
    %dma_start3A_20 = tpu.memref_slice %arg2[%dma_start3A_18, %dma_start3A_19] : memref<20480x128xf32, #tpu.memory_space<hbm>> -> memref<20480x128xf32, #tpu.memory_space<hbm>>
    tpu.enqueue_indirect_dma source(%dma_start3A_20 : memref<20480x128xf32, #tpu.memory_space<hbm>>) target(%arg10 : memref<128x128xf32, #tpu.memory_space<vmem>>) offsets(%dma_start3A_17 : memref<128xi32, #tpu.memory_space<vmem>>) semaphore(%arg13 : memref<!tpu.dma_semaphore, #tpu.memory_space<semaphore_mem>>)
    %dma_start3A_21 = arith.constant 1 : i32
    %dma_start3A_22 = arith.constant 0 : i32
    %dma_start3A_23 = tpu.memref_slice %arg7[%dma_start3A_21, %dma_start3A_22] : memref<80x128xi32, #tpu.memory_space<vmem>> -> memref<1x128xi32, #tpu.memory_space<vmem>>
    %dma_start3A_24 = tpu.memref_squeeze %dma_start3A_23 : memref<1x128xi32, #tpu.memory_space<vmem>> -> memref<128xi32, #tpu.memory_space<vmem>>
    %dma_start3A_25 = arith.constant 0 : i32
    %dma_start3A_26 = arith.constant 0 : i32
    %dma_start3A_27 = tpu.memref_slice %arg2[%dma_start3A_25, %dma_start3A_26] : memref<20480x128xf32, #tpu.memory_space<hbm>> -> memref<20480x128xf32, #tpu.memory_space<hbm>>
    tpu.enqueue_indirect_dma source(%dma_start3A_27 : memref<20480x128xf32, #tpu.memory_space<hbm>>) target(%arg11 : memref<128x128xf32, #tpu.memory_space<vmem>>) offsets(%dma_start3A_24 : memref<128xi32, #tpu.memory_space<vmem>>) semaphore(%arg14 : memref<!tpu.dma_semaphore, #tpu.memory_space<semaphore_mem>>)
    %scan3A = arith.constant 0 : i32
    %scan3A_28 = arith.constant 40 : i32
    %scan3A_29 = arith.addi %scan3A, %scan3A_28 : i32
    %scan3A_30 = arith.constant 1 : i32
    scf.for %scan3A_37 = %scan3A to %scan3A_29 step %scan3A_30  : i32 {
      %mul3A_38 = arith.constant 1 : i32
      %mul3A_39 = arith.muli %scan3A_37, %mul3A_38 : i32
      %add3A = arith.constant 0 : i32
      %add3A_40 = arith.addi %add3A, %mul3A_39 : i32
      %mul3A_41 = arith.constant 2 : i32
      %mul3A_42 = arith.muli %mul3A_41, %add3A_40 : i32
      %add3A_43 = arith.constant 1 : i32
      %add3A_44 = arith.addi %mul3A_42, %add3A_43 : i32
      %dma_wait3A = arith.constant 0 : i32
      %dma_wait3A_45 = tpu.memref_slice %arg7[%mul3A_42, %dma_wait3A] : memref<80x128xi32, #tpu.memory_space<vmem>> -> memref<1x128xi32, #tpu.memory_space<vmem>>
      %dma_wait3A_46 = tpu.memref_squeeze %dma_wait3A_45 : memref<1x128xi32, #tpu.memory_space<vmem>> -> memref<128xi32, #tpu.memory_space<vmem>>
      %dma_wait3A_47 = arith.constant 0 : i32
      %dma_wait3A_48 = arith.constant 0 : i32
      %dma_wait3A_49 = tpu.memref_slice %arg2[%dma_wait3A_47, %dma_wait3A_48] : memref<20480x128xf32, #tpu.memory_space<hbm>> -> memref<20480x128xf32, #tpu.memory_space<hbm>>
      tpu.wait_indirect_dma semaphore(%arg13 : memref<!tpu.dma_semaphore, #tpu.memory_space<semaphore_mem>>) src(%dma_wait3A_49 : memref<20480x128xf32, #tpu.memory_space<hbm>>) dst(%arg10 : memref<128x128xf32, #tpu.memory_space<vmem>>)
      %dma_wait3A_50 = arith.constant 0 : i32
      %dma_wait3A_51 = tpu.memref_slice %arg4[%arg1, %mul3A_42, %dma_wait3A_50] : memref<16x80x128xi32, #tpu.memory_space<hbm>> -> memref<1x1x128xi32, #tpu.memory_space<hbm>>
      %dma_wait3A_52 = tpu.memref_squeeze %dma_wait3A_51 : memref<1x1x128xi32, #tpu.memory_space<hbm>> -> memref<128xi32, #tpu.memory_space<hbm>>
      %dma_wait3A_53 = arith.constant 0 : i32
      %dma_wait3A_54 = tpu.memref_slice %arg4[%arg1, %mul3A_42, %dma_wait3A_53] : memref<16x80x128xi32, #tpu.memory_space<hbm>> -> memref<1x1x128xi32, #tpu.memory_space<hbm>>
      %dma_wait3A_55 = tpu.memref_squeeze %dma_wait3A_54 : memref<1x1x128xi32, #tpu.memory_space<hbm>> -> memref<128xi32, #tpu.memory_space<hbm>>
      tpu.wait_dma2 semaphore(%arg15 : memref<!tpu.dma_semaphore, #tpu.memory_space<semaphore_mem>>) src(%dma_wait3A_55 : memref<128xi32, #tpu.memory_space<hbm>>) dst(%arg8 : memref<128xi32, #tpu.memory_space<vmem>>)
      "tpu.region"() ({
        %run_scoped3A = tpu.sem_alloc : memref<!tpu.dma_semaphore, #tpu.memory_space<semaphore_mem>>
        %dma_start3A_79 = arith.constant 0 : i32
        %dma_start3A_80 = arith.constant 0 : i32
        %dma_start3A_81 = tpu.memref_slice %arg12[%dma_start3A_79, %dma_start3A_80] : memref<10240x128xf32, #tpu.memory_space<vmem_shared>> -> memref<10240x128xf32, #tpu.memory_space<vmem_shared>>
        tpu.enqueue_indirect_dma source(%arg10 : memref<128x128xf32, #tpu.memory_space<vmem>>) target(%dma_start3A_81 : memref<10240x128xf32, #tpu.memory_space<vmem_shared>>) offsets(%arg8 : memref<128xi32, #tpu.memory_space<vmem>>) semaphore(%run_scoped3A : memref<!tpu.dma_semaphore, #tpu.memory_space<semaphore_mem>>) {add = true}
        %dma_wait3A_82 = arith.constant 0 : i32
        %dma_wait3A_83 = arith.constant 0 : i32
        %dma_wait3A_84 = tpu.memref_slice %arg12[%dma_wait3A_82, %dma_wait3A_83] : memref<10240x128xf32, #tpu.memory_space<vmem_shared>> -> memref<10240x128xf32, #tpu.memory_space<vmem_shared>>
        tpu.wait_indirect_dma semaphore(%run_scoped3A : memref<!tpu.dma_semaphore, #tpu.memory_space<semaphore_mem>>) src(%arg10 : memref<128x128xf32, #tpu.memory_space<vmem>>) dst(%dma_wait3A_84 : memref<10240x128xf32, #tpu.memory_space<vmem_shared>>)
        tpu.yield
      }) : () -> ()
      %add3A_56 = arith.constant 2 : i32
      %add3A_57 = arith.addi %mul3A_42, %add3A_56 : i32
      %lt3A = arith.constant 80 : i32
      %lt3A_58 = arith.cmpi slt, %add3A_57, %lt3A : i32
      %convert_element_type3A = arith.extui %lt3A_58 : i1 to i32
      %cond3A = arith.constant 0 : i32
      %cond3A_59 = arith.cmpi ne, %convert_element_type3A, %cond3A : i32
      scf.if %cond3A_59 {
        %add3A_79 = arith.constant 2 : i32
        %add3A_80 = arith.addi %mul3A_42, %add3A_79 : i32
        %dma_start3A_81 = arith.constant 0 : i32
        %dma_start3A_82 = tpu.memref_slice %arg4[%arg1, %add3A_80, %dma_start3A_81] : memref<16x80x128xi32, #tpu.memory_space<hbm>> -> memref<1x1x128xi32, #tpu.memory_space<hbm>>
        %dma_start3A_83 = tpu.memref_squeeze %dma_start3A_82 : memref<1x1x128xi32, #tpu.memory_space<hbm>> -> memref<128xi32, #tpu.memory_space<hbm>>
        %dma_start3A_84 = arith.constant 0 : i32
        %dma_start3A_85 = tpu.memref_slice %arg4[%arg1, %add3A_80, %dma_start3A_84] : memref<16x80x128xi32, #tpu.memory_space<hbm>> -> memref<1x1x128xi32, #tpu.memory_space<hbm>>
        %dma_start3A_86 = tpu.memref_squeeze %dma_start3A_85 : memref<1x1x128xi32, #tpu.memory_space<hbm>> -> memref<128xi32, #tpu.memory_space<hbm>>
        tpu.enqueue_dma source(%dma_start3A_86 : memref<128xi32, #tpu.memory_space<hbm>>) target(%arg8 : memref<128xi32, #tpu.memory_space<vmem>>) target_semaphore(%arg15 : memref<!tpu.dma_semaphore, #tpu.memory_space<semaphore_mem>>)
        %add3A_87 = arith.constant 2 : i32
        %add3A_88 = arith.addi %mul3A_42, %add3A_87 : i32
        %dma_start3A_89 = arith.constant 0 : i32
        %dma_start3A_90 = tpu.memref_slice %arg7[%add3A_88, %dma_start3A_89] : memref<80x128xi32, #tpu.memory_space<vmem>> -> memref<1x128xi32, #tpu.memory_space<vmem>>
        %dma_start3A_91 = tpu.memref_squeeze %dma_start3A_90 : memref<1x128xi32, #tpu.memory_space<vmem>> -> memref<128xi32, #tpu.memory_space<vmem>>
        %dma_start3A_92 = arith.constant 0 : i32
        %dma_start3A_93 = arith.constant 0 : i32
        %dma_start3A_94 = tpu.memref_slice %arg2[%dma_start3A_92, %dma_start3A_93] : memref<20480x128xf32, #tpu.memory_space<hbm>> -> memref<20480x128xf32, #tpu.memory_space<hbm>>
        tpu.enqueue_indirect_dma source(%dma_start3A_94 : memref<20480x128xf32, #tpu.memory_space<hbm>>) target(%arg10 : memref<128x128xf32, #tpu.memory_space<vmem>>) offsets(%dma_start3A_91 : memref<128xi32, #tpu.memory_space<vmem>>) semaphore(%arg13 : memref<!tpu.dma_semaphore, #tpu.memory_space<semaphore_mem>>)
      } else {
      }
      %dma_wait3A_60 = arith.constant 0 : i32
      %dma_wait3A_61 = tpu.memref_slice %arg7[%add3A_44, %dma_wait3A_60] : memref<80x128xi32, #tpu.memory_space<vmem>> -> memref<1x128xi32, #tpu.memory_space<vmem>>
      %dma_wait3A_62 = tpu.memref_squeeze %dma_wait3A_61 : memref<1x128xi32, #tpu.memory_space<vmem>> -> memref<128xi32, #tpu.memory_space<vmem>>
      %dma_wait3A_63 = arith.constant 0 : i32
      %dma_wait3A_64 = arith.constant 0 : i32
      %dma_wait3A_65 = tpu.memref_slice %arg2[%dma_wait3A_63, %dma_wait3A_64] : memref<20480x128xf32, #tpu.memory_space<hbm>> -> memref<20480x128xf32, #tpu.memory_space<hbm>>
      tpu.wait_indirect_dma semaphore(%arg14 : memref<!tpu.dma_semaphore, #tpu.memory_space<semaphore_mem>>) src(%dma_wait3A_65 : memref<20480x128xf32, #tpu.memory_space<hbm>>) dst(%arg11 : memref<128x128xf32, #tpu.memory_space<vmem>>)
      %dma_wait3A_66 = arith.constant 0 : i32
      %dma_wait3A_67 = tpu.memref_slice %arg4[%arg1, %add3A_44, %dma_wait3A_66] : memref<16x80x128xi32, #tpu.memory_space<hbm>> -> memref<1x1x128xi32, #tpu.memory_space<hbm>>
      %dma_wait3A_68 = tpu.memref_squeeze %dma_wait3A_67 : memref<1x1x128xi32, #tpu.memory_space<hbm>> -> memref<128xi32, #tpu.memory_space<hbm>>
      %dma_wait3A_69 = arith.constant 0 : i32
      %dma_wait3A_70 = tpu.memref_slice %arg4[%arg1, %add3A_44, %dma_wait3A_69] : memref<16x80x128xi32, #tpu.memory_space<hbm>> -> memref<1x1x128xi32, #tpu.memory_space<hbm>>
      %dma_wait3A_71 = tpu.memref_squeeze %dma_wait3A_70 : memref<1x1x128xi32, #tpu.memory_space<hbm>> -> memref<128xi32, #tpu.memory_space<hbm>>
      tpu.wait_dma2 semaphore(%arg16 : memref<!tpu.dma_semaphore, #tpu.memory_space<semaphore_mem>>) src(%dma_wait3A_71 : memref<128xi32, #tpu.memory_space<hbm>>) dst(%arg9 : memref<128xi32, #tpu.memory_space<vmem>>)
      "tpu.region"() ({
        %run_scoped3A = tpu.sem_alloc : memref<!tpu.dma_semaphore, #tpu.memory_space<semaphore_mem>>
        %dma_start3A_79 = arith.constant 0 : i32
        %dma_start3A_80 = arith.constant 0 : i32
        %dma_start3A_81 = tpu.memref_slice %arg12[%dma_start3A_79, %dma_start3A_80] : memref<10240x128xf32, #tpu.memory_space<vmem_shared>> -> memref<10240x128xf32, #tpu.memory_space<vmem_shared>>
        tpu.enqueue_indirect_dma source(%arg11 : memref<128x128xf32, #tpu.memory_space<vmem>>) target(%dma_start3A_81 : memref<10240x128xf32, #tpu.memory_space<vmem_shared>>) offsets(%arg9 : memref<128xi32, #tpu.memory_space<vmem>>) semaphore(%run_scoped3A : memref<!tpu.dma_semaphore, #tpu.memory_space<semaphore_mem>>) {add = true}
        %dma_wait3A_82 = arith.constant 0 : i32
        %dma_wait3A_83 = arith.constant 0 : i32
        %dma_wait3A_84 = tpu.memref_slice %arg12[%dma_wait3A_82, %dma_wait3A_83] : memref<10240x128xf32, #tpu.memory_space<vmem_shared>> -> memref<10240x128xf32, #tpu.memory_space<vmem_shared>>
        tpu.wait_indirect_dma semaphore(%run_scoped3A : memref<!tpu.dma_semaphore, #tpu.memory_space<semaphore_mem>>) src(%arg11 : memref<128x128xf32, #tpu.memory_space<vmem>>) dst(%dma_wait3A_84 : memref<10240x128xf32, #tpu.memory_space<vmem_shared>>)
        tpu.yield
      }) : () -> ()
      %add3A_72 = arith.constant 2 : i32
      %add3A_73 = arith.addi %add3A_44, %add3A_72 : i32
      %lt3A_74 = arith.constant 80 : i32
      %lt3A_75 = arith.cmpi slt, %add3A_73, %lt3A_74 : i32
      %convert_element_type3A_76 = arith.extui %lt3A_75 : i1 to i32
      %cond3A_77 = arith.constant 0 : i32
      %cond3A_78 = arith.cmpi ne, %convert_element_type3A_76, %cond3A_77 : i32
      scf.if %cond3A_78 {
        %add3A_79 = arith.constant 2 : i32
        %add3A_80 = arith.addi %add3A_44, %add3A_79 : i32
        %dma_start3A_81 = arith.constant 0 : i32
        %dma_start3A_82 = tpu.memref_slice %arg4[%arg1, %add3A_80, %dma_start3A_81] : memref<16x80x128xi32, #tpu.memory_space<hbm>> -> memref<1x1x128xi32, #tpu.memory_space<hbm>>
        %dma_start3A_83 = tpu.memref_squeeze %dma_start3A_82 : memref<1x1x128xi32, #tpu.memory_space<hbm>> -> memref<128xi32, #tpu.memory_space<hbm>>
        %dma_start3A_84 = arith.constant 0 : i32
        %dma_start3A_85 = tpu.memref_slice %arg4[%arg1, %add3A_80, %dma_start3A_84] : memref<16x80x128xi32, #tpu.memory_space<hbm>> -> memref<1x1x128xi32, #tpu.memory_space<hbm>>
        %dma_start3A_86 = tpu.memref_squeeze %dma_start3A_85 : memref<1x1x128xi32, #tpu.memory_space<hbm>> -> memref<128xi32, #tpu.memory_space<hbm>>
        tpu.enqueue_dma source(%dma_start3A_86 : memref<128xi32, #tpu.memory_space<hbm>>) target(%arg9 : memref<128xi32, #tpu.memory_space<vmem>>) target_semaphore(%arg16 : memref<!tpu.dma_semaphore, #tpu.memory_space<semaphore_mem>>)
        %add3A_87 = arith.constant 2 : i32
        %add3A_88 = arith.addi %add3A_44, %add3A_87 : i32
        %dma_start3A_89 = arith.constant 0 : i32
        %dma_start3A_90 = tpu.memref_slice %arg7[%add3A_88, %dma_start3A_89] : memref<80x128xi32, #tpu.memory_space<vmem>> -> memref<1x128xi32, #tpu.memory_space<vmem>>
        %dma_start3A_91 = tpu.memref_squeeze %dma_start3A_90 : memref<1x128xi32, #tpu.memory_space<vmem>> -> memref<128xi32, #tpu.memory_space<vmem>>
        %dma_start3A_92 = arith.constant 0 : i32
        %dma_start3A_93 = arith.constant 0 : i32
        %dma_start3A_94 = tpu.memref_slice %arg2[%dma_start3A_92, %dma_start3A_93] : memref<20480x128xf32, #tpu.memory_space<hbm>> -> memref<20480x128xf32, #tpu.memory_space<hbm>>
        tpu.enqueue_indirect_dma source(%dma_start3A_94 : memref<20480x128xf32, #tpu.memory_space<hbm>>) target(%arg11 : memref<128x128xf32, #tpu.memory_space<vmem>>) offsets(%dma_start3A_91 : memref<128xi32, #tpu.memory_space<vmem>>) semaphore(%arg14 : memref<!tpu.dma_semaphore, #tpu.memory_space<semaphore_mem>>)
      } else {
      }
    }
    %scan3A_31 = arith.constant 40 : i32
    %barrier3A_32 = arith.constant 0 : index
    tpu.barrier barrier_id(%barrier3A_32)
    %mul3A_33 = arith.constant 640 : i32
    %mul3A_34 = arith.muli %arg1, %mul3A_33 : i32
    %mul3A_35 = arith.constant 640 : i32
    %mul3A_36 = arith.muli %arg1, %mul3A_35 : i32
    "tpu.region"() ({
      %run_scoped3A = tpu.sem_alloc : memref<!tpu.dma_semaphore, #tpu.memory_space<semaphore_mem>>
      %dma_start3A_37 = arith.constant 0 : i32
      %dma_start3A_38 = tpu.memref_slice %arg6[%arg0, %mul3A_36, %dma_start3A_37] : memref<2x10240x128xf32, #tpu.memory_space<hbm>> -> memref<1x640x128xf32, #tpu.memory_space<hbm>>
      %dma_start3A_39 = tpu.memref_squeeze %dma_start3A_38 : memref<1x640x128xf32, #tpu.memory_space<hbm>> -> memref<640x128xf32, #tpu.memory_space<hbm>>
      %dma_start3A_40 = arith.constant 0 : i32
      %dma_start3A_41 = tpu.memref_slice %arg12[%mul3A_34, %dma_start3A_40] : memref<10240x128xf32, #tpu.memory_space<vmem_shared>> -> memref<640x128xf32, #tpu.memory_space<vmem_shared>>
      tpu.enqueue_dma source(%dma_start3A_41 : memref<640x128xf32, #tpu.memory_space<vmem_shared>>) target(%dma_start3A_39 : memref<640x128xf32, #tpu.memory_space<hbm>>) target_semaphore(%run_scoped3A : memref<!tpu.dma_semaphore, #tpu.memory_space<semaphore_mem>>)
      %dma_wait3A = arith.constant 0 : i32
      %dma_wait3A_42 = tpu.memref_slice %arg6[%arg0, %mul3A_36, %dma_wait3A] : memref<2x10240x128xf32, #tpu.memory_space<hbm>> -> memref<1x640x128xf32, #tpu.memory_space<hbm>>
      %dma_wait3A_43 = tpu.memref_squeeze %dma_wait3A_42 : memref<1x640x128xf32, #tpu.memory_space<hbm>> -> memref<640x128xf32, #tpu.memory_space<hbm>>
      %dma_wait3A_44 = arith.constant 0 : i32
      %dma_wait3A_45 = tpu.memref_slice %arg12[%mul3A_34, %dma_wait3A_44] : memref<10240x128xf32, #tpu.memory_space<vmem_shared>> -> memref<640x128xf32, #tpu.memory_space<vmem_shared>>
      tpu.wait_dma2 semaphore(%run_scoped3A : memref<!tpu.dma_semaphore, #tpu.memory_space<semaphore_mem>>) src(%dma_wait3A_45 : memref<640x128xf32, #tpu.memory_space<vmem_shared>>) dst(%dma_wait3A_43 : memref<640x128xf32, #tpu.memory_space<hbm>>)
      tpu.yield
    }) : () -> ()
    return
  }
}

#map = affine_map<(d0, d1) -> (0)>
#map1 = affine_map<(d0, d1) -> (0, 0)>
#map2 = affine_map<(d0, d1) -> (0, 0, 0)>
module attributes {stable_mosaic.version = 14 : i64} {
  func.func @_deg_body(%arg0: i32, %arg1: i32, %arg2: memref<320000xi32, #tpu.memory_space<hbm>>, %arg3: memref<640x16xf32, #tpu.memory_space<hbm>>, %arg4: memref<2x10240x16xf32, #tpu.memory_space<hbm>>, %arg5: memref<200xi32, #tpu.memory_space<vmem>>, %arg6: memref<200x16xf32, #tpu.memory_space<vmem>>, %arg7: memref<10240x16xf32, #tpu.memory_space<vmem_shared>>, %arg8: memref<!tpu.dma_semaphore, #tpu.memory_space<semaphore_mem>>) attributes {dimension_semantics = [#tpu.dimension_semantics<core_parallel>, #tpu.dimension_semantics<subcore_parallel>], iteration_bounds = array<i64: 2, 16>, scalar_prefetch = 0 : i64, scratch_operands = 4 : i64, tpu.core_type = #tpu.core_type<sc_vector_subcore>, window_params = [{transform_indices = #map}, {transform_indices = #map1}, {transform_indices = #map2}]} {
    %scan3A = arith.constant 0 : i32
    %scan3A_0 = arith.constant 200 : i32
    %scan3A_1 = arith.addi %scan3A, %scan3A_0 : i32
    %scan3A_2 = arith.constant 1 : i32
    scf.for %scan3A_19 = %scan3A to %scan3A_1 step %scan3A_2  : i32 {
      %mul3A_20 = arith.constant 1 : i32
      %mul3A_21 = arith.muli %scan3A_19, %mul3A_20 : i32
      %add3A_22 = arith.constant 0 : i32
      %add3A_23 = arith.addi %add3A_22, %mul3A_21 : i32
      %broadcast_in_dim3A = arith.constant 1.000000e+00 : f32
      %broadcast_in_dim3A_24 = vector.broadcast %broadcast_in_dim3A : f32 to vector<16xf32>
      %swap3A = arith.index_cast %add3A_23 : i32 to index
      %swap3A_25 = arith.constant 0 : index
      %swap3A_26 = tpu.vector_load %arg6[%swap3A, %swap3A_25] {strides = array<i32>} : memref<200x16xf32, #tpu.memory_space<vmem>>, vector<1x16xf32>,
      %swap3A_27 = vector.shape_cast %swap3A_26 : vector<1x16xf32> to vector<16xf32>
      %swap3A_28 = vector.shape_cast %broadcast_in_dim3A_24 : vector<16xf32> to vector<1x16xf32>
      tpu.vector_store %arg6[%swap3A, %swap3A_25], %swap3A_28 {strides = array<i32>} : memref<200x16xf32, #tpu.memory_space<vmem>>, vector<1x16xf32>,
    }
    %scan3A_3 = arith.constant 200 : i32
    %mul3A = arith.constant 640 : i32
    %mul3A_4 = arith.muli %arg1, %mul3A : i32
    "tpu.region"() ({
      %run_scoped3A = tpu.sem_alloc : memref<!tpu.dma_semaphore, #tpu.memory_space<semaphore_mem>>
      %dma_start3A = arith.constant 0 : i32
      %dma_start3A_19 = tpu.memref_slice %arg7[%mul3A_4, %dma_start3A] : memref<10240x16xf32, #tpu.memory_space<vmem_shared>> -> memref<640x16xf32, #tpu.memory_space<vmem_shared>>
      tpu.enqueue_dma source(%arg3 : memref<640x16xf32, #tpu.memory_space<hbm>>) target(%dma_start3A_19 : memref<640x16xf32, #tpu.memory_space<vmem_shared>>) target_semaphore(%run_scoped3A : memref<!tpu.dma_semaphore, #tpu.memory_space<semaphore_mem>>)
      %dma_wait3A = arith.constant 0 : i32
      %dma_wait3A_20 = tpu.memref_slice %arg7[%mul3A_4, %dma_wait3A] : memref<10240x16xf32, #tpu.memory_space<vmem_shared>> -> memref<640x16xf32, #tpu.memory_space<vmem_shared>>
      tpu.wait_dma2 semaphore(%run_scoped3A : memref<!tpu.dma_semaphore, #tpu.memory_space<semaphore_mem>>) src(%arg3 : memref<640x16xf32, #tpu.memory_space<hbm>>) dst(%dma_wait3A_20 : memref<640x16xf32, #tpu.memory_space<vmem_shared>>)
      tpu.yield
    }) : () -> ()
    %barrier3A = arith.constant 0 : index
    tpu.barrier barrier_id(%barrier3A)
    %mul3A_5 = arith.constant 160000 : i32
    %mul3A_6 = arith.muli %arg0, %mul3A_5 : i32
    %mul3A_7 = arith.constant 10000 : i32
    %mul3A_8 = arith.muli %arg1, %mul3A_7 : i32
    %add3A = arith.addi %mul3A_6, %mul3A_8 : i32
    %scan3A_9 = arith.constant 0 : i32
    %scan3A_10 = arith.constant 50 : i32
    %scan3A_11 = arith.addi %scan3A_9, %scan3A_10 : i32
    %scan3A_12 = arith.constant 1 : i32
    scf.for %scan3A_19 = %scan3A_9 to %scan3A_11 step %scan3A_12  : i32 {
      %mul3A_20 = arith.constant 1 : i32
      %mul3A_21 = arith.muli %scan3A_19, %mul3A_20 : i32
      %add3A_22 = arith.constant 0 : i32
      %add3A_23 = arith.addi %add3A_22, %mul3A_21 : i32
      %mul3A_24 = arith.constant 200 : i32
      %mul3A_25 = arith.muli %add3A_23, %mul3A_24 : i32
      %add3A_26 = arith.addi %add3A, %mul3A_25 : i32
      "tpu.region"() ({
        %run_scoped3A = tpu.sem_alloc : memref<!tpu.dma_semaphore, #tpu.memory_space<semaphore_mem>>
        %dma_start3A = tpu.memref_slice %arg2[%add3A_26] : memref<320000xi32, #tpu.memory_space<hbm>> -> memref<200xi32, #tpu.memory_space<hbm>>
        %dma_start3A_27 = tpu.memref_slice %arg2[%add3A_26] : memref<320000xi32, #tpu.memory_space<hbm>> -> memref<200xi32, #tpu.memory_space<hbm>>
        tpu.enqueue_dma source(%dma_start3A_27 : memref<200xi32, #tpu.memory_space<hbm>>) target(%arg5 : memref<200xi32, #tpu.memory_space<vmem>>) target_semaphore(%run_scoped3A : memref<!tpu.dma_semaphore, #tpu.memory_space<semaphore_mem>>)
        %dma_wait3A = tpu.memref_slice %arg2[%add3A_26] : memref<320000xi32, #tpu.memory_space<hbm>> -> memref<200xi32, #tpu.memory_space<hbm>>
        %dma_wait3A_28 = tpu.memref_slice %arg2[%add3A_26] : memref<320000xi32, #tpu.memory_space<hbm>> -> memref<200xi32, #tpu.memory_space<hbm>>
        tpu.wait_dma2 semaphore(%run_scoped3A : memref<!tpu.dma_semaphore, #tpu.memory_space<semaphore_mem>>) src(%dma_wait3A_28 : memref<200xi32, #tpu.memory_space<hbm>>) dst(%arg5 : memref<200xi32, #tpu.memory_space<vmem>>)
        tpu.yield
      }) : () -> ()
      "tpu.region"() ({
        %run_scoped3A = tpu.sem_alloc : memref<!tpu.dma_semaphore, #tpu.memory_space<semaphore_mem>>
        %dma_start3A = arith.constant 0 : i32
        %dma_start3A_27 = arith.constant 0 : i32
        %dma_start3A_28 = tpu.memref_slice %arg7[%dma_start3A, %dma_start3A_27] : memref<10240x16xf32, #tpu.memory_space<vmem_shared>> -> memref<10240x16xf32, #tpu.memory_space<vmem_shared>>
        tpu.enqueue_indirect_dma source(%arg6 : memref<200x16xf32, #tpu.memory_space<vmem>>) target(%dma_start3A_28 : memref<10240x16xf32, #tpu.memory_space<vmem_shared>>) offsets(%arg5 : memref<200xi32, #tpu.memory_space<vmem>>) semaphore(%run_scoped3A : memref<!tpu.dma_semaphore, #tpu.memory_space<semaphore_mem>>) {add = true}
        %dma_wait3A = arith.constant 0 : i32
        %dma_wait3A_29 = arith.constant 0 : i32
        %dma_wait3A_30 = tpu.memref_slice %arg7[%dma_wait3A, %dma_wait3A_29] : memref<10240x16xf32, #tpu.memory_space<vmem_shared>> -> memref<10240x16xf32, #tpu.memory_space<vmem_shared>>
        tpu.wait_indirect_dma semaphore(%run_scoped3A : memref<!tpu.dma_semaphore, #tpu.memory_space<semaphore_mem>>) src(%arg6 : memref<200x16xf32, #tpu.memory_space<vmem>>) dst(%dma_wait3A_30 : memref<10240x16xf32, #tpu.memory_space<vmem_shared>>)
        tpu.yield
      }) : () -> ()
    }
    %scan3A_13 = arith.constant 50 : i32
    %barrier3A_14 = arith.constant 0 : index
    tpu.barrier barrier_id(%barrier3A_14)
    %mul3A_15 = arith.constant 640 : i32
    %mul3A_16 = arith.muli %arg1, %mul3A_15 : i32
    %mul3A_17 = arith.constant 640 : i32
    %mul3A_18 = arith.muli %arg1, %mul3A_17 : i32
    "tpu.region"() ({
      %run_scoped3A = tpu.sem_alloc : memref<!tpu.dma_semaphore, #tpu.memory_space<semaphore_mem>>
      %dma_start3A = arith.constant 0 : i32
      %dma_start3A_19 = tpu.memref_slice %arg4[%arg0, %mul3A_18, %dma_start3A] : memref<2x10240x16xf32, #tpu.memory_space<hbm>> -> memref<1x640x16xf32, #tpu.memory_space<hbm>>
      %dma_start3A_20 = tpu.memref_squeeze %dma_start3A_19 : memref<1x640x16xf32, #tpu.memory_space<hbm>> -> memref<640x16xf32, #tpu.memory_space<hbm>>
      %dma_start3A_21 = arith.constant 0 : i32
      %dma_start3A_22 = tpu.memref_slice %arg7[%mul3A_16, %dma_start3A_21] : memref<10240x16xf32, #tpu.memory_space<vmem_shared>> -> memref<640x16xf32, #tpu.memory_space<vmem_shared>>
      tpu.enqueue_dma source(%dma_start3A_22 : memref<640x16xf32, #tpu.memory_space<vmem_shared>>) target(%dma_start3A_20 : memref<640x16xf32, #tpu.memory_space<hbm>>) target_semaphore(%run_scoped3A : memref<!tpu.dma_semaphore, #tpu.memory_space<semaphore_mem>>)
      %dma_wait3A = arith.constant 0 : i32
      %dma_wait3A_23 = tpu.memref_slice %arg4[%arg0, %mul3A_18, %dma_wait3A] : memref<2x10240x16xf32, #tpu.memory_space<hbm>> -> memref<1x640x16xf32, #tpu.memory_space<hbm>>
      %dma_wait3A_24 = tpu.memref_squeeze %dma_wait3A_23 : memref<1x640x16xf32, #tpu.memory_space<hbm>> -> memref<640x16xf32, #tpu.memory_space<hbm>>
      %dma_wait3A_25 = arith.constant 0 : i32
      %dma_wait3A_26 = tpu.memref_slice %arg7[%mul3A_16, %dma_wait3A_25] : memref<10240x16xf32, #tpu.memory_space<vmem_shared>> -> memref<640x16xf32, #tpu.memory_space<vmem_shared>>
      tpu.wait_dma2 semaphore(%run_scoped3A : memref<!tpu.dma_semaphore, #tpu.memory_space<semaphore_mem>>) src(%dma_wait3A_26 : memref<640x16xf32, #tpu.memory_space<vmem_shared>>) dst(%dma_wait3A_24 : memref<640x16xf32, #tpu.memory_space<hbm>>)
      tpu.yield
    }) : () -> ()
    return
  }
}

#map = affine_map<(d0, d1) -> (0, 0)>
#map1 = affine_map<(d0, d1) -> (0, 0, 0, 0)>
#map2 = affine_map<(d0, d1) -> (0, 0, 0)>
module attributes {stable_mosaic.version = 14 : i64} {
  func.func @_agg_body(%arg0: i32, %arg1: i32, %arg2: memref<20480x128xf32, #tpu.memory_space<hbm>>, %arg3: memref<2x16x80x128xi32, #tpu.memory_space<hbm>>, %arg4: memref<16x80x128xi32, #tpu.memory_space<hbm>>, %arg5: memref<640x128xf32, #tpu.memory_space<hbm>>, %arg6: memref<2x10240x128xf32, #tpu.memory_space<hbm>>, %arg7: memref<80x128xi32, #tpu.memory_space<vmem>>, %arg8: memref<128xi32, #tpu.memory_space<vmem>>, %arg9: memref<128xi32, #tpu.memory_space<vmem>>, %arg10: memref<128x128xf32, #tpu.memory_space<vmem>>, %arg11: memref<128x128xf32, #tpu.memory_space<vmem>>, %arg12: memref<10240x128xf32, #tpu.memory_space<vmem_shared>>, %arg13: memref<!tpu.dma_semaphore, #tpu.memory_space<semaphore_mem>>, %arg14: memref<!tpu.dma_semaphore, #tpu.memory_space<semaphore_mem>>, %arg15: memref<!tpu.dma_semaphore, #tpu.memory_space<semaphore_mem>>, %arg16: memref<!tpu.dma_semaphore, #tpu.memory_space<semaphore_mem>>) attributes {dimension_semantics = [#tpu.dimension_semantics<core_parallel>, #tpu.dimension_semantics<subcore_parallel>], iteration_bounds = array<i64: 2, 16>, scalar_prefetch = 0 : i64, scratch_operands = 10 : i64, tpu.core_type = #tpu.core_type<sc_vector_subcore>, window_params = [{transform_indices = #map}, {transform_indices = #map1}, {transform_indices = #map2}, {transform_indices = #map}, {transform_indices = #map2}]} {
    "tpu.region"() ({
      %run_scoped3A = tpu.sem_alloc : memref<!tpu.dma_semaphore, #tpu.memory_space<semaphore_mem>>
      %dma_start3A_37 = arith.constant 0 : i32
      %dma_start3A_38 = arith.constant 0 : i32
      %dma_start3A_39 = tpu.memref_slice %arg3[%arg0, %arg1, %dma_start3A_37, %dma_start3A_38] : memref<2x16x80x128xi32, #tpu.memory_space<hbm>> -> memref<1x1x80x128xi32, #tpu.memory_space<hbm>>
      %dma_start3A_40 = tpu.memref_squeeze %dma_start3A_39 : memref<1x1x80x128xi32, #tpu.memory_space<hbm>> -> memref<80x128xi32, #tpu.memory_space<hbm>>
      %dma_start3A_41 = arith.constant 0 : i32
      %dma_start3A_42 = arith.constant 0 : i32
      %dma_start3A_43 = tpu.memref_slice %arg3[%arg0, %arg1, %dma_start3A_41, %dma_start3A_42] : memref<2x16x80x128xi32, #tpu.memory_space<hbm>> -> memref<1x1x80x128xi32, #tpu.memory_space<hbm>>
      %dma_start3A_44 = tpu.memref_squeeze %dma_start3A_43 : memref<1x1x80x128xi32, #tpu.memory_space<hbm>> -> memref<80x128xi32, #tpu.memory_space<hbm>>
      tpu.enqueue_dma source(%dma_start3A_44 : memref<80x128xi32, #tpu.memory_space<hbm>>) target(%arg7 : memref<80x128xi32, #tpu.memory_space<vmem>>) target_semaphore(%run_scoped3A : memref<!tpu.dma_semaphore, #tpu.memory_space<semaphore_mem>>)
      %dma_wait3A = arith.constant 0 : i32
      %dma_wait3A_45 = arith.constant 0 : i32
      %dma_wait3A_46 = tpu.memref_slice %arg3[%arg0, %arg1, %dma_wait3A, %dma_wait3A_45] : memref<2x16x80x128xi32, #tpu.memory_space<hbm>> -> memref<1x1x80x128xi32, #tpu.memory_space<hbm>>
      %dma_wait3A_47 = tpu.memref_squeeze %dma_wait3A_46 : memref<1x1x80x128xi32, #tpu.memory_space<hbm>> -> memref<80x128xi32, #tpu.memory_space<hbm>>
      %dma_wait3A_48 = arith.constant 0 : i32
      %dma_wait3A_49 = arith.constant 0 : i32
      %dma_wait3A_50 = tpu.memref_slice %arg3[%arg0, %arg1, %dma_wait3A_48, %dma_wait3A_49] : memref<2x16x80x128xi32, #tpu.memory_space<hbm>> -> memref<1x1x80x128xi32, #tpu.memory_space<hbm>>
      %dma_wait3A_51 = tpu.memref_squeeze %dma_wait3A_50 : memref<1x1x80x128xi32, #tpu.memory_space<hbm>> -> memref<80x128xi32, #tpu.memory_space<hbm>>
      tpu.wait_dma2 semaphore(%run_scoped3A : memref<!tpu.dma_semaphore, #tpu.memory_space<semaphore_mem>>) src(%dma_wait3A_51 : memref<80x128xi32, #tpu.memory_space<hbm>>) dst(%arg7 : memref<80x128xi32, #tpu.memory_space<vmem>>)
      tpu.yield
    }) : () -> ()
    %mul3A = arith.constant 640 : i32
    %mul3A_0 = arith.muli %arg1, %mul3A : i32
    "tpu.region"() ({
      %run_scoped3A = tpu.sem_alloc : memref<!tpu.dma_semaphore, #tpu.memory_space<semaphore_mem>>
      %dma_start3A_37 = arith.constant 0 : i32
      %dma_start3A_38 = tpu.memref_slice %arg12[%mul3A_0, %dma_start3A_37] : memref<10240x128xf32, #tpu.memory_space<vmem_shared>> -> memref<640x128xf32, #tpu.memory_space<vmem_shared>>
      tpu.enqueue_dma source(%arg5 : memref<640x128xf32, #tpu.memory_space<hbm>>) target(%dma_start3A_38 : memref<640x128xf32, #tpu.memory_space<vmem_shared>>) target_semaphore(%run_scoped3A : memref<!tpu.dma_semaphore, #tpu.memory_space<semaphore_mem>>)
      %dma_wait3A = arith.constant 0 : i32
      %dma_wait3A_39 = tpu.memref_slice %arg12[%mul3A_0, %dma_wait3A] : memref<10240x128xf32, #tpu.memory_space<vmem_shared>> -> memref<640x128xf32, #tpu.memory_space<vmem_shared>>
      tpu.wait_dma2 semaphore(%run_scoped3A : memref<!tpu.dma_semaphore, #tpu.memory_space<semaphore_mem>>) src(%arg5 : memref<640x128xf32, #tpu.memory_space<hbm>>) dst(%dma_wait3A_39 : memref<640x128xf32, #tpu.memory_space<vmem_shared>>)
      tpu.yield
    }) : () -> ()
    %barrier3A = arith.constant 0 : index
    tpu.barrier barrier_id(%barrier3A)
    %dma_start3A = arith.constant 0 : i32
    %dma_start3A_1 = arith.constant 0 : i32
    %dma_start3A_2 = tpu.memref_slice %arg4[%arg1, %dma_start3A, %dma_start3A_1] : memref<16x80x128xi32, #tpu.memory_space<hbm>> -> memref<1x1x128xi32, #tpu.memory_space<hbm>>
    %dma_start3A_3 = tpu.memref_squeeze %dma_start3A_2 : memref<1x1x128xi32, #tpu.memory_space<hbm>> -> memref<128xi32, #tpu.memory_space<hbm>>
    %dma_start3A_4 = arith.constant 0 : i32
    %dma_start3A_5 = tpu.memref_slice %arg4[%arg1, %dma_start3A, %dma_start3A_4] : memref<16x80x128xi32, #tpu.memory_space<hbm>> -> memref<1x1x128xi32, #tpu.memory_space<hbm>>
    %dma_start3A_6 = tpu.memref_squeeze %dma_start3A_5 : memref<1x1x128xi32, #tpu.memory_space<hbm>> -> memref<128xi32, #tpu.memory_space<hbm>>
    tpu.enqueue_dma source(%dma_start3A_6 : memref<128xi32, #tpu.memory_space<hbm>>) target(%arg8 : memref<128xi32, #tpu.memory_space<vmem>>) target_semaphore(%arg15 : memref<!tpu.dma_semaphore, #tpu.memory_space<semaphore_mem>>)
    %dma_start3A_7 = arith.constant 1 : i32
    %dma_start3A_8 = arith.constant 0 : i32
    %dma_start3A_9 = tpu.memref_slice %arg4[%arg1, %dma_start3A_7, %dma_start3A_8] : memref<16x80x128xi32, #tpu.memory_space<hbm>> -> memref<1x1x128xi32, #tpu.memory_space<hbm>>
    %dma_start3A_10 = tpu.memref_squeeze %dma_start3A_9 : memref<1x1x128xi32, #tpu.memory_space<hbm>> -> memref<128xi32, #tpu.memory_space<hbm>>
    %dma_start3A_11 = arith.constant 0 : i32
    %dma_start3A_12 = tpu.memref_slice %arg4[%arg1, %dma_start3A_7, %dma_start3A_11] : memref<16x80x128xi32, #tpu.memory_space<hbm>> -> memref<1x1x128xi32, #tpu.memory_space<hbm>>
    %dma_start3A_13 = tpu.memref_squeeze %dma_start3A_12 : memref<1x1x128xi32, #tpu.memory_space<hbm>> -> memref<128xi32, #tpu.memory_space<hbm>>
    tpu.enqueue_dma source(%dma_start3A_13 : memref<128xi32, #tpu.memory_space<hbm>>) target(%arg9 : memref<128xi32, #tpu.memory_space<vmem>>) target_semaphore(%arg16 : memref<!tpu.dma_semaphore, #tpu.memory_space<semaphore_mem>>)
    %dma_start3A_14 = arith.constant 0 : i32
    %dma_start3A_15 = arith.constant 0 : i32
    %dma_start3A_16 = tpu.memref_slice %arg7[%dma_start3A_14, %dma_start3A_15] : memref<80x128xi32, #tpu.memory_space<vmem>> -> memref<1x128xi32, #tpu.memory_space<vmem>>
    %dma_start3A_17 = tpu.memref_squeeze %dma_start3A_16 : memref<1x128xi32, #tpu.memory_space<vmem>> -> memref<128xi32, #tpu.memory_space<vmem>>
    %dma_start3A_18 = arith.constant 0 : i32
    %dma_start3A_19 = arith.constant 0 : i32
    %dma_start3A_20 = tpu.memref_slice %arg2[%dma_start3A_18, %dma_start3A_19] : memref<20480x128xf32, #tpu.memory_space<hbm>> -> memref<20480x128xf32, #tpu.memory_space<hbm>>
    tpu.enqueue_indirect_dma source(%dma_start3A_20 : memref<20480x128xf32, #tpu.memory_space<hbm>>) target(%arg10 : memref<128x128xf32, #tpu.memory_space<vmem>>) offsets(%dma_start3A_17 : memref<128xi32, #tpu.memory_space<vmem>>) semaphore(%arg13 : memref<!tpu.dma_semaphore, #tpu.memory_space<semaphore_mem>>)
    %dma_start3A_21 = arith.constant 1 : i32
    %dma_start3A_22 = arith.constant 0 : i32
    %dma_start3A_23 = tpu.memref_slice %arg7[%dma_start3A_21, %dma_start3A_22] : memref<80x128xi32, #tpu.memory_space<vmem>> -> memref<1x128xi32, #tpu.memory_space<vmem>>
    %dma_start3A_24 = tpu.memref_squeeze %dma_start3A_23 : memref<1x128xi32, #tpu.memory_space<vmem>> -> memref<128xi32, #tpu.memory_space<vmem>>
    %dma_start3A_25 = arith.constant 0 : i32
    %dma_start3A_26 = arith.constant 0 : i32
    %dma_start3A_27 = tpu.memref_slice %arg2[%dma_start3A_25, %dma_start3A_26] : memref<20480x128xf32, #tpu.memory_space<hbm>> -> memref<20480x128xf32, #tpu.memory_space<hbm>>
    tpu.enqueue_indirect_dma source(%dma_start3A_27 : memref<20480x128xf32, #tpu.memory_space<hbm>>) target(%arg11 : memref<128x128xf32, #tpu.memory_space<vmem>>) offsets(%dma_start3A_24 : memref<128xi32, #tpu.memory_space<vmem>>) semaphore(%arg14 : memref<!tpu.dma_semaphore, #tpu.memory_space<semaphore_mem>>)
    %scan3A = arith.constant 0 : i32
    %scan3A_28 = arith.constant 40 : i32
    %scan3A_29 = arith.addi %scan3A, %scan3A_28 : i32
    %scan3A_30 = arith.constant 1 : i32
    scf.for %scan3A_37 = %scan3A to %scan3A_29 step %scan3A_30  : i32 {
      %mul3A_38 = arith.constant 1 : i32
      %mul3A_39 = arith.muli %scan3A_37, %mul3A_38 : i32
      %add3A = arith.constant 0 : i32
      %add3A_40 = arith.addi %add3A, %mul3A_39 : i32
      %mul3A_41 = arith.constant 2 : i32
      %mul3A_42 = arith.muli %mul3A_41, %add3A_40 : i32
      %add3A_43 = arith.constant 1 : i32
      %add3A_44 = arith.addi %mul3A_42, %add3A_43 : i32
      %dma_wait3A = arith.constant 0 : i32
      %dma_wait3A_45 = tpu.memref_slice %arg7[%mul3A_42, %dma_wait3A] : memref<80x128xi32, #tpu.memory_space<vmem>> -> memref<1x128xi32, #tpu.memory_space<vmem>>
      %dma_wait3A_46 = tpu.memref_squeeze %dma_wait3A_45 : memref<1x128xi32, #tpu.memory_space<vmem>> -> memref<128xi32, #tpu.memory_space<vmem>>
      %dma_wait3A_47 = arith.constant 0 : i32
      %dma_wait3A_48 = arith.constant 0 : i32
      %dma_wait3A_49 = tpu.memref_slice %arg2[%dma_wait3A_47, %dma_wait3A_48] : memref<20480x128xf32, #tpu.memory_space<hbm>> -> memref<20480x128xf32, #tpu.memory_space<hbm>>
      tpu.wait_indirect_dma semaphore(%arg13 : memref<!tpu.dma_semaphore, #tpu.memory_space<semaphore_mem>>) src(%dma_wait3A_49 : memref<20480x128xf32, #tpu.memory_space<hbm>>) dst(%arg10 : memref<128x128xf32, #tpu.memory_space<vmem>>)
      %dma_wait3A_50 = arith.constant 0 : i32
      %dma_wait3A_51 = tpu.memref_slice %arg4[%arg1, %mul3A_42, %dma_wait3A_50] : memref<16x80x128xi32, #tpu.memory_space<hbm>> -> memref<1x1x128xi32, #tpu.memory_space<hbm>>
      %dma_wait3A_52 = tpu.memref_squeeze %dma_wait3A_51 : memref<1x1x128xi32, #tpu.memory_space<hbm>> -> memref<128xi32, #tpu.memory_space<hbm>>
      %dma_wait3A_53 = arith.constant 0 : i32
      %dma_wait3A_54 = tpu.memref_slice %arg4[%arg1, %mul3A_42, %dma_wait3A_53] : memref<16x80x128xi32, #tpu.memory_space<hbm>> -> memref<1x1x128xi32, #tpu.memory_space<hbm>>
      %dma_wait3A_55 = tpu.memref_squeeze %dma_wait3A_54 : memref<1x1x128xi32, #tpu.memory_space<hbm>> -> memref<128xi32, #tpu.memory_space<hbm>>
      tpu.wait_dma2 semaphore(%arg15 : memref<!tpu.dma_semaphore, #tpu.memory_space<semaphore_mem>>) src(%dma_wait3A_55 : memref<128xi32, #tpu.memory_space<hbm>>) dst(%arg8 : memref<128xi32, #tpu.memory_space<vmem>>)
      "tpu.region"() ({
        %run_scoped3A = tpu.sem_alloc : memref<!tpu.dma_semaphore, #tpu.memory_space<semaphore_mem>>
        %dma_start3A_79 = arith.constant 0 : i32
        %dma_start3A_80 = arith.constant 0 : i32
        %dma_start3A_81 = tpu.memref_slice %arg12[%dma_start3A_79, %dma_start3A_80] : memref<10240x128xf32, #tpu.memory_space<vmem_shared>> -> memref<10240x128xf32, #tpu.memory_space<vmem_shared>>
        tpu.enqueue_indirect_dma source(%arg10 : memref<128x128xf32, #tpu.memory_space<vmem>>) target(%dma_start3A_81 : memref<10240x128xf32, #tpu.memory_space<vmem_shared>>) offsets(%arg8 : memref<128xi32, #tpu.memory_space<vmem>>) semaphore(%run_scoped3A : memref<!tpu.dma_semaphore, #tpu.memory_space<semaphore_mem>>) {add = true}
        %dma_wait3A_82 = arith.constant 0 : i32
        %dma_wait3A_83 = arith.constant 0 : i32
        %dma_wait3A_84 = tpu.memref_slice %arg12[%dma_wait3A_82, %dma_wait3A_83] : memref<10240x128xf32, #tpu.memory_space<vmem_shared>> -> memref<10240x128xf32, #tpu.memory_space<vmem_shared>>
        tpu.wait_indirect_dma semaphore(%run_scoped3A : memref<!tpu.dma_semaphore, #tpu.memory_space<semaphore_mem>>) src(%arg10 : memref<128x128xf32, #tpu.memory_space<vmem>>) dst(%dma_wait3A_84 : memref<10240x128xf32, #tpu.memory_space<vmem_shared>>)
        tpu.yield
      }) : () -> ()
      %add3A_56 = arith.constant 2 : i32
      %add3A_57 = arith.addi %mul3A_42, %add3A_56 : i32
      %lt3A = arith.constant 80 : i32
      %lt3A_58 = arith.cmpi slt, %add3A_57, %lt3A : i32
      %convert_element_type3A = arith.extui %lt3A_58 : i1 to i32
      %cond3A = arith.constant 0 : i32
      %cond3A_59 = arith.cmpi ne, %convert_element_type3A, %cond3A : i32
      scf.if %cond3A_59 {
        %add3A_79 = arith.constant 2 : i32
        %add3A_80 = arith.addi %mul3A_42, %add3A_79 : i32
        %dma_start3A_81 = arith.constant 0 : i32
        %dma_start3A_82 = tpu.memref_slice %arg4[%arg1, %add3A_80, %dma_start3A_81] : memref<16x80x128xi32, #tpu.memory_space<hbm>> -> memref<1x1x128xi32, #tpu.memory_space<hbm>>
        %dma_start3A_83 = tpu.memref_squeeze %dma_start3A_82 : memref<1x1x128xi32, #tpu.memory_space<hbm>> -> memref<128xi32, #tpu.memory_space<hbm>>
        %dma_start3A_84 = arith.constant 0 : i32
        %dma_start3A_85 = tpu.memref_slice %arg4[%arg1, %add3A_80, %dma_start3A_84] : memref<16x80x128xi32, #tpu.memory_space<hbm>> -> memref<1x1x128xi32, #tpu.memory_space<hbm>>
        %dma_start3A_86 = tpu.memref_squeeze %dma_start3A_85 : memref<1x1x128xi32, #tpu.memory_space<hbm>> -> memref<128xi32, #tpu.memory_space<hbm>>
        tpu.enqueue_dma source(%dma_start3A_86 : memref<128xi32, #tpu.memory_space<hbm>>) target(%arg8 : memref<128xi32, #tpu.memory_space<vmem>>) target_semaphore(%arg15 : memref<!tpu.dma_semaphore, #tpu.memory_space<semaphore_mem>>)
        %add3A_87 = arith.constant 2 : i32
        %add3A_88 = arith.addi %mul3A_42, %add3A_87 : i32
        %dma_start3A_89 = arith.constant 0 : i32
        %dma_start3A_90 = tpu.memref_slice %arg7[%add3A_88, %dma_start3A_89] : memref<80x128xi32, #tpu.memory_space<vmem>> -> memref<1x128xi32, #tpu.memory_space<vmem>>
        %dma_start3A_91 = tpu.memref_squeeze %dma_start3A_90 : memref<1x128xi32, #tpu.memory_space<vmem>> -> memref<128xi32, #tpu.memory_space<vmem>>
        %dma_start3A_92 = arith.constant 0 : i32
        %dma_start3A_93 = arith.constant 0 : i32
        %dma_start3A_94 = tpu.memref_slice %arg2[%dma_start3A_92, %dma_start3A_93] : memref<20480x128xf32, #tpu.memory_space<hbm>> -> memref<20480x128xf32, #tpu.memory_space<hbm>>
        tpu.enqueue_indirect_dma source(%dma_start3A_94 : memref<20480x128xf32, #tpu.memory_space<hbm>>) target(%arg10 : memref<128x128xf32, #tpu.memory_space<vmem>>) offsets(%dma_start3A_91 : memref<128xi32, #tpu.memory_space<vmem>>) semaphore(%arg13 : memref<!tpu.dma_semaphore, #tpu.memory_space<semaphore_mem>>)
      } else {
      }
      %dma_wait3A_60 = arith.constant 0 : i32
      %dma_wait3A_61 = tpu.memref_slice %arg7[%add3A_44, %dma_wait3A_60] : memref<80x128xi32, #tpu.memory_space<vmem>> -> memref<1x128xi32, #tpu.memory_space<vmem>>
      %dma_wait3A_62 = tpu.memref_squeeze %dma_wait3A_61 : memref<1x128xi32, #tpu.memory_space<vmem>> -> memref<128xi32, #tpu.memory_space<vmem>>
      %dma_wait3A_63 = arith.constant 0 : i32
      %dma_wait3A_64 = arith.constant 0 : i32
      %dma_wait3A_65 = tpu.memref_slice %arg2[%dma_wait3A_63, %dma_wait3A_64] : memref<20480x128xf32, #tpu.memory_space<hbm>> -> memref<20480x128xf32, #tpu.memory_space<hbm>>
      tpu.wait_indirect_dma semaphore(%arg14 : memref<!tpu.dma_semaphore, #tpu.memory_space<semaphore_mem>>) src(%dma_wait3A_65 : memref<20480x128xf32, #tpu.memory_space<hbm>>) dst(%arg11 : memref<128x128xf32, #tpu.memory_space<vmem>>)
      %dma_wait3A_66 = arith.constant 0 : i32
      %dma_wait3A_67 = tpu.memref_slice %arg4[%arg1, %add3A_44, %dma_wait3A_66] : memref<16x80x128xi32, #tpu.memory_space<hbm>> -> memref<1x1x128xi32, #tpu.memory_space<hbm>>
      %dma_wait3A_68 = tpu.memref_squeeze %dma_wait3A_67 : memref<1x1x128xi32, #tpu.memory_space<hbm>> -> memref<128xi32, #tpu.memory_space<hbm>>
      %dma_wait3A_69 = arith.constant 0 : i32
      %dma_wait3A_70 = tpu.memref_slice %arg4[%arg1, %add3A_44, %dma_wait3A_69] : memref<16x80x128xi32, #tpu.memory_space<hbm>> -> memref<1x1x128xi32, #tpu.memory_space<hbm>>
      %dma_wait3A_71 = tpu.memref_squeeze %dma_wait3A_70 : memref<1x1x128xi32, #tpu.memory_space<hbm>> -> memref<128xi32, #tpu.memory_space<hbm>>
      tpu.wait_dma2 semaphore(%arg16 : memref<!tpu.dma_semaphore, #tpu.memory_space<semaphore_mem>>) src(%dma_wait3A_71 : memref<128xi32, #tpu.memory_space<hbm>>) dst(%arg9 : memref<128xi32, #tpu.memory_space<vmem>>)
      "tpu.region"() ({
        %run_scoped3A = tpu.sem_alloc : memref<!tpu.dma_semaphore, #tpu.memory_space<semaphore_mem>>
        %dma_start3A_79 = arith.constant 0 : i32
        %dma_start3A_80 = arith.constant 0 : i32
        %dma_start3A_81 = tpu.memref_slice %arg12[%dma_start3A_79, %dma_start3A_80] : memref<10240x128xf32, #tpu.memory_space<vmem_shared>> -> memref<10240x128xf32, #tpu.memory_space<vmem_shared>>
        tpu.enqueue_indirect_dma source(%arg11 : memref<128x128xf32, #tpu.memory_space<vmem>>) target(%dma_start3A_81 : memref<10240x128xf32, #tpu.memory_space<vmem_shared>>) offsets(%arg9 : memref<128xi32, #tpu.memory_space<vmem>>) semaphore(%run_scoped3A : memref<!tpu.dma_semaphore, #tpu.memory_space<semaphore_mem>>) {add = true}
        %dma_wait3A_82 = arith.constant 0 : i32
        %dma_wait3A_83 = arith.constant 0 : i32
        %dma_wait3A_84 = tpu.memref_slice %arg12[%dma_wait3A_82, %dma_wait3A_83] : memref<10240x128xf32, #tpu.memory_space<vmem_shared>> -> memref<10240x128xf32, #tpu.memory_space<vmem_shared>>
        tpu.wait_indirect_dma semaphore(%run_scoped3A : memref<!tpu.dma_semaphore, #tpu.memory_space<semaphore_mem>>) src(%arg11 : memref<128x128xf32, #tpu.memory_space<vmem>>) dst(%dma_wait3A_84 : memref<10240x128xf32, #tpu.memory_space<vmem_shared>>)
        tpu.yield
      }) : () -> ()
      %add3A_72 = arith.constant 2 : i32
      %add3A_73 = arith.addi %add3A_44, %add3A_72 : i32
      %lt3A_74 = arith.constant 80 : i32
      %lt3A_75 = arith.cmpi slt, %add3A_73, %lt3A_74 : i32
      %convert_element_type3A_76 = arith.extui %lt3A_75 : i1 to i32
      %cond3A_77 = arith.constant 0 : i32
      %cond3A_78 = arith.cmpi ne, %convert_element_type3A_76, %cond3A_77 : i32
      scf.if %cond3A_78 {
        %add3A_79 = arith.constant 2 : i32
        %add3A_80 = arith.addi %add3A_44, %add3A_79 : i32
        %dma_start3A_81 = arith.constant 0 : i32
        %dma_start3A_82 = tpu.memref_slice %arg4[%arg1, %add3A_80, %dma_start3A_81] : memref<16x80x128xi32, #tpu.memory_space<hbm>> -> memref<1x1x128xi32, #tpu.memory_space<hbm>>
        %dma_start3A_83 = tpu.memref_squeeze %dma_start3A_82 : memref<1x1x128xi32, #tpu.memory_space<hbm>> -> memref<128xi32, #tpu.memory_space<hbm>>
        %dma_start3A_84 = arith.constant 0 : i32
        %dma_start3A_85 = tpu.memref_slice %arg4[%arg1, %add3A_80, %dma_start3A_84] : memref<16x80x128xi32, #tpu.memory_space<hbm>> -> memref<1x1x128xi32, #tpu.memory_space<hbm>>
        %dma_start3A_86 = tpu.memref_squeeze %dma_start3A_85 : memref<1x1x128xi32, #tpu.memory_space<hbm>> -> memref<128xi32, #tpu.memory_space<hbm>>
        tpu.enqueue_dma source(%dma_start3A_86 : memref<128xi32, #tpu.memory_space<hbm>>) target(%arg9 : memref<128xi32, #tpu.memory_space<vmem>>) target_semaphore(%arg16 : memref<!tpu.dma_semaphore, #tpu.memory_space<semaphore_mem>>)
        %add3A_87 = arith.constant 2 : i32
        %add3A_88 = arith.addi %add3A_44, %add3A_87 : i32
        %dma_start3A_89 = arith.constant 0 : i32
        %dma_start3A_90 = tpu.memref_slice %arg7[%add3A_88, %dma_start3A_89] : memref<80x128xi32, #tpu.memory_space<vmem>> -> memref<1x128xi32, #tpu.memory_space<vmem>>
        %dma_start3A_91 = tpu.memref_squeeze %dma_start3A_90 : memref<1x128xi32, #tpu.memory_space<vmem>> -> memref<128xi32, #tpu.memory_space<vmem>>
        %dma_start3A_92 = arith.constant 0 : i32
        %dma_start3A_93 = arith.constant 0 : i32
        %dma_start3A_94 = tpu.memref_slice %arg2[%dma_start3A_92, %dma_start3A_93] : memref<20480x128xf32, #tpu.memory_space<hbm>> -> memref<20480x128xf32, #tpu.memory_space<hbm>>
        tpu.enqueue_indirect_dma source(%dma_start3A_94 : memref<20480x128xf32, #tpu.memory_space<hbm>>) target(%arg11 : memref<128x128xf32, #tpu.memory_space<vmem>>) offsets(%dma_start3A_91 : memref<128xi32, #tpu.memory_space<vmem>>) semaphore(%arg14 : memref<!tpu.dma_semaphore, #tpu.memory_space<semaphore_mem>>)
      } else {
      }
    }
    %scan3A_31 = arith.constant 40 : i32
    %barrier3A_32 = arith.constant 0 : index
    tpu.barrier barrier_id(%barrier3A_32)
    %mul3A_33 = arith.constant 640 : i32
    %mul3A_34 = arith.muli %arg1, %mul3A_33 : i32
    %mul3A_35 = arith.constant 640 : i32
    %mul3A_36 = arith.muli %arg1, %mul3A_35 : i32
    "tpu.region"() ({
      %run_scoped3A = tpu.sem_alloc : memref<!tpu.dma_semaphore, #tpu.memory_space<semaphore_mem>>
      %dma_start3A_37 = arith.constant 0 : i32
      %dma_start3A_38 = tpu.memref_slice %arg6[%arg0, %mul3A_36, %dma_start3A_37] : memref<2x10240x128xf32, #tpu.memory_space<hbm>> -> memref<1x640x128xf32, #tpu.memory_space<hbm>>
      %dma_start3A_39 = tpu.memref_squeeze %dma_start3A_38 : memref<1x640x128xf32, #tpu.memory_space<hbm>> -> memref<640x128xf32, #tpu.memory_space<hbm>>
      %dma_start3A_40 = arith.constant 0 : i32
      %dma_start3A_41 = tpu.memref_slice %arg12[%mul3A_34, %dma_start3A_40] : memref<10240x128xf32, #tpu.memory_space<vmem_shared>> -> memref<640x128xf32, #tpu.memory_space<vmem_shared>>
      tpu.enqueue_dma source(%dma_start3A_41 : memref<640x128xf32, #tpu.memory_space<vmem_shared>>) target(%dma_start3A_39 : memref<640x128xf32, #tpu.memory_space<hbm>>) target_semaphore(%run_scoped3A : memref<!tpu.dma_semaphore, #tpu.memory_space<semaphore_mem>>)
      %dma_wait3A = arith.constant 0 : i32
      %dma_wait3A_42 = tpu.memref_slice %arg6[%arg0, %mul3A_36, %dma_wait3A] : memref<2x10240x128xf32, #tpu.memory_space<hbm>> -> memref<1x640x128xf32, #tpu.memory_space<hbm>>
      %dma_wait3A_43 = tpu.memref_squeeze %dma_wait3A_42 : memref<1x640x128xf32, #tpu.memory_space<hbm>> -> memref<640x128xf32, #tpu.memory_space<hbm>>
      %dma_wait3A_44 = arith.constant 0 : i32
      %dma_wait3A_45 = tpu.memref_slice %arg12[%mul3A_34, %dma_wait3A_44] : memref<10240x128xf32, #tpu.memory_space<vmem_shared>> -> memref<640x128xf32, #tpu.memory_space<vmem_shared>>
      tpu.wait_dma2 semaphore(%run_scoped3A : memref<!tpu.dma_semaphore, #tpu.memory_space<semaphore_mem>>) src(%dma_wait3A_45 : memref<640x128xf32, #tpu.memory_space<vmem_shared>>) dst(%dma_wait3A_43 : memref<640x128xf32, #tpu.memory_space<hbm>>)
      tpu.yield
    }) : () -> ()
    return
  }
}

#map = affine_map<(d0, d1) -> (0, 0)>
#map1 = affine_map<(d0, d1) -> (0, 0, 0, 0)>
#map2 = affine_map<(d0, d1) -> (0, 0, 0)>
module attributes {stable_mosaic.version = 14 : i64} {
  func.func @_agg_body(%arg0: i32, %arg1: i32, %arg2: memref<20480x128xf32, #tpu.memory_space<hbm>>, %arg3: memref<2x16x80x128xi32, #tpu.memory_space<hbm>>, %arg4: memref<16x80x128xi32, #tpu.memory_space<hbm>>, %arg5: memref<640x128xf32, #tpu.memory_space<hbm>>, %arg6: memref<2x10240x128xf32, #tpu.memory_space<hbm>>, %arg7: memref<80x128xi32, #tpu.memory_space<vmem>>, %arg8: memref<128xi32, #tpu.memory_space<vmem>>, %arg9: memref<128xi32, #tpu.memory_space<vmem>>, %arg10: memref<128x128xf32, #tpu.memory_space<vmem>>, %arg11: memref<128x128xf32, #tpu.memory_space<vmem>>, %arg12: memref<10240x128xf32, #tpu.memory_space<vmem_shared>>, %arg13: memref<!tpu.dma_semaphore, #tpu.memory_space<semaphore_mem>>, %arg14: memref<!tpu.dma_semaphore, #tpu.memory_space<semaphore_mem>>, %arg15: memref<!tpu.dma_semaphore, #tpu.memory_space<semaphore_mem>>, %arg16: memref<!tpu.dma_semaphore, #tpu.memory_space<semaphore_mem>>) attributes {dimension_semantics = [#tpu.dimension_semantics<core_parallel>, #tpu.dimension_semantics<subcore_parallel>], iteration_bounds = array<i64: 2, 16>, scalar_prefetch = 0 : i64, scratch_operands = 10 : i64, tpu.core_type = #tpu.core_type<sc_vector_subcore>, window_params = [{transform_indices = #map}, {transform_indices = #map1}, {transform_indices = #map2}, {transform_indices = #map}, {transform_indices = #map2}]} {
    "tpu.region"() ({
      %run_scoped3A = tpu.sem_alloc : memref<!tpu.dma_semaphore, #tpu.memory_space<semaphore_mem>>
      %dma_start3A_37 = arith.constant 0 : i32
      %dma_start3A_38 = arith.constant 0 : i32
      %dma_start3A_39 = tpu.memref_slice %arg3[%arg0, %arg1, %dma_start3A_37, %dma_start3A_38] : memref<2x16x80x128xi32, #tpu.memory_space<hbm>> -> memref<1x1x80x128xi32, #tpu.memory_space<hbm>>
      %dma_start3A_40 = tpu.memref_squeeze %dma_start3A_39 : memref<1x1x80x128xi32, #tpu.memory_space<hbm>> -> memref<80x128xi32, #tpu.memory_space<hbm>>
      %dma_start3A_41 = arith.constant 0 : i32
      %dma_start3A_42 = arith.constant 0 : i32
      %dma_start3A_43 = tpu.memref_slice %arg3[%arg0, %arg1, %dma_start3A_41, %dma_start3A_42] : memref<2x16x80x128xi32, #tpu.memory_space<hbm>> -> memref<1x1x80x128xi32, #tpu.memory_space<hbm>>
      %dma_start3A_44 = tpu.memref_squeeze %dma_start3A_43 : memref<1x1x80x128xi32, #tpu.memory_space<hbm>> -> memref<80x128xi32, #tpu.memory_space<hbm>>
      tpu.enqueue_dma source(%dma_start3A_44 : memref<80x128xi32, #tpu.memory_space<hbm>>) target(%arg7 : memref<80x128xi32, #tpu.memory_space<vmem>>) target_semaphore(%run_scoped3A : memref<!tpu.dma_semaphore, #tpu.memory_space<semaphore_mem>>)
      %dma_wait3A = arith.constant 0 : i32
      %dma_wait3A_45 = arith.constant 0 : i32
      %dma_wait3A_46 = tpu.memref_slice %arg3[%arg0, %arg1, %dma_wait3A, %dma_wait3A_45] : memref<2x16x80x128xi32, #tpu.memory_space<hbm>> -> memref<1x1x80x128xi32, #tpu.memory_space<hbm>>
      %dma_wait3A_47 = tpu.memref_squeeze %dma_wait3A_46 : memref<1x1x80x128xi32, #tpu.memory_space<hbm>> -> memref<80x128xi32, #tpu.memory_space<hbm>>
      %dma_wait3A_48 = arith.constant 0 : i32
      %dma_wait3A_49 = arith.constant 0 : i32
      %dma_wait3A_50 = tpu.memref_slice %arg3[%arg0, %arg1, %dma_wait3A_48, %dma_wait3A_49] : memref<2x16x80x128xi32, #tpu.memory_space<hbm>> -> memref<1x1x80x128xi32, #tpu.memory_space<hbm>>
      %dma_wait3A_51 = tpu.memref_squeeze %dma_wait3A_50 : memref<1x1x80x128xi32, #tpu.memory_space<hbm>> -> memref<80x128xi32, #tpu.memory_space<hbm>>
      tpu.wait_dma2 semaphore(%run_scoped3A : memref<!tpu.dma_semaphore, #tpu.memory_space<semaphore_mem>>) src(%dma_wait3A_51 : memref<80x128xi32, #tpu.memory_space<hbm>>) dst(%arg7 : memref<80x128xi32, #tpu.memory_space<vmem>>)
      tpu.yield
    }) : () -> ()
    %mul3A = arith.constant 640 : i32
    %mul3A_0 = arith.muli %arg1, %mul3A : i32
    "tpu.region"() ({
      %run_scoped3A = tpu.sem_alloc : memref<!tpu.dma_semaphore, #tpu.memory_space<semaphore_mem>>
      %dma_start3A_37 = arith.constant 0 : i32
      %dma_start3A_38 = tpu.memref_slice %arg12[%mul3A_0, %dma_start3A_37] : memref<10240x128xf32, #tpu.memory_space<vmem_shared>> -> memref<640x128xf32, #tpu.memory_space<vmem_shared>>
      tpu.enqueue_dma source(%arg5 : memref<640x128xf32, #tpu.memory_space<hbm>>) target(%dma_start3A_38 : memref<640x128xf32, #tpu.memory_space<vmem_shared>>) target_semaphore(%run_scoped3A : memref<!tpu.dma_semaphore, #tpu.memory_space<semaphore_mem>>)
      %dma_wait3A = arith.constant 0 : i32
      %dma_wait3A_39 = tpu.memref_slice %arg12[%mul3A_0, %dma_wait3A] : memref<10240x128xf32, #tpu.memory_space<vmem_shared>> -> memref<640x128xf32, #tpu.memory_space<vmem_shared>>
      tpu.wait_dma2 semaphore(%run_scoped3A : memref<!tpu.dma_semaphore, #tpu.memory_space<semaphore_mem>>) src(%arg5 : memref<640x128xf32, #tpu.memory_space<hbm>>) dst(%dma_wait3A_39 : memref<640x128xf32, #tpu.memory_space<vmem_shared>>)
      tpu.yield
    }) : () -> ()
    %barrier3A = arith.constant 0 : index
    tpu.barrier barrier_id(%barrier3A)
    %dma_start3A = arith.constant 0 : i32
    %dma_start3A_1 = arith.constant 0 : i32
    %dma_start3A_2 = tpu.memref_slice %arg4[%arg1, %dma_start3A, %dma_start3A_1] : memref<16x80x128xi32, #tpu.memory_space<hbm>> -> memref<1x1x128xi32, #tpu.memory_space<hbm>>
    %dma_start3A_3 = tpu.memref_squeeze %dma_start3A_2 : memref<1x1x128xi32, #tpu.memory_space<hbm>> -> memref<128xi32, #tpu.memory_space<hbm>>
    %dma_start3A_4 = arith.constant 0 : i32
    %dma_start3A_5 = tpu.memref_slice %arg4[%arg1, %dma_start3A, %dma_start3A_4] : memref<16x80x128xi32, #tpu.memory_space<hbm>> -> memref<1x1x128xi32, #tpu.memory_space<hbm>>
    %dma_start3A_6 = tpu.memref_squeeze %dma_start3A_5 : memref<1x1x128xi32, #tpu.memory_space<hbm>> -> memref<128xi32, #tpu.memory_space<hbm>>
    tpu.enqueue_dma source(%dma_start3A_6 : memref<128xi32, #tpu.memory_space<hbm>>) target(%arg8 : memref<128xi32, #tpu.memory_space<vmem>>) target_semaphore(%arg15 : memref<!tpu.dma_semaphore, #tpu.memory_space<semaphore_mem>>)
    %dma_start3A_7 = arith.constant 1 : i32
    %dma_start3A_8 = arith.constant 0 : i32
    %dma_start3A_9 = tpu.memref_slice %arg4[%arg1, %dma_start3A_7, %dma_start3A_8] : memref<16x80x128xi32, #tpu.memory_space<hbm>> -> memref<1x1x128xi32, #tpu.memory_space<hbm>>
    %dma_start3A_10 = tpu.memref_squeeze %dma_start3A_9 : memref<1x1x128xi32, #tpu.memory_space<hbm>> -> memref<128xi32, #tpu.memory_space<hbm>>
    %dma_start3A_11 = arith.constant 0 : i32
    %dma_start3A_12 = tpu.memref_slice %arg4[%arg1, %dma_start3A_7, %dma_start3A_11] : memref<16x80x128xi32, #tpu.memory_space<hbm>> -> memref<1x1x128xi32, #tpu.memory_space<hbm>>
    %dma_start3A_13 = tpu.memref_squeeze %dma_start3A_12 : memref<1x1x128xi32, #tpu.memory_space<hbm>> -> memref<128xi32, #tpu.memory_space<hbm>>
    tpu.enqueue_dma source(%dma_start3A_13 : memref<128xi32, #tpu.memory_space<hbm>>) target(%arg9 : memref<128xi32, #tpu.memory_space<vmem>>) target_semaphore(%arg16 : memref<!tpu.dma_semaphore, #tpu.memory_space<semaphore_mem>>)
    %dma_start3A_14 = arith.constant 0 : i32
    %dma_start3A_15 = arith.constant 0 : i32
    %dma_start3A_16 = tpu.memref_slice %arg7[%dma_start3A_14, %dma_start3A_15] : memref<80x128xi32, #tpu.memory_space<vmem>> -> memref<1x128xi32, #tpu.memory_space<vmem>>
    %dma_start3A_17 = tpu.memref_squeeze %dma_start3A_16 : memref<1x128xi32, #tpu.memory_space<vmem>> -> memref<128xi32, #tpu.memory_space<vmem>>
    %dma_start3A_18 = arith.constant 0 : i32
    %dma_start3A_19 = arith.constant 0 : i32
    %dma_start3A_20 = tpu.memref_slice %arg2[%dma_start3A_18, %dma_start3A_19] : memref<20480x128xf32, #tpu.memory_space<hbm>> -> memref<20480x128xf32, #tpu.memory_space<hbm>>
    tpu.enqueue_indirect_dma source(%dma_start3A_20 : memref<20480x128xf32, #tpu.memory_space<hbm>>) target(%arg10 : memref<128x128xf32, #tpu.memory_space<vmem>>) offsets(%dma_start3A_17 : memref<128xi32, #tpu.memory_space<vmem>>) semaphore(%arg13 : memref<!tpu.dma_semaphore, #tpu.memory_space<semaphore_mem>>)
    %dma_start3A_21 = arith.constant 1 : i32
    %dma_start3A_22 = arith.constant 0 : i32
    %dma_start3A_23 = tpu.memref_slice %arg7[%dma_start3A_21, %dma_start3A_22] : memref<80x128xi32, #tpu.memory_space<vmem>> -> memref<1x128xi32, #tpu.memory_space<vmem>>
    %dma_start3A_24 = tpu.memref_squeeze %dma_start3A_23 : memref<1x128xi32, #tpu.memory_space<vmem>> -> memref<128xi32, #tpu.memory_space<vmem>>
    %dma_start3A_25 = arith.constant 0 : i32
    %dma_start3A_26 = arith.constant 0 : i32
    %dma_start3A_27 = tpu.memref_slice %arg2[%dma_start3A_25, %dma_start3A_26] : memref<20480x128xf32, #tpu.memory_space<hbm>> -> memref<20480x128xf32, #tpu.memory_space<hbm>>
    tpu.enqueue_indirect_dma source(%dma_start3A_27 : memref<20480x128xf32, #tpu.memory_space<hbm>>) target(%arg11 : memref<128x128xf32, #tpu.memory_space<vmem>>) offsets(%dma_start3A_24 : memref<128xi32, #tpu.memory_space<vmem>>) semaphore(%arg14 : memref<!tpu.dma_semaphore, #tpu.memory_space<semaphore_mem>>)
    %scan3A = arith.constant 0 : i32
    %scan3A_28 = arith.constant 40 : i32
    %scan3A_29 = arith.addi %scan3A, %scan3A_28 : i32
    %scan3A_30 = arith.constant 1 : i32
    scf.for %scan3A_37 = %scan3A to %scan3A_29 step %scan3A_30  : i32 {
      %mul3A_38 = arith.constant 1 : i32
      %mul3A_39 = arith.muli %scan3A_37, %mul3A_38 : i32
      %add3A = arith.constant 0 : i32
      %add3A_40 = arith.addi %add3A, %mul3A_39 : i32
      %mul3A_41 = arith.constant 2 : i32
      %mul3A_42 = arith.muli %mul3A_41, %add3A_40 : i32
      %add3A_43 = arith.constant 1 : i32
      %add3A_44 = arith.addi %mul3A_42, %add3A_43 : i32
      %dma_wait3A = arith.constant 0 : i32
      %dma_wait3A_45 = tpu.memref_slice %arg7[%mul3A_42, %dma_wait3A] : memref<80x128xi32, #tpu.memory_space<vmem>> -> memref<1x128xi32, #tpu.memory_space<vmem>>
      %dma_wait3A_46 = tpu.memref_squeeze %dma_wait3A_45 : memref<1x128xi32, #tpu.memory_space<vmem>> -> memref<128xi32, #tpu.memory_space<vmem>>
      %dma_wait3A_47 = arith.constant 0 : i32
      %dma_wait3A_48 = arith.constant 0 : i32
      %dma_wait3A_49 = tpu.memref_slice %arg2[%dma_wait3A_47, %dma_wait3A_48] : memref<20480x128xf32, #tpu.memory_space<hbm>> -> memref<20480x128xf32, #tpu.memory_space<hbm>>
      tpu.wait_indirect_dma semaphore(%arg13 : memref<!tpu.dma_semaphore, #tpu.memory_space<semaphore_mem>>) src(%dma_wait3A_49 : memref<20480x128xf32, #tpu.memory_space<hbm>>) dst(%arg10 : memref<128x128xf32, #tpu.memory_space<vmem>>)
      %dma_wait3A_50 = arith.constant 0 : i32
      %dma_wait3A_51 = tpu.memref_slice %arg4[%arg1, %mul3A_42, %dma_wait3A_50] : memref<16x80x128xi32, #tpu.memory_space<hbm>> -> memref<1x1x128xi32, #tpu.memory_space<hbm>>
      %dma_wait3A_52 = tpu.memref_squeeze %dma_wait3A_51 : memref<1x1x128xi32, #tpu.memory_space<hbm>> -> memref<128xi32, #tpu.memory_space<hbm>>
      %dma_wait3A_53 = arith.constant 0 : i32
      %dma_wait3A_54 = tpu.memref_slice %arg4[%arg1, %mul3A_42, %dma_wait3A_53] : memref<16x80x128xi32, #tpu.memory_space<hbm>> -> memref<1x1x128xi32, #tpu.memory_space<hbm>>
      %dma_wait3A_55 = tpu.memref_squeeze %dma_wait3A_54 : memref<1x1x128xi32, #tpu.memory_space<hbm>> -> memref<128xi32, #tpu.memory_space<hbm>>
      tpu.wait_dma2 semaphore(%arg15 : memref<!tpu.dma_semaphore, #tpu.memory_space<semaphore_mem>>) src(%dma_wait3A_55 : memref<128xi32, #tpu.memory_space<hbm>>) dst(%arg8 : memref<128xi32, #tpu.memory_space<vmem>>)
      "tpu.region"() ({
        %run_scoped3A = tpu.sem_alloc : memref<!tpu.dma_semaphore, #tpu.memory_space<semaphore_mem>>
        %dma_start3A_79 = arith.constant 0 : i32
        %dma_start3A_80 = arith.constant 0 : i32
        %dma_start3A_81 = tpu.memref_slice %arg12[%dma_start3A_79, %dma_start3A_80] : memref<10240x128xf32, #tpu.memory_space<vmem_shared>> -> memref<10240x128xf32, #tpu.memory_space<vmem_shared>>
        tpu.enqueue_indirect_dma source(%arg10 : memref<128x128xf32, #tpu.memory_space<vmem>>) target(%dma_start3A_81 : memref<10240x128xf32, #tpu.memory_space<vmem_shared>>) offsets(%arg8 : memref<128xi32, #tpu.memory_space<vmem>>) semaphore(%run_scoped3A : memref<!tpu.dma_semaphore, #tpu.memory_space<semaphore_mem>>) {add = true}
        %dma_wait3A_82 = arith.constant 0 : i32
        %dma_wait3A_83 = arith.constant 0 : i32
        %dma_wait3A_84 = tpu.memref_slice %arg12[%dma_wait3A_82, %dma_wait3A_83] : memref<10240x128xf32, #tpu.memory_space<vmem_shared>> -> memref<10240x128xf32, #tpu.memory_space<vmem_shared>>
        tpu.wait_indirect_dma semaphore(%run_scoped3A : memref<!tpu.dma_semaphore, #tpu.memory_space<semaphore_mem>>) src(%arg10 : memref<128x128xf32, #tpu.memory_space<vmem>>) dst(%dma_wait3A_84 : memref<10240x128xf32, #tpu.memory_space<vmem_shared>>)
        tpu.yield
      }) : () -> ()
      %add3A_56 = arith.constant 2 : i32
      %add3A_57 = arith.addi %mul3A_42, %add3A_56 : i32
      %lt3A = arith.constant 80 : i32
      %lt3A_58 = arith.cmpi slt, %add3A_57, %lt3A : i32
      %convert_element_type3A = arith.extui %lt3A_58 : i1 to i32
      %cond3A = arith.constant 0 : i32
      %cond3A_59 = arith.cmpi ne, %convert_element_type3A, %cond3A : i32
      scf.if %cond3A_59 {
        %add3A_79 = arith.constant 2 : i32
        %add3A_80 = arith.addi %mul3A_42, %add3A_79 : i32
        %dma_start3A_81 = arith.constant 0 : i32
        %dma_start3A_82 = tpu.memref_slice %arg4[%arg1, %add3A_80, %dma_start3A_81] : memref<16x80x128xi32, #tpu.memory_space<hbm>> -> memref<1x1x128xi32, #tpu.memory_space<hbm>>
        %dma_start3A_83 = tpu.memref_squeeze %dma_start3A_82 : memref<1x1x128xi32, #tpu.memory_space<hbm>> -> memref<128xi32, #tpu.memory_space<hbm>>
        %dma_start3A_84 = arith.constant 0 : i32
        %dma_start3A_85 = tpu.memref_slice %arg4[%arg1, %add3A_80, %dma_start3A_84] : memref<16x80x128xi32, #tpu.memory_space<hbm>> -> memref<1x1x128xi32, #tpu.memory_space<hbm>>
        %dma_start3A_86 = tpu.memref_squeeze %dma_start3A_85 : memref<1x1x128xi32, #tpu.memory_space<hbm>> -> memref<128xi32, #tpu.memory_space<hbm>>
        tpu.enqueue_dma source(%dma_start3A_86 : memref<128xi32, #tpu.memory_space<hbm>>) target(%arg8 : memref<128xi32, #tpu.memory_space<vmem>>) target_semaphore(%arg15 : memref<!tpu.dma_semaphore, #tpu.memory_space<semaphore_mem>>)
        %add3A_87 = arith.constant 2 : i32
        %add3A_88 = arith.addi %mul3A_42, %add3A_87 : i32
        %dma_start3A_89 = arith.constant 0 : i32
        %dma_start3A_90 = tpu.memref_slice %arg7[%add3A_88, %dma_start3A_89] : memref<80x128xi32, #tpu.memory_space<vmem>> -> memref<1x128xi32, #tpu.memory_space<vmem>>
        %dma_start3A_91 = tpu.memref_squeeze %dma_start3A_90 : memref<1x128xi32, #tpu.memory_space<vmem>> -> memref<128xi32, #tpu.memory_space<vmem>>
        %dma_start3A_92 = arith.constant 0 : i32
        %dma_start3A_93 = arith.constant 0 : i32
        %dma_start3A_94 = tpu.memref_slice %arg2[%dma_start3A_92, %dma_start3A_93] : memref<20480x128xf32, #tpu.memory_space<hbm>> -> memref<20480x128xf32, #tpu.memory_space<hbm>>
        tpu.enqueue_indirect_dma source(%dma_start3A_94 : memref<20480x128xf32, #tpu.memory_space<hbm>>) target(%arg10 : memref<128x128xf32, #tpu.memory_space<vmem>>) offsets(%dma_start3A_91 : memref<128xi32, #tpu.memory_space<vmem>>) semaphore(%arg13 : memref<!tpu.dma_semaphore, #tpu.memory_space<semaphore_mem>>)
      } else {
      }
      %dma_wait3A_60 = arith.constant 0 : i32
      %dma_wait3A_61 = tpu.memref_slice %arg7[%add3A_44, %dma_wait3A_60] : memref<80x128xi32, #tpu.memory_space<vmem>> -> memref<1x128xi32, #tpu.memory_space<vmem>>
      %dma_wait3A_62 = tpu.memref_squeeze %dma_wait3A_61 : memref<1x128xi32, #tpu.memory_space<vmem>> -> memref<128xi32, #tpu.memory_space<vmem>>
      %dma_wait3A_63 = arith.constant 0 : i32
      %dma_wait3A_64 = arith.constant 0 : i32
      %dma_wait3A_65 = tpu.memref_slice %arg2[%dma_wait3A_63, %dma_wait3A_64] : memref<20480x128xf32, #tpu.memory_space<hbm>> -> memref<20480x128xf32, #tpu.memory_space<hbm>>
      tpu.wait_indirect_dma semaphore(%arg14 : memref<!tpu.dma_semaphore, #tpu.memory_space<semaphore_mem>>) src(%dma_wait3A_65 : memref<20480x128xf32, #tpu.memory_space<hbm>>) dst(%arg11 : memref<128x128xf32, #tpu.memory_space<vmem>>)
      %dma_wait3A_66 = arith.constant 0 : i32
      %dma_wait3A_67 = tpu.memref_slice %arg4[%arg1, %add3A_44, %dma_wait3A_66] : memref<16x80x128xi32, #tpu.memory_space<hbm>> -> memref<1x1x128xi32, #tpu.memory_space<hbm>>
      %dma_wait3A_68 = tpu.memref_squeeze %dma_wait3A_67 : memref<1x1x128xi32, #tpu.memory_space<hbm>> -> memref<128xi32, #tpu.memory_space<hbm>>
      %dma_wait3A_69 = arith.constant 0 : i32
      %dma_wait3A_70 = tpu.memref_slice %arg4[%arg1, %add3A_44, %dma_wait3A_69] : memref<16x80x128xi32, #tpu.memory_space<hbm>> -> memref<1x1x128xi32, #tpu.memory_space<hbm>>
      %dma_wait3A_71 = tpu.memref_squeeze %dma_wait3A_70 : memref<1x1x128xi32, #tpu.memory_space<hbm>> -> memref<128xi32, #tpu.memory_space<hbm>>
      tpu.wait_dma2 semaphore(%arg16 : memref<!tpu.dma_semaphore, #tpu.memory_space<semaphore_mem>>) src(%dma_wait3A_71 : memref<128xi32, #tpu.memory_space<hbm>>) dst(%arg9 : memref<128xi32, #tpu.memory_space<vmem>>)
      "tpu.region"() ({
        %run_scoped3A = tpu.sem_alloc : memref<!tpu.dma_semaphore, #tpu.memory_space<semaphore_mem>>
        %dma_start3A_79 = arith.constant 0 : i32
        %dma_start3A_80 = arith.constant 0 : i32
        %dma_start3A_81 = tpu.memref_slice %arg12[%dma_start3A_79, %dma_start3A_80] : memref<10240x128xf32, #tpu.memory_space<vmem_shared>> -> memref<10240x128xf32, #tpu.memory_space<vmem_shared>>
        tpu.enqueue_indirect_dma source(%arg11 : memref<128x128xf32, #tpu.memory_space<vmem>>) target(%dma_start3A_81 : memref<10240x128xf32, #tpu.memory_space<vmem_shared>>) offsets(%arg9 : memref<128xi32, #tpu.memory_space<vmem>>) semaphore(%run_scoped3A : memref<!tpu.dma_semaphore, #tpu.memory_space<semaphore_mem>>) {add = true}
        %dma_wait3A_82 = arith.constant 0 : i32
        %dma_wait3A_83 = arith.constant 0 : i32
        %dma_wait3A_84 = tpu.memref_slice %arg12[%dma_wait3A_82, %dma_wait3A_83] : memref<10240x128xf32, #tpu.memory_space<vmem_shared>> -> memref<10240x128xf32, #tpu.memory_space<vmem_shared>>
        tpu.wait_indirect_dma semaphore(%run_scoped3A : memref<!tpu.dma_semaphore, #tpu.memory_space<semaphore_mem>>) src(%arg11 : memref<128x128xf32, #tpu.memory_space<vmem>>) dst(%dma_wait3A_84 : memref<10240x128xf32, #tpu.memory_space<vmem_shared>>)
        tpu.yield
      }) : () -> ()
      %add3A_72 = arith.constant 2 : i32
      %add3A_73 = arith.addi %add3A_44, %add3A_72 : i32
      %lt3A_74 = arith.constant 80 : i32
      %lt3A_75 = arith.cmpi slt, %add3A_73, %lt3A_74 : i32
      %convert_element_type3A_76 = arith.extui %lt3A_75 : i1 to i32
      %cond3A_77 = arith.constant 0 : i32
      %cond3A_78 = arith.cmpi ne, %convert_element_type3A_76, %cond3A_77 : i32
      scf.if %cond3A_78 {
        %add3A_79 = arith.constant 2 : i32
        %add3A_80 = arith.addi %add3A_44, %add3A_79 : i32
        %dma_start3A_81 = arith.constant 0 : i32
        %dma_start3A_82 = tpu.memref_slice %arg4[%arg1, %add3A_80, %dma_start3A_81] : memref<16x80x128xi32, #tpu.memory_space<hbm>> -> memref<1x1x128xi32, #tpu.memory_space<hbm>>
        %dma_start3A_83 = tpu.memref_squeeze %dma_start3A_82 : memref<1x1x128xi32, #tpu.memory_space<hbm>> -> memref<128xi32, #tpu.memory_space<hbm>>
        %dma_start3A_84 = arith.constant 0 : i32
        %dma_start3A_85 = tpu.memref_slice %arg4[%arg1, %add3A_80, %dma_start3A_84] : memref<16x80x128xi32, #tpu.memory_space<hbm>> -> memref<1x1x128xi32, #tpu.memory_space<hbm>>
        %dma_start3A_86 = tpu.memref_squeeze %dma_start3A_85 : memref<1x1x128xi32, #tpu.memory_space<hbm>> -> memref<128xi32, #tpu.memory_space<hbm>>
        tpu.enqueue_dma source(%dma_start3A_86 : memref<128xi32, #tpu.memory_space<hbm>>) target(%arg9 : memref<128xi32, #tpu.memory_space<vmem>>) target_semaphore(%arg16 : memref<!tpu.dma_semaphore, #tpu.memory_space<semaphore_mem>>)
        %add3A_87 = arith.constant 2 : i32
        %add3A_88 = arith.addi %add3A_44, %add3A_87 : i32
        %dma_start3A_89 = arith.constant 0 : i32
        %dma_start3A_90 = tpu.memref_slice %arg7[%add3A_88, %dma_start3A_89] : memref<80x128xi32, #tpu.memory_space<vmem>> -> memref<1x128xi32, #tpu.memory_space<vmem>>
        %dma_start3A_91 = tpu.memref_squeeze %dma_start3A_90 : memref<1x128xi32, #tpu.memory_space<vmem>> -> memref<128xi32, #tpu.memory_space<vmem>>
        %dma_start3A_92 = arith.constant 0 : i32
        %dma_start3A_93 = arith.constant 0 : i32
        %dma_start3A_94 = tpu.memref_slice %arg2[%dma_start3A_92, %dma_start3A_93] : memref<20480x128xf32, #tpu.memory_space<hbm>> -> memref<20480x128xf32, #tpu.memory_space<hbm>>
        tpu.enqueue_indirect_dma source(%dma_start3A_94 : memref<20480x128xf32, #tpu.memory_space<hbm>>) target(%arg11 : memref<128x128xf32, #tpu.memory_space<vmem>>) offsets(%dma_start3A_91 : memref<128xi32, #tpu.memory_space<vmem>>) semaphore(%arg14 : memref<!tpu.dma_semaphore, #tpu.memory_space<semaphore_mem>>)
      } else {
      }
    }
    %scan3A_31 = arith.constant 40 : i32
    %barrier3A_32 = arith.constant 0 : index
    tpu.barrier barrier_id(%barrier3A_32)
    %mul3A_33 = arith.constant 640 : i32
    %mul3A_34 = arith.muli %arg1, %mul3A_33 : i32
    %mul3A_35 = arith.constant 640 : i32
    %mul3A_36 = arith.muli %arg1, %mul3A_35 : i32
    "tpu.region"() ({
      %run_scoped3A = tpu.sem_alloc : memref<!tpu.dma_semaphore, #tpu.memory_space<semaphore_mem>>
      %dma_start3A_37 = arith.constant 0 : i32
      %dma_start3A_38 = tpu.memref_slice %arg6[%arg0, %mul3A_36, %dma_start3A_37] : memref<2x10240x128xf32, #tpu.memory_space<hbm>> -> memref<1x640x128xf32, #tpu.memory_space<hbm>>
      %dma_start3A_39 = tpu.memref_squeeze %dma_start3A_38 : memref<1x640x128xf32, #tpu.memory_space<hbm>> -> memref<640x128xf32, #tpu.memory_space<hbm>>
      %dma_start3A_40 = arith.constant 0 : i32
      %dma_start3A_41 = tpu.memref_slice %arg12[%mul3A_34, %dma_start3A_40] : memref<10240x128xf32, #tpu.memory_space<vmem_shared>> -> memref<640x128xf32, #tpu.memory_space<vmem_shared>>
      tpu.enqueue_dma source(%dma_start3A_41 : memref<640x128xf32, #tpu.memory_space<vmem_shared>>) target(%dma_start3A_39 : memref<640x128xf32, #tpu.memory_space<hbm>>) target_semaphore(%run_scoped3A : memref<!tpu.dma_semaphore, #tpu.memory_space<semaphore_mem>>)
      %dma_wait3A = arith.constant 0 : i32
      %dma_wait3A_42 = tpu.memref_slice %arg6[%arg0, %mul3A_36, %dma_wait3A] : memref<2x10240x128xf32, #tpu.memory_space<hbm>> -> memref<1x640x128xf32, #tpu.memory_space<hbm>>
      %dma_wait3A_43 = tpu.memref_squeeze %dma_wait3A_42 : memref<1x640x128xf32, #tpu.memory_space<hbm>> -> memref<640x128xf32, #tpu.memory_space<hbm>>
      %dma_wait3A_44 = arith.constant 0 : i32
      %dma_wait3A_45 = tpu.memref_slice %arg12[%mul3A_34, %dma_wait3A_44] : memref<10240x128xf32, #tpu.memory_space<vmem_shared>> -> memref<640x128xf32, #tpu.memory_space<vmem_shared>>
      tpu.wait_dma2 semaphore(%run_scoped3A : memref<!tpu.dma_semaphore, #tpu.memory_space<semaphore_mem>>) src(%dma_wait3A_45 : memref<640x128xf32, #tpu.memory_space<vmem_shared>>) dst(%dma_wait3A_43 : memref<640x128xf32, #tpu.memory_space<hbm>>)
      tpu.yield
    }) : () -> ()
    return
  }
}

module attributes {stable_mosaic.version = 14 : i64} {
  func.func @_norm_body(%arg0: i32, %arg1: memref<1280x1xf32, #tpu.memory_space<vmem>>, %arg2: memref<1280x1xf32, #tpu.memory_space<vmem>>, %arg3: memref<1280x256xf32, #tpu.memory_space<vmem>>, %arg4: memref<1280x1xf32, #tpu.memory_space<vmem>>, %arg5: memref<1280x1xf32, #tpu.memory_space<vmem>>, %arg6: memref<2x1280x128xf32, #tpu.memory_space<vmem>>) attributes {dimension_semantics = [#tpu.dimension_semantics<arbitrary>], iteration_bounds = array<i64: 8>, scalar_prefetch = 0 : i64, scratch_operands = 0 : i64, tpu.core_type = #tpu.core_type<tc>, window_params = [{transform_indices = @transform_0, window_bounds = array<i64: 1280, 1>}, {transform_indices = @transform_1, window_bounds = array<i64: 1280, 1>}, {transform_indices = @transform_2, window_bounds = array<i64: 1280, 256>}, {transform_indices = @transform_3, window_bounds = array<i64: 1280, 1>}, {transform_indices = @transform_4, window_bounds = array<i64: 1280, 1>}, {transform_indices = @transform_5, window_bounds = array<i64: 2, 1280, 128>}]} {
    %iota3A = tpu.iota {dimensions = array<i32: 0>} : vector<1280x1xi32>
    %mul3A = arith.constant 1280 : i32
    %mul3A_0 = arith.muli %arg0, %mul3A : i32
    %add3A = vector.broadcast %mul3A_0 : i32 to vector<1280x1xi32>
    %add3A_1 = arith.addi %iota3A, %add3A : vector<1280x1xi32>
    %lt3A = arith.constant 10000 : i32
    %lt3A_2 = vector.broadcast %lt3A : i32 to vector<1280x1xi32>
    %lt3A_3 = arith.cmpi slt, %add3A_1, %lt3A_2 : vector<1280x1xi32>
    %get3A = arith.constant 0 : index
    %get3A_4 = arith.constant 0 : index
    %get3A_5 = vector.load %arg1[%get3A, %get3A_4] : memref<1280x1xf32, #tpu.memory_space<vmem>>, vector<1280x1xf32>
    %add3A_6 = arith.constant 1.000000e+00 : f32
    %add3A_7 = vector.broadcast %add3A_6 : f32 to vector<1280x1xf32>
    %add3A_8 = arith.addf %get3A_5, %add3A_7 : vector<1280x1xf32>
    %rsqrt3A = math.rsqrt %add3A_8 : vector<1280x1xf32>
    %jit3A = arith.constant 0.000000e+00 : f32
    %broadcast_in_dim3A = vector.broadcast %jit3A : f32 to vector<1280x1xf32>
    %select_n3A = arith.select %lt3A_3, %rsqrt3A, %broadcast_in_dim3A : vector<1280x1xi1>, vector<1280x1xf32>
    %get3A_9 = arith.constant 0 : index
    %get3A_10 = arith.constant 0 : index
    %get3A_11 = vector.load %arg2[%get3A_9, %get3A_10] : memref<1280x1xf32, #tpu.memory_space<vmem>>, vector<1280x1xf32>
    %add3A_12 = arith.constant 1.000000e+00 : f32
    %add3A_13 = vector.broadcast %add3A_12 : f32 to vector<1280x1xf32>
    %add3A_14 = arith.addf %get3A_11, %add3A_13 : vector<1280x1xf32>
    %rsqrt3A_15 = math.rsqrt %add3A_14 : vector<1280x1xf32>
    %jit3A_16 = arith.constant 0.000000e+00 : f32
    %broadcast_in_dim3A_17 = vector.broadcast %jit3A_16 : f32 to vector<1280x1xf32>
    %select_n3A_18 = arith.select %lt3A_3, %rsqrt3A_15, %broadcast_in_dim3A_17 : vector<1280x1xi1>, vector<1280x1xf32>
    %swap3A = arith.constant 0 : index
    %swap3A_19 = arith.constant 0 : index
    %swap3A_20 = vector.load %arg4[%swap3A, %swap3A_19] : memref<1280x1xf32, #tpu.memory_space<vmem>>, vector<1280x1xf32>
    tpu.vector_store %arg4[%swap3A, %swap3A_19], %select_n3A {strides = array<i32>} : memref<1280x1xf32, #tpu.memory_space<vmem>>, vector<1280x1xf32>,
    %swap3A_21 = arith.constant 0 : index
    %swap3A_22 = arith.constant 0 : index
    %swap3A_23 = vector.load %arg5[%swap3A_21, %swap3A_22] : memref<1280x1xf32, #tpu.memory_space<vmem>>, vector<1280x1xf32>
    tpu.vector_store %arg5[%swap3A_21, %swap3A_22], %select_n3A_18 {strides = array<i32>} : memref<1280x1xf32, #tpu.memory_space<vmem>>, vector<1280x1xf32>,
    %get3A_24 = arith.constant 0 : index
    %get3A_25 = arith.constant 0 : index
    %get3A_26 = vector.load %arg3[%get3A_24, %get3A_25] : memref<1280x256xf32, #tpu.memory_space<vmem>>, vector<1280x128xf32>
    %mul3A_27 = vector.broadcast %select_n3A : vector<1280x1xf32> to vector<1280x128xf32>
    %mul3A_28 = arith.mulf %get3A_26, %mul3A_27 : vector<1280x128xf32>
    %swap3A_29 = arith.constant 0 : index
    %swap3A_30 = arith.constant 0 : index
    %swap3A_31 = arith.constant 0 : index
    %swap3A_32 = vector.load %arg6[%swap3A_29, %swap3A_30, %swap3A_31] : memref<2x1280x128xf32, #tpu.memory_space<vmem>>, vector<1x1280x128xf32>
    %swap3A_33 = vector.shape_cast %swap3A_32 : vector<1x1280x128xf32> to vector<1280x128xf32>
    %swap3A_34 = vector.shape_cast %mul3A_28 : vector<1280x128xf32> to vector<1x1280x128xf32>
    tpu.vector_store %arg6[%swap3A_29, %swap3A_30, %swap3A_31], %swap3A_34 {strides = array<i32>} : memref<2x1280x128xf32, #tpu.memory_space<vmem>>, vector<1x1280x128xf32>,
    %get3A_35 = arith.constant 0 : index
    %get3A_36 = arith.constant 128 : index
    %get3A_37 = vector.load %arg3[%get3A_35, %get3A_36] : memref<1280x256xf32, #tpu.memory_space<vmem>>, vector<1280x128xf32>
    %mul3A_38 = vector.broadcast %select_n3A : vector<1280x1xf32> to vector<1280x128xf32>
    %mul3A_39 = arith.mulf %get3A_37, %mul3A_38 : vector<1280x128xf32>
    %swap3A_40 = arith.constant 1 : index
    %swap3A_41 = arith.constant 0 : index
    %swap3A_42 = arith.constant 0 : index
    %swap3A_43 = vector.load %arg6[%swap3A_40, %swap3A_41, %swap3A_42] : memref<2x1280x128xf32, #tpu.memory_space<vmem>>, vector<1x1280x128xf32>
    %swap3A_44 = vector.shape_cast %swap3A_43 : vector<1x1280x128xf32> to vector<1280x128xf32>
    %swap3A_45 = vector.shape_cast %mul3A_39 : vector<1280x128xf32> to vector<1x1280x128xf32>
    tpu.vector_store %arg6[%swap3A_40, %swap3A_41, %swap3A_42], %swap3A_45 {strides = array<i32>} : memref<2x1280x128xf32, #tpu.memory_space<vmem>>, vector<1x1280x128xf32>,
    return
  }
  func.func @transform_0(%arg0: i32) -> (i32, i32) {
    %c0_i32 = arith.constant 0 : i32
    %c0_i32_0 = arith.constant 0 : i32
    return %arg0, %c0_i32 : i32, i32
  }
  func.func @transform_1(%arg0: i32) -> (i32, i32) {
    %c0_i32 = arith.constant 0 : i32
    %c0_i32_0 = arith.constant 0 : i32
    return %arg0, %c0_i32 : i32, i32
  }
  func.func @transform_2(%arg0: i32) -> (i32, i32) {
    %c0_i32 = arith.constant 0 : i32
    %c0_i32_0 = arith.constant 0 : i32
    return %arg0, %c0_i32 : i32, i32
  }
  func.func @transform_3(%arg0: i32) -> (i32, i32) {
    %c0_i32 = arith.constant 0 : i32
    %c0_i32_0 = arith.constant 0 : i32
    return %arg0, %c0_i32 : i32, i32
  }
  func.func @transform_4(%arg0: i32) -> (i32, i32) {
    %c0_i32 = arith.constant 0 : i32
    %c0_i32_0 = arith.constant 0 : i32
    return %arg0, %c0_i32 : i32, i32
  }
  func.func @transform_5(%arg0: i32) -> (i32, i32, i32) {
    %c0_i32 = arith.constant 0 : i32
    %c0_i32_0 = arith.constant 0 : i32
    %c0_i32_1 = arith.constant 0 : i32
    return %c0_i32, %arg0, %c0_i32_0 : i32, i32, i32
  }
}

module attributes {stable_mosaic.version = 14 : i64} {
  func.func @_layer_body(%arg0: i32, %arg1: memref<2x1280x128xf32, #tpu.memory_space<vmem>>, %arg2: memref<2x1280x128xf32, #tpu.memory_space<vmem>>, %arg3: memref<1280x1xf32, #tpu.memory_space<vmem>>, %arg4: memref<1280x1xf32, #tpu.memory_space<vmem>>, %arg5: memref<256x256xf32, #tpu.memory_space<vmem>>, %arg6: memref<1x256xf32, #tpu.memory_space<vmem>>, %arg7: memref<2x1280x128xf32, #tpu.memory_space<vmem>>) attributes {dimension_semantics = [#tpu.dimension_semantics<arbitrary>], iteration_bounds = array<i64: 8>, scalar_prefetch = 0 : i64, scratch_operands = 0 : i64, tpu.core_type = #tpu.core_type<tc>, window_params = [{transform_indices = @transform_0, window_bounds = array<i64: 2, 1280, 128>}, {transform_indices = @transform_1, window_bounds = array<i64: 2, 1280, 128>}, {transform_indices = @transform_2, window_bounds = array<i64: 1280, 1>}, {transform_indices = @transform_3, window_bounds = array<i64: 1280, 1>}, {pipeline_mode = #tpu.pipeline_mode<synchronous>, transform_indices = @transform_4, window_bounds = array<i64: 256, 256>}, {pipeline_mode = #tpu.pipeline_mode<synchronous>, transform_indices = @transform_5, window_bounds = array<i64: 1, 256>}, {transform_indices = @transform_6, window_bounds = array<i64: 2, 1280, 128>}]} {
    %get3A = arith.constant 0 : index
    %get3A_0 = arith.constant 0 : index
    %get3A_1 = arith.constant 0 : index
    %get3A_2 = vector.load %arg1[%get3A, %get3A_0, %get3A_1] : memref<2x1280x128xf32, #tpu.memory_space<vmem>>, vector<1x1280x128xf32>
    %get3A_3 = vector.shape_cast %get3A_2 : vector<1x1280x128xf32> to vector<1280x128xf32>
    %get3A_4 = arith.constant 0 : index
    %get3A_5 = arith.constant 0 : index
    %get3A_6 = arith.constant 0 : index
    %get3A_7 = vector.load %arg2[%get3A_4, %get3A_5, %get3A_6] : memref<2x1280x128xf32, #tpu.memory_space<vmem>>, vector<1x1280x128xf32>
    %get3A_8 = vector.shape_cast %get3A_7 : vector<1x1280x128xf32> to vector<1280x128xf32>
    %add3A = arith.addf %get3A_3, %get3A_8 : vector<1280x128xf32>
    %get3A_9 = arith.constant 1 : index
    %get3A_10 = arith.constant 0 : index
    %get3A_11 = arith.constant 0 : index
    %get3A_12 = vector.load %arg1[%get3A_9, %get3A_10, %get3A_11] : memref<2x1280x128xf32, #tpu.memory_space<vmem>>, vector<1x1280x128xf32>
    %get3A_13 = vector.shape_cast %get3A_12 : vector<1x1280x128xf32> to vector<1280x128xf32>
    %get3A_14 = arith.constant 1 : index
    %get3A_15 = arith.constant 0 : index
    %get3A_16 = arith.constant 0 : index
    %get3A_17 = vector.load %arg2[%get3A_14, %get3A_15, %get3A_16] : memref<2x1280x128xf32, #tpu.memory_space<vmem>>, vector<1x1280x128xf32>
    %get3A_18 = vector.shape_cast %get3A_17 : vector<1x1280x128xf32> to vector<1280x128xf32>
    %add3A_19 = arith.addf %get3A_13, %get3A_18 : vector<1280x128xf32>
    %concatenate3A = tpu.concatenate %add3A, %add3A_19 in 1 : vector<1280x128xf32>, vector<1280x128xf32> -> vector<1280x256xf32>
    %get3A_20 = arith.constant 0 : index
    %get3A_21 = arith.constant 0 : index
    %get3A_22 = vector.load %arg3[%get3A_20, %get3A_21] : memref<1280x1xf32, #tpu.memory_space<vmem>>, vector<1280x1xf32>
    %mul3A = vector.broadcast %get3A_22 : vector<1280x1xf32> to vector<1280x256xf32>
    %mul3A_23 = arith.mulf %concatenate3A, %mul3A : vector<1280x256xf32>
    %get3A_24 = arith.constant 0 : index
    %get3A_25 = arith.constant 0 : index
    %get3A_26 = vector.load %arg5[%get3A_24, %get3A_25] : memref<256x256xf32, #tpu.memory_space<vmem>>, vector<256x256xf32>
    %dot_general3A = arith.constant dense<0.000000e+00> : vector<1280x256xf32>
    %dot_general3A_27 = tpu.matmul %mul3A_23, %get3A_26, %dot_general3A {dimension_numbers = #tpu.dot_dimension_numbers<[1], [0], [0], [1], [0, 0, 1, 1], [], []>, precision = #tpu.contract_precision<fp32>, transpose_lhs_hint = false} : vector<1280x256xf32>, vector<256x256xf32>, vector<1280x256xf32> -> vector<1280x256xf32>
    %get3A_28 = arith.constant 0 : index
    %get3A_29 = arith.constant 0 : index
    %get3A_30 = vector.load %arg6[%get3A_28, %get3A_29] : memref<1x256xf32, #tpu.memory_space<vmem>>, vector<1x256xf32>
    %add3A_31 = vector.broadcast %get3A_30 : vector<1x256xf32> to vector<1280x256xf32>
    %add3A_32 = arith.addf %dot_general3A_27, %add3A_31 : vector<1280x256xf32>
    %max3A = arith.constant 0.000000e+00 : f32
    %max3A_33 = vector.broadcast %max3A : f32 to vector<1280x256xf32>
    %max3A_34 = arith.maximumf %add3A_32, %max3A_33 : vector<1280x256xf32>
    %get3A_35 = arith.constant 0 : index
    %get3A_36 = arith.constant 0 : index
    %get3A_37 = vector.load %arg4[%get3A_35, %get3A_36] : memref<1280x1xf32, #tpu.memory_space<vmem>>, vector<1280x1xf32>
    %slice3A = vector.extract_strided_slice %max3A_34 {offsets = [0, 0], sizes = [1280, 128], strides = [1, 1]} : vector<1280x256xf32> to vector<1280x128xf32>
    %mul3A_38 = vector.broadcast %get3A_37 : vector<1280x1xf32> to vector<1280x128xf32>
    %mul3A_39 = arith.mulf %slice3A, %mul3A_38 : vector<1280x128xf32>
    %swap3A = arith.constant 0 : index
    %swap3A_40 = arith.constant 0 : index
    %swap3A_41 = arith.constant 0 : index
    %swap3A_42 = vector.load %arg7[%swap3A, %swap3A_40, %swap3A_41] : memref<2x1280x128xf32, #tpu.memory_space<vmem>>, vector<1x1280x128xf32>
    %swap3A_43 = vector.shape_cast %swap3A_42 : vector<1x1280x128xf32> to vector<1280x128xf32>
    %swap3A_44 = vector.shape_cast %mul3A_39 : vector<1280x128xf32> to vector<1x1280x128xf32>
    tpu.vector_store %arg7[%swap3A, %swap3A_40, %swap3A_41], %swap3A_44 {strides = array<i32>} : memref<2x1280x128xf32, #tpu.memory_space<vmem>>, vector<1x1280x128xf32>,
    %slice3A_45 = vector.extract_strided_slice %max3A_34 {offsets = [0, 128], sizes = [1280, 128], strides = [1, 1]} : vector<1280x256xf32> to vector<1280x128xf32>
    %mul3A_46 = vector.broadcast %get3A_37 : vector<1280x1xf32> to vector<1280x128xf32>
    %mul3A_47 = arith.mulf %slice3A_45, %mul3A_46 : vector<1280x128xf32>
    %swap3A_48 = arith.constant 1 : index
    %swap3A_49 = arith.constant 0 : index
    %swap3A_50 = arith.constant 0 : index
    %swap3A_51 = vector.load %arg7[%swap3A_48, %swap3A_49, %swap3A_50] : memref<2x1280x128xf32, #tpu.memory_space<vmem>>, vector<1x1280x128xf32>
    %swap3A_52 = vector.shape_cast %swap3A_51 : vector<1x1280x128xf32> to vector<1280x128xf32>
    %swap3A_53 = vector.shape_cast %mul3A_47 : vector<1280x128xf32> to vector<1x1280x128xf32>
    tpu.vector_store %arg7[%swap3A_48, %swap3A_49, %swap3A_50], %swap3A_53 {strides = array<i32>} : memref<2x1280x128xf32, #tpu.memory_space<vmem>>, vector<1x1280x128xf32>,
    return
  }
  func.func @transform_0(%arg0: i32) -> (i32, i32, i32) {
    %c0_i32 = arith.constant 0 : i32
    %c0_i32_0 = arith.constant 0 : i32
    %c0_i32_1 = arith.constant 0 : i32
    return %c0_i32, %arg0, %c0_i32_0 : i32, i32, i32
  }
  func.func @transform_1(%arg0: i32) -> (i32, i32, i32) {
    %c0_i32 = arith.constant 0 : i32
    %c0_i32_0 = arith.constant 0 : i32
    %c0_i32_1 = arith.constant 0 : i32
    return %c0_i32, %arg0, %c0_i32_0 : i32, i32, i32
  }
  func.func @transform_2(%arg0: i32) -> (i32, i32) {
    %c0_i32 = arith.constant 0 : i32
    %c0_i32_0 = arith.constant 0 : i32
    return %arg0, %c0_i32 : i32, i32
  }
  func.func @transform_3(%arg0: i32) -> (i32, i32) {
    %c0_i32 = arith.constant 0 : i32
    %c0_i32_0 = arith.constant 0 : i32
    return %arg0, %c0_i32 : i32, i32
  }
  func.func @transform_4(%arg0: i32) -> (i32, i32) {
    %c0_i32 = arith.constant 0 : i32
    %c0_i32_0 = arith.constant 0 : i32
    %c0_i32_1 = arith.constant 0 : i32
    return %c0_i32, %c0_i32_0 : i32, i32
  }
  func.func @transform_5(%arg0: i32) -> (i32, i32) {
    %c0_i32 = arith.constant 0 : i32
    %c0_i32_0 = arith.constant 0 : i32
    %c0_i32_1 = arith.constant 0 : i32
    return %c0_i32, %c0_i32_0 : i32, i32
  }
  func.func @transform_6(%arg0: i32) -> (i32, i32, i32) {
    %c0_i32 = arith.constant 0 : i32
    %c0_i32_0 = arith.constant 0 : i32
    %c0_i32_1 = arith.constant 0 : i32
    return %c0_i32, %arg0, %c0_i32_0 : i32, i32, i32
  }
}

module attributes {stable_mosaic.version = 14 : i64} {
  func.func @_pool_body(%arg0: memref<10240x256xf32, #tpu.memory_space<vmem>>, %arg1: memref<64x256xf32, #tpu.memory_space<vmem>>, %arg2: memref<64x256xf32, #tpu.memory_space<vmem>>) attributes {dimension_semantics = [], scalar_prefetch = 0 : i64, scratch_operands = 1 : i64, tpu.core_type = #tpu.core_type<tc>} {
    %get3A = arith.constant 0 : index
    %get3A_0 = arith.constant 0 : index
    %get3A_1 = vector.load %arg0[%get3A, %get3A_0] : memref<10240x256xf32, #tpu.memory_space<vmem>>, vector<10240x256xf32>
    %reshape3A = vector.shape_cast %get3A_1 : vector<10240x256xf32> to vector<80x128x256xf32>
    %iota3A = tpu.iota {dimensions = array<i32: 0>} : vector<80x128xi32>
    %mul3A = arith.constant 128 : i32
    %mul3A_2 = vector.broadcast %mul3A : i32 to vector<80x128xi32>
    %mul3A_3 = arith.muli %iota3A, %mul3A_2 : vector<80x128xi32>
    %iota3A_4 = tpu.iota {dimensions = array<i32: 1>} : vector<80x128xi32>
    %add3A = arith.addi %mul3A_3, %iota3A_4 : vector<80x128xi32>
    %reduce_max3A = arith.constant dense<0xFF800000> : vector<80x128xf32>
    %reduce_max3A_5 = vector.multi_reduction <maximumf>, %reshape3A, %reduce_max3A [2] : vector<80x128x256xf32> to vector<80x128xf32>
    %lt3A = arith.constant 10000 : i32
    %lt3A_6 = vector.broadcast %lt3A : i32 to vector<80x128xi32>
    %lt3A_7 = arith.cmpi slt, %add3A, %lt3A_6 : vector<80x128xi32>
    %jit3A = arith.constant 0xFF800000 : f32
    %broadcast_in_dim3A = vector.broadcast %jit3A : f32 to vector<80x128xf32>
    %select_n3A = arith.select %lt3A_7, %reduce_max3A_5, %broadcast_in_dim3A : vector<80x128xi1>, vector<80x128xf32>
    %scan3A = arith.constant 0 : i32
    %scan3A_8 = arith.constant 64 : i32
    %scan3A_9 = arith.addi %scan3A, %scan3A_8 : i32
    %scan3A_10 = arith.constant 1 : i32
    %scan3A_11 = scf.for %scan3A_241 = %scan3A to %scan3A_9 step %scan3A_10 iter_args(%scan3A_242 = %select_n3A) -> (vector<80x128xf32>)  : i32 {
      %reduce_max3A_243 = vector.shape_cast %scan3A_242 : vector<80x128xf32> to vector<1x80x128xf32>
      %reduce_max3A_244 = arith.constant dense<0xFF800000> : vector<1xf32>
      %reduce_max3A_245 = vector.multi_reduction <maximumf>, %reduce_max3A_243, %reduce_max3A_244 [1, 2] : vector<1x80x128xf32> to vector<1xf32>
      %reduce_max3A_246 = vector.shape_cast %reduce_max3A_245 : vector<1xf32> to vector<1x1x1xf32>
      %reduce_max3A_247 = vector.extract %reduce_max3A_246[0, 0, 0] : f32 from vector<1x1x1xf32>
      %eq3A_248 = vector.broadcast %reduce_max3A_247 : f32 to vector<80x128xf32>
      %eq3A_249 = arith.cmpf oeq, %scan3A_242, %eq3A_248 : vector<80x128xf32>
      %jit3A_250 = arith.constant 10240 : i32
      %broadcast_in_dim3A_251 = vector.broadcast %jit3A_250 : i32 to vector<80x128xi32>
      %select_n3A_252 = arith.select %eq3A_249, %add3A, %broadcast_in_dim3A_251 : vector<80x128xi1>, vector<80x128xi32>
      %reduce_min3A = vector.shape_cast %select_n3A_252 : vector<80x128xi32> to vector<1x80x128xi32>
      %reduce_min3A_253 = arith.constant dense<2147483647> : vector<1xi32>
      %reduce_min3A_254 = vector.multi_reduction <minsi>, %reduce_min3A, %reduce_min3A_253 [1, 2] : vector<1x80x128xi32> to vector<1xi32>
      %reduce_min3A_255 = vector.shape_cast %reduce_min3A_254 : vector<1xi32> to vector<1x1x1xi32>
      %reduce_min3A_256 = vector.extract %reduce_min3A_255[0, 0, 0] : i32 from vector<1x1x1xi32>
      %get3A_257 = arith.index_cast %reduce_min3A_256 : i32 to index
      %get3A_258 = arith.constant 0 : index
      %get3A_259 = vector.load %arg0[%get3A_257, %get3A_258] : memref<10240x256xf32, #tpu.memory_space<vmem>>, vector<1x256xf32>
      %swap3A_260 = arith.index_cast %scan3A_241 : i32 to index
      %swap3A_261 = arith.constant 0 : index
      %swap3A_262 = vector.load %arg2[%swap3A_260, %swap3A_261] : memref<64x256xf32, #tpu.memory_space<vmem>>, vector<1x256xf32>
      tpu.vector_store %arg2[%swap3A_260, %swap3A_261], %get3A_259 {strides = array<i32>} : memref<64x256xf32, #tpu.memory_space<vmem>>, vector<1x256xf32>,
      %eq3A_263 = vector.broadcast %reduce_min3A_256 : i32 to vector<80x128xi32>
      %eq3A_264 = arith.cmpi eq, %add3A, %eq3A_263 : vector<80x128xi32>
      %jit3A_265 = arith.constant 0xFF800000 : f32
      %broadcast_in_dim3A_266 = vector.broadcast %jit3A_265 : f32 to vector<80x128xf32>
      %select_n3A_267 = arith.select %eq3A_264, %broadcast_in_dim3A_266, %scan3A_242 : vector<80x128xi1>, vector<80x128xf32>
      scf.yield %select_n3A_267 : vector<80x128xf32>
    }
    %scan3A_12 = arith.constant 64 : i32
    %iota3A_13 = tpu.iota {dimensions = array<i32: 1>} : vector<8x256x256xi32>
    %iota3A_14 = tpu.iota {dimensions = array<i32: 2>} : vector<8x256x256xi32>
    %get3A_15 = arith.constant 0 : index
    %get3A_16 = arith.constant 0 : index
    %get3A_17 = vector.load %arg2[%get3A_15, %get3A_16] : memref<64x256xf32, #tpu.memory_space<vmem>>, vector<8x256xf32>
    %broadcast_in_dim3A_18 = vector.shape_cast %get3A_17 : vector<8x256xf32> to vector<8x1x256xf32>
    %broadcast_in_dim3A_19 = vector.shape_cast %broadcast_in_dim3A_18 : vector<8x1x256xf32> to vector<8x1x256xf32>
    %broadcast_in_dim3A_20 = vector.broadcast %broadcast_in_dim3A_19 : vector<8x1x256xf32> to vector<8x256x256xf32>
    %broadcast_in_dim3A_21 = vector.shape_cast %get3A_17 : vector<8x256xf32> to vector<8x256x1xf32>
    %broadcast_in_dim3A_22 = vector.shape_cast %broadcast_in_dim3A_21 : vector<8x256x1xf32> to vector<8x256x1xf32>
    %broadcast_in_dim3A_23 = vector.broadcast %broadcast_in_dim3A_22 : vector<8x256x1xf32> to vector<8x256x256xf32>
    %lt3A_24 = arith.cmpf olt, %broadcast_in_dim3A_20, %broadcast_in_dim3A_23 : vector<8x256x256xf32>
    %eq3A = arith.cmpf oeq, %broadcast_in_dim3A_20, %broadcast_in_dim3A_23 : vector<8x256x256xf32>
    %lt3A_25 = arith.cmpi slt, %iota3A_14, %iota3A_13 : vector<8x256x256xi32>
    %and3A = arith.andi %eq3A, %lt3A_25 : vector<8x256x256xi1>
    %or3A = arith.ori %lt3A_24, %and3A : vector<8x256x256xi1>
    %convert_element_type3A = arith.extui %or3A : vector<8x256x256xi1> to vector<8x256x256xi32>
    %reduce_sum3A = arith.constant dense<0> : vector<8x256xi32>
    %reduce_sum3A_26 = vector.multi_reduction <add>, %convert_element_type3A, %reduce_sum3A [2] : vector<8x256x256xi32> to vector<8x256xi32>
    %broadcast_in_dim3A_27 = vector.shape_cast %reduce_sum3A_26 : vector<8x256xi32> to vector<8x256x1xi32>
    %broadcast_in_dim3A_28 = vector.shape_cast %broadcast_in_dim3A_27 : vector<8x256x1xi32> to vector<8x256x1xi32>
    %broadcast_in_dim3A_29 = vector.broadcast %broadcast_in_dim3A_28 : vector<8x256x1xi32> to vector<8x256x256xi32>
    %eq3A_30 = arith.cmpi eq, %broadcast_in_dim3A_29, %iota3A_14 : vector<8x256x256xi32>
    %jit3A_31 = arith.constant 0.000000e+00 : f32
    %broadcast_in_dim3A_32 = vector.broadcast %jit3A_31 : f32 to vector<8x256x256xf32>
    %select_n3A_33 = arith.select %eq3A_30, %broadcast_in_dim3A_23, %broadcast_in_dim3A_32 : vector<8x256x256xi1>, vector<8x256x256xf32>
    %reduce_sum3A_34 = arith.constant dense<0.000000e+00> : vector<8x256xf32>
    %reduce_sum3A_35 = vector.multi_reduction <add>, %select_n3A_33, %reduce_sum3A_34 [1] : vector<8x256x256xf32> to vector<8x256xf32>
    %swap3A = arith.constant 0 : index
    %swap3A_36 = arith.constant 0 : index
    %swap3A_37 = vector.load %arg1[%swap3A, %swap3A_36] : memref<64x256xf32, #tpu.memory_space<vmem>>, vector<8x256xf32>
    tpu.vector_store %arg1[%swap3A, %swap3A_36], %reduce_sum3A_35 {strides = array<i32>} : memref<64x256xf32, #tpu.memory_space<vmem>>, vector<8x256xf32>,
    %get3A_38 = arith.constant 8 : index
    %get3A_39 = arith.constant 0 : index
    %get3A_40 = vector.load %arg2[%get3A_38, %get3A_39] : memref<64x256xf32, #tpu.memory_space<vmem>>, vector<8x256xf32>
    %broadcast_in_dim3A_41 = vector.shape_cast %get3A_40 : vector<8x256xf32> to vector<8x1x256xf32>
    %broadcast_in_dim3A_42 = vector.shape_cast %broadcast_in_dim3A_41 : vector<8x1x256xf32> to vector<8x1x256xf32>
    %broadcast_in_dim3A_43 = vector.broadcast %broadcast_in_dim3A_42 : vector<8x1x256xf32> to vector<8x256x256xf32>
    %broadcast_in_dim3A_44 = vector.shape_cast %get3A_40 : vector<8x256xf32> to vector<8x256x1xf32>
    %broadcast_in_dim3A_45 = vector.shape_cast %broadcast_in_dim3A_44 : vector<8x256x1xf32> to vector<8x256x1xf32>
    %broadcast_in_dim3A_46 = vector.broadcast %broadcast_in_dim3A_45 : vector<8x256x1xf32> to vector<8x256x256xf32>
    %lt3A_47 = arith.cmpf olt, %broadcast_in_dim3A_43, %broadcast_in_dim3A_46 : vector<8x256x256xf32>
    %eq3A_48 = arith.cmpf oeq, %broadcast_in_dim3A_43, %broadcast_in_dim3A_46 : vector<8x256x256xf32>
    %lt3A_49 = arith.cmpi slt, %iota3A_14, %iota3A_13 : vector<8x256x256xi32>
    %and3A_50 = arith.andi %eq3A_48, %lt3A_49 : vector<8x256x256xi1>
    %or3A_51 = arith.ori %lt3A_47, %and3A_50 : vector<8x256x256xi1>
    %convert_element_type3A_52 = arith.extui %or3A_51 : vector<8x256x256xi1> to vector<8x256x256xi32>
    %reduce_sum3A_53 = arith.constant dense<0> : vector<8x256xi32>
    %reduce_sum3A_54 = vector.multi_reduction <add>, %convert_element_type3A_52, %reduce_sum3A_53 [2] : vector<8x256x256xi32> to vector<8x256xi32>
    %broadcast_in_dim3A_55 = vector.shape_cast %reduce_sum3A_54 : vector<8x256xi32> to vector<8x256x1xi32>
    %broadcast_in_dim3A_56 = vector.shape_cast %broadcast_in_dim3A_55 : vector<8x256x1xi32> to vector<8x256x1xi32>
    %broadcast_in_dim3A_57 = vector.broadcast %broadcast_in_dim3A_56 : vector<8x256x1xi32> to vector<8x256x256xi32>
    %eq3A_58 = arith.cmpi eq, %broadcast_in_dim3A_57, %iota3A_14 : vector<8x256x256xi32>
    %jit3A_59 = arith.constant 0.000000e+00 : f32
    %broadcast_in_dim3A_60 = vector.broadcast %jit3A_59 : f32 to vector<8x256x256xf32>
    %select_n3A_61 = arith.select %eq3A_58, %broadcast_in_dim3A_46, %broadcast_in_dim3A_60 : vector<8x256x256xi1>, vector<8x256x256xf32>
    %reduce_sum3A_62 = arith.constant dense<0.000000e+00> : vector<8x256xf32>
    %reduce_sum3A_63 = vector.multi_reduction <add>, %select_n3A_61, %reduce_sum3A_62 [1] : vector<8x256x256xf32> to vector<8x256xf32>
    %swap3A_64 = arith.constant 8 : index
    %swap3A_65 = arith.constant 0 : index
    %swap3A_66 = vector.load %arg1[%swap3A_64, %swap3A_65] : memref<64x256xf32, #tpu.memory_space<vmem>>, vector<8x256xf32>
    tpu.vector_store %arg1[%swap3A_64, %swap3A_65], %reduce_sum3A_63 {strides = array<i32>} : memref<64x256xf32, #tpu.memory_space<vmem>>, vector<8x256xf32>,
    %get3A_67 = arith.constant 16 : index
    %get3A_68 = arith.constant 0 : index
    %get3A_69 = vector.load %arg2[%get3A_67, %get3A_68] : memref<64x256xf32, #tpu.memory_space<vmem>>, vector<8x256xf32>
    %broadcast_in_dim3A_70 = vector.shape_cast %get3A_69 : vector<8x256xf32> to vector<8x1x256xf32>
    %broadcast_in_dim3A_71 = vector.shape_cast %broadcast_in_dim3A_70 : vector<8x1x256xf32> to vector<8x1x256xf32>
    %broadcast_in_dim3A_72 = vector.broadcast %broadcast_in_dim3A_71 : vector<8x1x256xf32> to vector<8x256x256xf32>
    %broadcast_in_dim3A_73 = vector.shape_cast %get3A_69 : vector<8x256xf32> to vector<8x256x1xf32>
    %broadcast_in_dim3A_74 = vector.shape_cast %broadcast_in_dim3A_73 : vector<8x256x1xf32> to vector<8x256x1xf32>
    %broadcast_in_dim3A_75 = vector.broadcast %broadcast_in_dim3A_74 : vector<8x256x1xf32> to vector<8x256x256xf32>
    %lt3A_76 = arith.cmpf olt, %broadcast_in_dim3A_72, %broadcast_in_dim3A_75 : vector<8x256x256xf32>
    %eq3A_77 = arith.cmpf oeq, %broadcast_in_dim3A_72, %broadcast_in_dim3A_75 : vector<8x256x256xf32>
    %lt3A_78 = arith.cmpi slt, %iota3A_14, %iota3A_13 : vector<8x256x256xi32>
    %and3A_79 = arith.andi %eq3A_77, %lt3A_78 : vector<8x256x256xi1>
    %or3A_80 = arith.ori %lt3A_76, %and3A_79 : vector<8x256x256xi1>
    %convert_element_type3A_81 = arith.extui %or3A_80 : vector<8x256x256xi1> to vector<8x256x256xi32>
    %reduce_sum3A_82 = arith.constant dense<0> : vector<8x256xi32>
    %reduce_sum3A_83 = vector.multi_reduction <add>, %convert_element_type3A_81, %reduce_sum3A_82 [2] : vector<8x256x256xi32> to vector<8x256xi32>
    %broadcast_in_dim3A_84 = vector.shape_cast %reduce_sum3A_83 : vector<8x256xi32> to vector<8x256x1xi32>
    %broadcast_in_dim3A_85 = vector.shape_cast %broadcast_in_dim3A_84 : vector<8x256x1xi32> to vector<8x256x1xi32>
    %broadcast_in_dim3A_86 = vector.broadcast %broadcast_in_dim3A_85 : vector<8x256x1xi32> to vector<8x256x256xi32>
    %eq3A_87 = arith.cmpi eq, %broadcast_in_dim3A_86, %iota3A_14 : vector<8x256x256xi32>
    %jit3A_88 = arith.constant 0.000000e+00 : f32
    %broadcast_in_dim3A_89 = vector.broadcast %jit3A_88 : f32 to vector<8x256x256xf32>
    %select_n3A_90 = arith.select %eq3A_87, %broadcast_in_dim3A_75, %broadcast_in_dim3A_89 : vector<8x256x256xi1>, vector<8x256x256xf32>
    %reduce_sum3A_91 = arith.constant dense<0.000000e+00> : vector<8x256xf32>
    %reduce_sum3A_92 = vector.multi_reduction <add>, %select_n3A_90, %reduce_sum3A_91 [1] : vector<8x256x256xf32> to vector<8x256xf32>
    %swap3A_93 = arith.constant 16 : index
    %swap3A_94 = arith.constant 0 : index
    %swap3A_95 = vector.load %arg1[%swap3A_93, %swap3A_94] : memref<64x256xf32, #tpu.memory_space<vmem>>, vector<8x256xf32>
    tpu.vector_store %arg1[%swap3A_93, %swap3A_94], %reduce_sum3A_92 {strides = array<i32>} : memref<64x256xf32, #tpu.memory_space<vmem>>, vector<8x256xf32>,
    %get3A_96 = arith.constant 24 : index
    %get3A_97 = arith.constant 0 : index
    %get3A_98 = vector.load %arg2[%get3A_96, %get3A_97] : memref<64x256xf32, #tpu.memory_space<vmem>>, vector<8x256xf32>
    %broadcast_in_dim3A_99 = vector.shape_cast %get3A_98 : vector<8x256xf32> to vector<8x1x256xf32>
    %broadcast_in_dim3A_100 = vector.shape_cast %broadcast_in_dim3A_99 : vector<8x1x256xf32> to vector<8x1x256xf32>
    %broadcast_in_dim3A_101 = vector.broadcast %broadcast_in_dim3A_100 : vector<8x1x256xf32> to vector<8x256x256xf32>
    %broadcast_in_dim3A_102 = vector.shape_cast %get3A_98 : vector<8x256xf32> to vector<8x256x1xf32>
    %broadcast_in_dim3A_103 = vector.shape_cast %broadcast_in_dim3A_102 : vector<8x256x1xf32> to vector<8x256x1xf32>
    %broadcast_in_dim3A_104 = vector.broadcast %broadcast_in_dim3A_103 : vector<8x256x1xf32> to vector<8x256x256xf32>
    %lt3A_105 = arith.cmpf olt, %broadcast_in_dim3A_101, %broadcast_in_dim3A_104 : vector<8x256x256xf32>
    %eq3A_106 = arith.cmpf oeq, %broadcast_in_dim3A_101, %broadcast_in_dim3A_104 : vector<8x256x256xf32>
    %lt3A_107 = arith.cmpi slt, %iota3A_14, %iota3A_13 : vector<8x256x256xi32>
    %and3A_108 = arith.andi %eq3A_106, %lt3A_107 : vector<8x256x256xi1>
    %or3A_109 = arith.ori %lt3A_105, %and3A_108 : vector<8x256x256xi1>
    %convert_element_type3A_110 = arith.extui %or3A_109 : vector<8x256x256xi1> to vector<8x256x256xi32>
    %reduce_sum3A_111 = arith.constant dense<0> : vector<8x256xi32>
    %reduce_sum3A_112 = vector.multi_reduction <add>, %convert_element_type3A_110, %reduce_sum3A_111 [2] : vector<8x256x256xi32> to vector<8x256xi32>
    %broadcast_in_dim3A_113 = vector.shape_cast %reduce_sum3A_112 : vector<8x256xi32> to vector<8x256x1xi32>
    %broadcast_in_dim3A_114 = vector.shape_cast %broadcast_in_dim3A_113 : vector<8x256x1xi32> to vector<8x256x1xi32>
    %broadcast_in_dim3A_115 = vector.broadcast %broadcast_in_dim3A_114 : vector<8x256x1xi32> to vector<8x256x256xi32>
    %eq3A_116 = arith.cmpi eq, %broadcast_in_dim3A_115, %iota3A_14 : vector<8x256x256xi32>
    %jit3A_117 = arith.constant 0.000000e+00 : f32
    %broadcast_in_dim3A_118 = vector.broadcast %jit3A_117 : f32 to vector<8x256x256xf32>
    %select_n3A_119 = arith.select %eq3A_116, %broadcast_in_dim3A_104, %broadcast_in_dim3A_118 : vector<8x256x256xi1>, vector<8x256x256xf32>
    %reduce_sum3A_120 = arith.constant dense<0.000000e+00> : vector<8x256xf32>
    %reduce_sum3A_121 = vector.multi_reduction <add>, %select_n3A_119, %reduce_sum3A_120 [1] : vector<8x256x256xf32> to vector<8x256xf32>
    %swap3A_122 = arith.constant 24 : index
    %swap3A_123 = arith.constant 0 : index
    %swap3A_124 = vector.load %arg1[%swap3A_122, %swap3A_123] : memref<64x256xf32, #tpu.memory_space<vmem>>, vector<8x256xf32>
    tpu.vector_store %arg1[%swap3A_122, %swap3A_123], %reduce_sum3A_121 {strides = array<i32>} : memref<64x256xf32, #tpu.memory_space<vmem>>, vector<8x256xf32>,
    %get3A_125 = arith.constant 32 : index
    %get3A_126 = arith.constant 0 : index
    %get3A_127 = vector.load %arg2[%get3A_125, %get3A_126] : memref<64x256xf32, #tpu.memory_space<vmem>>, vector<8x256xf32>
    %broadcast_in_dim3A_128 = vector.shape_cast %get3A_127 : vector<8x256xf32> to vector<8x1x256xf32>
    %broadcast_in_dim3A_129 = vector.shape_cast %broadcast_in_dim3A_128 : vector<8x1x256xf32> to vector<8x1x256xf32>
    %broadcast_in_dim3A_130 = vector.broadcast %broadcast_in_dim3A_129 : vector<8x1x256xf32> to vector<8x256x256xf32>
    %broadcast_in_dim3A_131 = vector.shape_cast %get3A_127 : vector<8x256xf32> to vector<8x256x1xf32>
    %broadcast_in_dim3A_132 = vector.shape_cast %broadcast_in_dim3A_131 : vector<8x256x1xf32> to vector<8x256x1xf32>
    %broadcast_in_dim3A_133 = vector.broadcast %broadcast_in_dim3A_132 : vector<8x256x1xf32> to vector<8x256x256xf32>
    %lt3A_134 = arith.cmpf olt, %broadcast_in_dim3A_130, %broadcast_in_dim3A_133 : vector<8x256x256xf32>
    %eq3A_135 = arith.cmpf oeq, %broadcast_in_dim3A_130, %broadcast_in_dim3A_133 : vector<8x256x256xf32>
    %lt3A_136 = arith.cmpi slt, %iota3A_14, %iota3A_13 : vector<8x256x256xi32>
    %and3A_137 = arith.andi %eq3A_135, %lt3A_136 : vector<8x256x256xi1>
    %or3A_138 = arith.ori %lt3A_134, %and3A_137 : vector<8x256x256xi1>
    %convert_element_type3A_139 = arith.extui %or3A_138 : vector<8x256x256xi1> to vector<8x256x256xi32>
    %reduce_sum3A_140 = arith.constant dense<0> : vector<8x256xi32>
    %reduce_sum3A_141 = vector.multi_reduction <add>, %convert_element_type3A_139, %reduce_sum3A_140 [2] : vector<8x256x256xi32> to vector<8x256xi32>
    %broadcast_in_dim3A_142 = vector.shape_cast %reduce_sum3A_141 : vector<8x256xi32> to vector<8x256x1xi32>
    %broadcast_in_dim3A_143 = vector.shape_cast %broadcast_in_dim3A_142 : vector<8x256x1xi32> to vector<8x256x1xi32>
    %broadcast_in_dim3A_144 = vector.broadcast %broadcast_in_dim3A_143 : vector<8x256x1xi32> to vector<8x256x256xi32>
    %eq3A_145 = arith.cmpi eq, %broadcast_in_dim3A_144, %iota3A_14 : vector<8x256x256xi32>
    %jit3A_146 = arith.constant 0.000000e+00 : f32
    %broadcast_in_dim3A_147 = vector.broadcast %jit3A_146 : f32 to vector<8x256x256xf32>
    %select_n3A_148 = arith.select %eq3A_145, %broadcast_in_dim3A_133, %broadcast_in_dim3A_147 : vector<8x256x256xi1>, vector<8x256x256xf32>
    %reduce_sum3A_149 = arith.constant dense<0.000000e+00> : vector<8x256xf32>
    %reduce_sum3A_150 = vector.multi_reduction <add>, %select_n3A_148, %reduce_sum3A_149 [1] : vector<8x256x256xf32> to vector<8x256xf32>
    %swap3A_151 = arith.constant 32 : index
    %swap3A_152 = arith.constant 0 : index
    %swap3A_153 = vector.load %arg1[%swap3A_151, %swap3A_152] : memref<64x256xf32, #tpu.memory_space<vmem>>, vector<8x256xf32>
    tpu.vector_store %arg1[%swap3A_151, %swap3A_152], %reduce_sum3A_150 {strides = array<i32>} : memref<64x256xf32, #tpu.memory_space<vmem>>, vector<8x256xf32>,
    %get3A_154 = arith.constant 40 : index
    %get3A_155 = arith.constant 0 : index
    %get3A_156 = vector.load %arg2[%get3A_154, %get3A_155] : memref<64x256xf32, #tpu.memory_space<vmem>>, vector<8x256xf32>
    %broadcast_in_dim3A_157 = vector.shape_cast %get3A_156 : vector<8x256xf32> to vector<8x1x256xf32>
    %broadcast_in_dim3A_158 = vector.shape_cast %broadcast_in_dim3A_157 : vector<8x1x256xf32> to vector<8x1x256xf32>
    %broadcast_in_dim3A_159 = vector.broadcast %broadcast_in_dim3A_158 : vector<8x1x256xf32> to vector<8x256x256xf32>
    %broadcast_in_dim3A_160 = vector.shape_cast %get3A_156 : vector<8x256xf32> to vector<8x256x1xf32>
    %broadcast_in_dim3A_161 = vector.shape_cast %broadcast_in_dim3A_160 : vector<8x256x1xf32> to vector<8x256x1xf32>
    %broadcast_in_dim3A_162 = vector.broadcast %broadcast_in_dim3A_161 : vector<8x256x1xf32> to vector<8x256x256xf32>
    %lt3A_163 = arith.cmpf olt, %broadcast_in_dim3A_159, %broadcast_in_dim3A_162 : vector<8x256x256xf32>
    %eq3A_164 = arith.cmpf oeq, %broadcast_in_dim3A_159, %broadcast_in_dim3A_162 : vector<8x256x256xf32>
    %lt3A_165 = arith.cmpi slt, %iota3A_14, %iota3A_13 : vector<8x256x256xi32>
    %and3A_166 = arith.andi %eq3A_164, %lt3A_165 : vector<8x256x256xi1>
    %or3A_167 = arith.ori %lt3A_163, %and3A_166 : vector<8x256x256xi1>
    %convert_element_type3A_168 = arith.extui %or3A_167 : vector<8x256x256xi1> to vector<8x256x256xi32>
    %reduce_sum3A_169 = arith.constant dense<0> : vector<8x256xi32>
    %reduce_sum3A_170 = vector.multi_reduction <add>, %convert_element_type3A_168, %reduce_sum3A_169 [2] : vector<8x256x256xi32> to vector<8x256xi32>
    %broadcast_in_dim3A_171 = vector.shape_cast %reduce_sum3A_170 : vector<8x256xi32> to vector<8x256x1xi32>
    %broadcast_in_dim3A_172 = vector.shape_cast %broadcast_in_dim3A_171 : vector<8x256x1xi32> to vector<8x256x1xi32>
    %broadcast_in_dim3A_173 = vector.broadcast %broadcast_in_dim3A_172 : vector<8x256x1xi32> to vector<8x256x256xi32>
    %eq3A_174 = arith.cmpi eq, %broadcast_in_dim3A_173, %iota3A_14 : vector<8x256x256xi32>
    %jit3A_175 = arith.constant 0.000000e+00 : f32
    %broadcast_in_dim3A_176 = vector.broadcast %jit3A_175 : f32 to vector<8x256x256xf32>
    %select_n3A_177 = arith.select %eq3A_174, %broadcast_in_dim3A_162, %broadcast_in_dim3A_176 : vector<8x256x256xi1>, vector<8x256x256xf32>
    %reduce_sum3A_178 = arith.constant dense<0.000000e+00> : vector<8x256xf32>
    %reduce_sum3A_179 = vector.multi_reduction <add>, %select_n3A_177, %reduce_sum3A_178 [1] : vector<8x256x256xf32> to vector<8x256xf32>
    %swap3A_180 = arith.constant 40 : index
    %swap3A_181 = arith.constant 0 : index
    %swap3A_182 = vector.load %arg1[%swap3A_180, %swap3A_181] : memref<64x256xf32, #tpu.memory_space<vmem>>, vector<8x256xf32>
    tpu.vector_store %arg1[%swap3A_180, %swap3A_181], %reduce_sum3A_179 {strides = array<i32>} : memref<64x256xf32, #tpu.memory_space<vmem>>, vector<8x256xf32>,
    %get3A_183 = arith.constant 48 : index
    %get3A_184 = arith.constant 0 : index
    %get3A_185 = vector.load %arg2[%get3A_183, %get3A_184] : memref<64x256xf32, #tpu.memory_space<vmem>>, vector<8x256xf32>
    %broadcast_in_dim3A_186 = vector.shape_cast %get3A_185 : vector<8x256xf32> to vector<8x1x256xf32>
    %broadcast_in_dim3A_187 = vector.shape_cast %broadcast_in_dim3A_186 : vector<8x1x256xf32> to vector<8x1x256xf32>
    %broadcast_in_dim3A_188 = vector.broadcast %broadcast_in_dim3A_187 : vector<8x1x256xf32> to vector<8x256x256xf32>
    %broadcast_in_dim3A_189 = vector.shape_cast %get3A_185 : vector<8x256xf32> to vector<8x256x1xf32>
    %broadcast_in_dim3A_190 = vector.shape_cast %broadcast_in_dim3A_189 : vector<8x256x1xf32> to vector<8x256x1xf32>
    %broadcast_in_dim3A_191 = vector.broadcast %broadcast_in_dim3A_190 : vector<8x256x1xf32> to vector<8x256x256xf32>
    %lt3A_192 = arith.cmpf olt, %broadcast_in_dim3A_188, %broadcast_in_dim3A_191 : vector<8x256x256xf32>
    %eq3A_193 = arith.cmpf oeq, %broadcast_in_dim3A_188, %broadcast_in_dim3A_191 : vector<8x256x256xf32>
    %lt3A_194 = arith.cmpi slt, %iota3A_14, %iota3A_13 : vector<8x256x256xi32>
    %and3A_195 = arith.andi %eq3A_193, %lt3A_194 : vector<8x256x256xi1>
    %or3A_196 = arith.ori %lt3A_192, %and3A_195 : vector<8x256x256xi1>
    %convert_element_type3A_197 = arith.extui %or3A_196 : vector<8x256x256xi1> to vector<8x256x256xi32>
    %reduce_sum3A_198 = arith.constant dense<0> : vector<8x256xi32>
    %reduce_sum3A_199 = vector.multi_reduction <add>, %convert_element_type3A_197, %reduce_sum3A_198 [2] : vector<8x256x256xi32> to vector<8x256xi32>
    %broadcast_in_dim3A_200 = vector.shape_cast %reduce_sum3A_199 : vector<8x256xi32> to vector<8x256x1xi32>
    %broadcast_in_dim3A_201 = vector.shape_cast %broadcast_in_dim3A_200 : vector<8x256x1xi32> to vector<8x256x1xi32>
    %broadcast_in_dim3A_202 = vector.broadcast %broadcast_in_dim3A_201 : vector<8x256x1xi32> to vector<8x256x256xi32>
    %eq3A_203 = arith.cmpi eq, %broadcast_in_dim3A_202, %iota3A_14 : vector<8x256x256xi32>
    %jit3A_204 = arith.constant 0.000000e+00 : f32
    %broadcast_in_dim3A_205 = vector.broadcast %jit3A_204 : f32 to vector<8x256x256xf32>
    %select_n3A_206 = arith.select %eq3A_203, %broadcast_in_dim3A_191, %broadcast_in_dim3A_205 : vector<8x256x256xi1>, vector<8x256x256xf32>
    %reduce_sum3A_207 = arith.constant dense<0.000000e+00> : vector<8x256xf32>
    %reduce_sum3A_208 = vector.multi_reduction <add>, %select_n3A_206, %reduce_sum3A_207 [1] : vector<8x256x256xf32> to vector<8x256xf32>
    %swap3A_209 = arith.constant 48 : index
    %swap3A_210 = arith.constant 0 : index
    %swap3A_211 = vector.load %arg1[%swap3A_209, %swap3A_210] : memref<64x256xf32, #tpu.memory_space<vmem>>, vector<8x256xf32>
    tpu.vector_store %arg1[%swap3A_209, %swap3A_210], %reduce_sum3A_208 {strides = array<i32>} : memref<64x256xf32, #tpu.memory_space<vmem>>, vector<8x256xf32>,
    %get3A_212 = arith.constant 56 : index
    %get3A_213 = arith.constant 0 : index
    %get3A_214 = vector.load %arg2[%get3A_212, %get3A_213] : memref<64x256xf32, #tpu.memory_space<vmem>>, vector<8x256xf32>
    %broadcast_in_dim3A_215 = vector.shape_cast %get3A_214 : vector<8x256xf32> to vector<8x1x256xf32>
    %broadcast_in_dim3A_216 = vector.shape_cast %broadcast_in_dim3A_215 : vector<8x1x256xf32> to vector<8x1x256xf32>
    %broadcast_in_dim3A_217 = vector.broadcast %broadcast_in_dim3A_216 : vector<8x1x256xf32> to vector<8x256x256xf32>
    %broadcast_in_dim3A_218 = vector.shape_cast %get3A_214 : vector<8x256xf32> to vector<8x256x1xf32>
    %broadcast_in_dim3A_219 = vector.shape_cast %broadcast_in_dim3A_218 : vector<8x256x1xf32> to vector<8x256x1xf32>
    %broadcast_in_dim3A_220 = vector.broadcast %broadcast_in_dim3A_219 : vector<8x256x1xf32> to vector<8x256x256xf32>
    %lt3A_221 = arith.cmpf olt, %broadcast_in_dim3A_217, %broadcast_in_dim3A_220 : vector<8x256x256xf32>
    %eq3A_222 = arith.cmpf oeq, %broadcast_in_dim3A_217, %broadcast_in_dim3A_220 : vector<8x256x256xf32>
    %lt3A_223 = arith.cmpi slt, %iota3A_14, %iota3A_13 : vector<8x256x256xi32>
    %and3A_224 = arith.andi %eq3A_222, %lt3A_223 : vector<8x256x256xi1>
    %or3A_225 = arith.ori %lt3A_221, %and3A_224 : vector<8x256x256xi1>
    %convert_element_type3A_226 = arith.extui %or3A_225 : vector<8x256x256xi1> to vector<8x256x256xi32>
    %reduce_sum3A_227 = arith.constant dense<0> : vector<8x256xi32>
    %reduce_sum3A_228 = vector.multi_reduction <add>, %convert_element_type3A_226, %reduce_sum3A_227 [2] : vector<8x256x256xi32> to vector<8x256xi32>
    %broadcast_in_dim3A_229 = vector.shape_cast %reduce_sum3A_228 : vector<8x256xi32> to vector<8x256x1xi32>
    %broadcast_in_dim3A_230 = vector.shape_cast %broadcast_in_dim3A_229 : vector<8x256x1xi32> to vector<8x256x1xi32>
    %broadcast_in_dim3A_231 = vector.broadcast %broadcast_in_dim3A_230 : vector<8x256x1xi32> to vector<8x256x256xi32>
    %eq3A_232 = arith.cmpi eq, %broadcast_in_dim3A_231, %iota3A_14 : vector<8x256x256xi32>
    %jit3A_233 = arith.constant 0.000000e+00 : f32
    %broadcast_in_dim3A_234 = vector.broadcast %jit3A_233 : f32 to vector<8x256x256xf32>
    %select_n3A_235 = arith.select %eq3A_232, %broadcast_in_dim3A_220, %broadcast_in_dim3A_234 : vector<8x256x256xi1>, vector<8x256x256xf32>
    %reduce_sum3A_236 = arith.constant dense<0.000000e+00> : vector<8x256xf32>
    %reduce_sum3A_237 = vector.multi_reduction <add>, %select_n3A_235, %reduce_sum3A_236 [1] : vector<8x256x256xf32> to vector<8x256xf32>
    %swap3A_238 = arith.constant 56 : index
    %swap3A_239 = arith.constant 0 : index
    %swap3A_240 = vector.load %arg1[%swap3A_238, %swap3A_239] : memref<64x256xf32, #tpu.memory_space<vmem>>, vector<8x256xf32>
    tpu.vector_store %arg1[%swap3A_238, %swap3A_239], %reduce_sum3A_237 {strides = array<i32>} : memref<64x256xf32, #tpu.memory_space<vmem>>, vector<8x256xf32>,
    return
  }
}

module attributes {stable_mosaic.version = 14 : i64} {
  func.func @_layer_body(%arg0: i32, %arg1: memref<2x1280x128xf32, #tpu.memory_space<vmem>>, %arg2: memref<2x1280x128xf32, #tpu.memory_space<vmem>>, %arg3: memref<1280x1xf32, #tpu.memory_space<vmem>>, %arg4: memref<1280x1xf32, #tpu.memory_space<vmem>>, %arg5: memref<256x256xf32, #tpu.memory_space<vmem>>, %arg6: memref<1x256xf32, #tpu.memory_space<vmem>>, %arg7: memref<1280x256xf32, #tpu.memory_space<vmem>>) attributes {dimension_semantics = [#tpu.dimension_semantics<arbitrary>], iteration_bounds = array<i64: 8>, scalar_prefetch = 0 : i64, scratch_operands = 0 : i64, tpu.core_type = #tpu.core_type<tc>, window_params = [{transform_indices = @transform_0, window_bounds = array<i64: 2, 1280, 128>}, {transform_indices = @transform_1, window_bounds = array<i64: 2, 1280, 128>}, {transform_indices = @transform_2, window_bounds = array<i64: 1280, 1>}, {transform_indices = @transform_3, window_bounds = array<i64: 1280, 1>}, {pipeline_mode = #tpu.pipeline_mode<synchronous>, transform_indices = @transform_4, window_bounds = array<i64: 256, 256>}, {pipeline_mode = #tpu.pipeline_mode<synchronous>, transform_indices = @transform_5, window_bounds = array<i64: 1, 256>}, {transform_indices = @transform_6, window_bounds = array<i64: 1280, 256>}]} {
    %get3A = arith.constant 0 : index
    %get3A_0 = arith.constant 0 : index
    %get3A_1 = arith.constant 0 : index
    %get3A_2 = vector.load %arg1[%get3A, %get3A_0, %get3A_1] : memref<2x1280x128xf32, #tpu.memory_space<vmem>>, vector<1x1280x128xf32>
    %get3A_3 = vector.shape_cast %get3A_2 : vector<1x1280x128xf32> to vector<1280x128xf32>
    %get3A_4 = arith.constant 0 : index
    %get3A_5 = arith.constant 0 : index
    %get3A_6 = arith.constant 0 : index
    %get3A_7 = vector.load %arg2[%get3A_4, %get3A_5, %get3A_6] : memref<2x1280x128xf32, #tpu.memory_space<vmem>>, vector<1x1280x128xf32>
    %get3A_8 = vector.shape_cast %get3A_7 : vector<1x1280x128xf32> to vector<1280x128xf32>
    %add3A = arith.addf %get3A_3, %get3A_8 : vector<1280x128xf32>
    %get3A_9 = arith.constant 1 : index
    %get3A_10 = arith.constant 0 : index
    %get3A_11 = arith.constant 0 : index
    %get3A_12 = vector.load %arg1[%get3A_9, %get3A_10, %get3A_11] : memref<2x1280x128xf32, #tpu.memory_space<vmem>>, vector<1x1280x128xf32>
    %get3A_13 = vector.shape_cast %get3A_12 : vector<1x1280x128xf32> to vector<1280x128xf32>
    %get3A_14 = arith.constant 1 : index
    %get3A_15 = arith.constant 0 : index
    %get3A_16 = arith.constant 0 : index
    %get3A_17 = vector.load %arg2[%get3A_14, %get3A_15, %get3A_16] : memref<2x1280x128xf32, #tpu.memory_space<vmem>>, vector<1x1280x128xf32>
    %get3A_18 = vector.shape_cast %get3A_17 : vector<1x1280x128xf32> to vector<1280x128xf32>
    %add3A_19 = arith.addf %get3A_13, %get3A_18 : vector<1280x128xf32>
    %concatenate3A = tpu.concatenate %add3A, %add3A_19 in 1 : vector<1280x128xf32>, vector<1280x128xf32> -> vector<1280x256xf32>
    %get3A_20 = arith.constant 0 : index
    %get3A_21 = arith.constant 0 : index
    %get3A_22 = vector.load %arg3[%get3A_20, %get3A_21] : memref<1280x1xf32, #tpu.memory_space<vmem>>, vector<1280x1xf32>
    %mul3A = vector.broadcast %get3A_22 : vector<1280x1xf32> to vector<1280x256xf32>
    %mul3A_23 = arith.mulf %concatenate3A, %mul3A : vector<1280x256xf32>
    %get3A_24 = arith.constant 0 : index
    %get3A_25 = arith.constant 0 : index
    %get3A_26 = vector.load %arg5[%get3A_24, %get3A_25] : memref<256x256xf32, #tpu.memory_space<vmem>>, vector<256x256xf32>
    %dot_general3A = arith.constant dense<0.000000e+00> : vector<1280x256xf32>
    %dot_general3A_27 = tpu.matmul %mul3A_23, %get3A_26, %dot_general3A {dimension_numbers = #tpu.dot_dimension_numbers<[1], [0], [0], [1], [0, 0, 1, 1], [], []>, precision = #tpu.contract_precision<fp32>, transpose_lhs_hint = false} : vector<1280x256xf32>, vector<256x256xf32>, vector<1280x256xf32> -> vector<1280x256xf32>
    %get3A_28 = arith.constant 0 : index
    %get3A_29 = arith.constant 0 : index
    %get3A_30 = vector.load %arg6[%get3A_28, %get3A_29] : memref<1x256xf32, #tpu.memory_space<vmem>>, vector<1x256xf32>
    %add3A_31 = vector.broadcast %get3A_30 : vector<1x256xf32> to vector<1280x256xf32>
    %add3A_32 = arith.addf %dot_general3A_27, %add3A_31 : vector<1280x256xf32>
    %max3A = arith.constant 0.000000e+00 : f32
    %max3A_33 = vector.broadcast %max3A : f32 to vector<1280x256xf32>
    %max3A_34 = arith.maximumf %add3A_32, %max3A_33 : vector<1280x256xf32>
    %swap3A = arith.constant 0 : index
    %swap3A_35 = arith.constant 0 : index
    %swap3A_36 = vector.load %arg7[%swap3A, %swap3A_35] : memref<1280x256xf32, #tpu.memory_space<vmem>>, vector<1280x256xf32>
    tpu.vector_store %arg7[%swap3A, %swap3A_35], %max3A_34 {strides = array<i32>} : memref<1280x256xf32, #tpu.memory_space<vmem>>, vector<1280x256xf32>,
    return
  }
  func.func @transform_0(%arg0: i32) -> (i32, i32, i32) {
    %c0_i32 = arith.constant 0 : i32
    %c0_i32_0 = arith.constant 0 : i32
    %c0_i32_1 = arith.constant 0 : i32
    return %c0_i32, %arg0, %c0_i32_0 : i32, i32, i32
  }
  func.func @transform_1(%arg0: i32) -> (i32, i32, i32) {
    %c0_i32 = arith.constant 0 : i32
    %c0_i32_0 = arith.constant 0 : i32
    %c0_i32_1 = arith.constant 0 : i32
    return %c0_i32, %arg0, %c0_i32_0 : i32, i32, i32
  }
  func.func @transform_2(%arg0: i32) -> (i32, i32) {
    %c0_i32 = arith.constant 0 : i32
    %c0_i32_0 = arith.constant 0 : i32
    return %arg0, %c0_i32 : i32, i32
  }
  func.func @transform_3(%arg0: i32) -> (i32, i32) {
    %c0_i32 = arith.constant 0 : i32
    %c0_i32_0 = arith.constant 0 : i32
    return %arg0, %c0_i32 : i32, i32
  }
  func.func @transform_4(%arg0: i32) -> (i32, i32) {
    %c0_i32 = arith.constant 0 : i32
    %c0_i32_0 = arith.constant 0 : i32
    %c0_i32_1 = arith.constant 0 : i32
    return %c0_i32, %c0_i32_0 : i32, i32
  }
  func.func @transform_5(%arg0: i32) -> (i32, i32) {
    %c0_i32 = arith.constant 0 : i32
    %c0_i32_0 = arith.constant 0 : i32
    %c0_i32_1 = arith.constant 0 : i32
    return %c0_i32, %c0_i32_0 : i32, i32
  }
  func.func @transform_6(%arg0: i32) -> (i32, i32) {
    %c0_i32 = arith.constant 0 : i32
    %c0_i32_0 = arith.constant 0 : i32
    return %arg0, %c0_i32 : i32, i32
  }
}

</mosaic_0001>

<sc_bundles>
// kernel: kernel.13.cloned.1.call-start
scs
__scs_entry_jumppad:
0x0: {  	(pc) =	sbr.rel $0x88, $3  }
0x1: {  	(tag) =	ssettag $0x0;
	lr =	simm.s32 $0x1  }
0x2: {  	[smem:$0x3F97] =	sst lr;
	_ =	strace $0xD0000000  }
0x3: {  	_ = 	snop  }
0x4: {  	_ = 	snop  }
0x5: {  	_ = 	snop  }
0x6: {  	_ = 	snop  }
0x7: {  	_ = 	snop  }
__scs_overlays_trampoline_lowered:
0x8: {  	[smem:$0x3FA6] =	sst s0  }
0x9: {  	[smem:$0x3FA7] =	sst s1  }
0xa: {  	[smem:$0x3FA8] =	sst s2  }
0xb: {  	[smem:$0x3FA9] =	sst s3  }
0xc: {  	[smem:$0x3FAA] =	sst s4  }
0xd: {  	[smem:$0x3FAB] =	sst s5  }
0xe: {  	[smem:$0x3FAC] =	sst s6  }
0xf: {  	[smem:$0x3FAD] =	sst s7  }
0x10: {  	[smem:$0x3FAE] =	sst s8  }
0x11: {  	[smem:$0x3FAF] =	sst s9;
	s0 =	simm.s32 @!p0 $0x0  }
0x12: {  	s1 =	sld [smem:$0x3F95];
	s0 =	simm.s32 @p0 $0x1  }
0x13: {  	[smem:$0x3FB0] =	sst s0;
	s0 =	simm.s32 @!p1 $0x0  }
0x14: {  	s2 =	sld [smem:$0x3F94];
	s0 =	simm.s32 @p1 $0x1  }
0x15: {  	[smem:$0x3FB1] =	sst s0;
	s0 =	simm.s32 @!p2 $0x0  }
0x16: {  	s3 =	sld [smem:$0x3FDB];
	s0 =	simm.s32 @p2 $0x1  }
0x17: {  	s4 =	simm.s32 $0x1BF5;
	[smem:$0x3FB3] =	sst s0  }
0x18: {  	s0 =	sld [smem:$0x3F96];
	_ =	swait.ge [sflag:s4], $0x0  }
0x19: {  	s7 =	sld [smem:$0x3F97]  }
0x1a: {  	s8 =	sadd.s32 $0xFFFFE003, lr  }
0x1b: {  	s9 =	sadd.s32 $0xFFFFFEF7, lr;
	s5 =	simm.s32 $0xFFFFFFFF;
	p2 =	slt.u32 s8, $0xFFFFF086  }
0x1c: {  	p1 =	slt.u32 s9, $0xF7A;
	s5 =	simm.s32 @!p2 $0x0  }
0x1d: {  	s5 =	simm.s32 @p1 $0x1;
	p0 =	seq.s32 s7, s2  }
0x1e: {  	s7 =	smul.u32 @!p0 $0xF7A, s2;
	p2 =	seq.s32 @!p0 s5, $0x0  }
0x1f: {  	s9 =	smul.u32 $0xF7A, s1;
	s8 =	simm.s32 @!p0 $0x1BF5;
	p2 =	por !p2, p0  }
0x20: {  	[sflag:s8] =	ssyncset.s32 @!p0 $0xFFFFF086;
	s6 =	sadd.s32 @!p0 s3, s7;
	s7 =	simm.s32 @!p0 $0x108  }
0x21: {  	s3 =	sadd.s32 s3, s9;
	s6 =	sadd.s32 @!p0 $0x88, s6;
	s7 =	simm.s32 @p2 $0x1082  }
0x22: {  	[simem:s7], [sflag:s8] =	dma.local @!p0 [hbm:s6], $0xF7A  }
0x23: {  	s9 =	sor.u32 $0xD0000000, s2;
	s6 =	simm.s32 $0x108;
	_ =	swait.ge @!p0 [sflag:s8], $0x0  }
0x24: {  	s3 =	sadd.s32 $0x88, s3;
	s6 =	simm.s32 @!p1 $0x1082;
	[sflag:s4] =	ssyncset.s32 $0xFFFFF086  }
0x25: {  	[simem:s6], [sflag:s4] =	dma.local [hbm:s3], $0xF7A  }
0x26: {  	[smem:$0x3F97] =	sst s1;
	(tag) =	ssettag s2;
	_ =	strace s9  }
0x27: {  	s1 =	sld [smem:$0x3FA7]  }
0x28: {  	s2 =	sld [smem:$0x3FA8]  }
0x29: {  	s4 =	sld [smem:$0x3FAA]  }
0x2a: {  	p0 =	seq.s32 s5, $0x0;
	s5 =	sld [smem:$0x3FAB]  }
0x2b: {  	s6 =	sld [smem:$0x3FAC]  }
0x2c: {  	s7 =	sld [smem:$0x3FAD]  }
0x2d: {  	s3 =	simm.s32 $0x108;
	s8 =	sld [smem:$0x3FAE]  }
0x2e: {  	s3 =	simm.s32 @!p0 $0x1082;
	s9 =	sld [smem:$0x3FAF]  }
0x2f: {  	lr =	sadd.s32 s0, s3;
	s0 =	sld [smem:$0x3FA6]  }
0x30: {  	s3 =	sld [smem:$0x3FA9]  }
0x31: {  	[smem:$0x3FB2] =	sst s10  }
0x32: {  	s10 =	sld [smem:$0x3FB0];
	_ =	sdelay $0x3  }
0x33: {  	p0 =	seq.s32 s10, $0x1;
	s10 =	sld [smem:$0x3FB2];
	_ =	sdelay $0x3  }
0x34: {  	[smem:$0x3FB2] =	sst s10  }
0x35: {  	s10 =	sld [smem:$0x3FB1];
	_ =	sdelay $0x3  }
0x36: {  	p1 =	seq.s32 s10, $0x1;
	s10 =	sld [smem:$0x3FB2];
	_ =	sdelay $0x3  }
0x37: {  	[smem:$0x3FB2] =	sst s10  }
0x38: {  	s10 =	sld [smem:$0x3FB3]  }
0x39: {  	_ = 	snop;
	(pc) =	sbr.ind lr, $3  }
0x3a: {  	_ = 	snop  }
0x3b: {  	_ = 	snop  }
0x3c: {  	p2 =	seq.s32 s10, $0x1;
	s10 =	sld [smem:$0x3FB2]  }
0x3d: {  	_ =	shalt  }
0x3e: {  	_ =	shalt  }
0x3f: {  	_ =	shalt  }
0x40: {  	_ =	shalt  }
0x41: {  	_ =	shalt  }
0x42: {  	_ =	shalt  }
0x43: {  	_ =	shalt  }
0x44: {  	_ =	shalt  }
0x45: {  	_ =	shalt  }
0x46: {  	_ =	shalt  }
0x47: {  	_ =	shalt  }
0x48: {  	_ =	shalt  }
0x49: {  	_ =	shalt  }
0x4a: {  	_ =	shalt  }
0x4b: {  	_ =	shalt  }
0x4c: {  	_ =	shalt  }
0x4d: {  	_ =	shalt  }
0x4e: {  	_ =	shalt  }
0x4f: {  	_ =	shalt  }
0x50: {  	_ =	shalt  }
0x51: {  	_ =	shalt  }
0x52: {  	_ =	shalt  }
0x53: {  	_ =	shalt  }
0x54: {  	_ =	shalt  }
0x55: {  	_ =	shalt  }
0x56: {  	_ =	shalt  }
0x57: {  	_ =	shalt  }
0x58: {  	_ =	shalt  }
0x59: {  	_ =	shalt  }
0x5a: {  	_ =	shalt  }
0x5b: {  	_ =	shalt  }
0x5c: {  	_ =	shalt  }
0x5d: {  	_ =	shalt  }
0x5e: {  	_ =	shalt  }
0x5f: {  	_ =	shalt  }
0x60: {  	_ =	shalt  }
0x61: {  	_ =	shalt  }
0x62: {  	_ =	shalt  }
0x63: {  	_ =	shalt  }
0x64: {  	_ =	shalt  }
0x65: {  	_ =	shalt  }
0x66: {  	_ =	shalt  }
0x67: {  	_ =	shalt  }
0x68: {  	_ =	shalt  }
0x69: {  	_ =	shalt  }
0x6a: {  	_ =	shalt  }
0x6b: {  	_ =	shalt  }
0x6c: {  	_ =	shalt  }
0x6d: {  	_ =	shalt  }
0x6e: {  	_ =	shalt  }
0x6f: {  	_ =	shalt  }
0x70: {  	_ =	shalt  }
0x71: {  	_ =	shalt  }
0x72: {  	_ =	shalt  }
0x73: {  	_ =	shalt  }
0x74: {  	_ =	shalt  }
0x75: {  	_ =	shalt  }
0x76: {  	_ =	shalt  }
0x77: {  	_ =	shalt  }
0x78: {  	_ =	shalt  }
0x79: {  	_ =	shalt  }
0x7a: {  	_ =	shalt  }
0x7b: {  	_ =	shalt  }
0x7c: {  	_ =	shalt  }
0x7d: {  	_ =	shalt  }
0x7e: {  	_ =	shalt  }
0x7f: {  	_ =	shalt  }
0x80: {  	_ =	shalt  }
0x81: {  	_ =	shalt  }
0x82: {  	_ =	shalt  }
0x83: {  	_ =	shalt  }
0x84: {  	_ =	shalt  }
0x85: {  	_ =	shalt  }
0x86: {  	_ =	shalt  }
0x87: {  	_ =	shalt  }
.Lfunc_end0:
.L_simem_size_0:
called_computation_lowered:
.L_overlay_start_0:
0x88: {  	s2 =	sld [smem:$0x3FD9]  }
0x89: {  	s3 =	sld [smem:$0x3FFE];
	_ =	sdelay $0x1  }
0x8a: {  	s1 =	srdreg.scid  }
0x8b: {  	s0 =	sand.u32 $0x1, s1  }
0x8c: {  	s16 =	sshll.u32 s0, $0xA;
	s2 =	sadd.s32 s3, s2  }
0x8d: {  	s2 =	sadd.s32 s2, s16  }
0x8e: {  	[smem:$0x3FBE] =	sst s2  }
0x8f: {  	_ = 	snop  }
0x90: {  	(tm) =	ssettm $0x1  }
0x91: {  	s17 =	sld [smem:$0x3FFB];
	_ =	sdelay $0x3  }
0x92: {  	_ =	strace s17  }
0x93: {  	s2 =	sld [smem:$0x3FFC];
	_ =	sdelay $0x3  }
0x94: {  	_ =	strace s2  }
0x95: {  	s2 =	sld [smem:$0x3FFD];
	_ =	sdelay $0x3  }
0x96: {  	_ =	strace s2  }
0x97: {  	_ =	strace $0x8FFFFFFF  }
0x98: {  	s18 =	sld [smem:$0x3FDB];
	_ =	sdelay $0x1  }
0x99: {  	s19 =	simm.s32 $_scs_section_size  }
0x9a: {  	s4 =	simm.s32 $_size__tile_overlayer_lowered;
	s5 =	simm.s32 $_tile_overlayer_lowered  }
0x9b: {  	s22 =	simm.s32 $0x1BFF;
	s21 =	sshll.u32 s5, $0x1;
	s2 =	sadd.s32 s19, s18  }
0x9c: {  	s6 =	simm.s32 $0x0;
	s20 =	sshll.u32 s4, $0x1;
	s4 =	sadd.s32 s21, s2  }
0x9d: {  	[timem:s6], [sflag:s22] =	dma.local [hbm:s4], s20  }
0x9e: {  	_ =	swait.ge [sflag:s22], s20  }
0x9f: {  	s3 =	ssub.s32 $0x0, s20;
	[sflag:s22] =	ssyncset.done $0x0  }
0xa0: {  	[sflag:s22] =	ssyncadd.s32 s3;
	_ =	sdelay $0x1  }
0xa1: {  	s23 =	simm.s32 $0x1B8B  }
0xa2: {  	_ =	swait.ge [sflag:s23], $0x1  }
0xa3: {  	[sflag:s23] =	ssyncset.done $0x0  }
0xa4: {  	s25 =	simm.s32 $0x1B8E;
	s24 =	sld [smem:$0x3FFE];
	[sflag:s23] =	ssyncadd.s32 $0xFFFFFFFF  }
0xa5: {  	s26 =	simm.s32 $execute0_lowered;
	[smem:$0x3FD2] =	sst s25  }
0xa6: {  	s4 =	sshll.u32 s26, $0x1;
	_ =	strace $0x80000046;
	[dreg:$0x1] =	wrdreg $0xFFFFFFFF  }
0xa7: {  	s28 =	simm.s32 $_size_execute0_lowered;
	s2 =	sadd.s32 s2, s4;
	[dreg:$0x0] =	wrdreg $0x0  }
0xa8: {  	s4 =	sshll.u32 s28, $0x1;
	[dreg:$0x2] =	wrdreg s2  }
0xa9: {  	[dreg:$0x3] =	wrdreg s4  }
0xaa: {  	[dreg:$0x4] =	wrdreg $0xC0  }
0xab: {  	_ =	task [dreg:s6], $0x5FFFF  }
0xac: {  	[dreg:$0x1] =	wrdreg $0xFFFFFFFF  }
0xad: {  	[dreg:$0x0] =	wrdreg $0x60  }
0xae: {  	[dreg:$0x2] =	wrdreg s24  }
0xaf: {  	[dreg:$0x3] =	wrdreg $0x65000  }
0xb0: {  	[dreg:$0x4] =	wrdreg $0x9  }
0xb1: {  	_ =	task.clear_ibuf [dreg:s6], $0x5FFFF;
	_ =	strace $0x90000046  }
0xb2: {  	s29 =	simm.s32 $0x9;
	_ =	strace $0x80000048  }
0xb3: {  	_ =	swait.ge [sflag:s29], $0x1  }
0xb4: {  	[sflag:s29] =	ssyncadd.s32 $0xFFFFFFFF  }
0xb5: {  	_ =	strace $0x90000048  }
0xb6: {  	_ =	sfence  }
0xb7: {  	s30 =	sld [smem:$0x0];
	_ =	sdelay $0x2  }
0xb8: {  	s31 =	sshll.u32 s1, $0xD;
	s1 =	sshrl.u32 s1, $0x2  }
0xb9: {  	s3 =	sand.u32 $0x4000, s31;
	s1 =	sadd.s32 s1, s30  }
0xba: {  	s0 =	sor.u32 s3, s0;
	s1 =	sshll.u32 s1, $0x11  }
0xbb: {  	s0 =	sor.u32 s1, s0  }
0xbc: {  	s0 =	sadd.s32 $0x8F2B, s0  }
0xbd: {  	[sflag:s0] =	ssyncadd.remote.s32 $0x1  }
0xbe: {  	_ =	sfence.sel $0xFFFF  }
0xbf: {  	[dreg:$0x0] =	wrdreg $0xFFFFFFFF;
	(pc) =	sbr.abs _section_cstart, $3  }
0xc0: {  	[dreg:$0x1] =	wrdreg $0xFFFFFFFF  }
0xc1: {  	_ =	task.clear_ibuf [dreg:s6], $0x2FFFF;
	_ =	strace $0x9FFFFFFF  }
0xc2: {  	(tm) =	ssettm $0x7FFFFFFF  }
0xc3: {  	_ =	shalt  }
tec
execute0_lowered:
.L_overlay_start_1:
0x0: {  	(tag) =	ssettag $0x1  }
0x1: {  	s0 =	srdreg.scid;
	s5 =	rddreg [dreg:$0x0]  }
0x2: {  	s2 =	rddreg [dreg:$0x1];
	s6 =	sand.u32 $0x1, s0  }
0x3: {  	s0 =	stileid.u32;
	s4 =	smul.u32 $0x27100, s6  }
0x4: {  	s1 =	rddreg [dreg:$0x2];
	s3 =	simm.s32 $0x0;
	s7 =	smul.u32 $0x2710, s0  }
0x5: {  	s12 =	simm.s32 $0x100;
	[smem:$0x7FF] =	sst s3;
	s8 =	smul.u32 $0x140000, s6  }
0x6: {  	s13 =	simm.s32 $0x0;
	s28 =	smul.u32 $0x14000, s0;
	_ =	strace $0x80000047  }
0x7: {  	s29 =	smul.u32 $0x50000, s0;
	s6 =	ssub.s32 $0x2, s6;
	s31 =	sshll.u32 s0, $0x6  }
0x8: {  	s30 =	sshrl.u32 s6, $0x1;
	s4 =	sadd.s32 s7, s4;
	s7 =	sadd.s32 s28, s8  }
0x9: {  	s8 =	sshrl.u32 s29, $0x2;
	s10 =	ssub.s32 s6, s30;
	s4 =	sshrl.u32 s4, $0x3  }
0xa: {  	s7 =	sshrl.u32 s7, $0x3;
	s11 =	sadd.s32 s8, s2;
	s9 =	sadd.s32 s4, s5  }
0xb: {  	s4 =	sadd.s32 $0xD400, s5;
	s7 =	sadd.s32 s7, s5;
	s5 =	sor.u32 $0x1C01, s31  }
0xc: {  	s6 =	sadd.s32 $0xFC00, s7;
	s7 =	smax.u32 s10, $0x1;
	s8 =	sadd.s32 $0x3600, s9  }
0xd: {  	v0 =	vimm.f32 $1.000000000e+00;
	s9 =	sshrl.u32 s11, $0x3;
	s10 =	simm.s32 $0x1;
	s11 =	simm.s32 $0xC8  }
.LBB2_1:
0xe: {  	s14 =	simm.s32 $0x200;
	s15 =	simm.s32 $0x0  }
.LBB2_2:
0xf: {  	p0 =	sne.s32 s14, $0x18E00;
	[tilespmem:s15+$0x100] =	vst v0;
	s15 =	smov.u32 s14;
	s14 =	sadd.s32 $0x200, s14  }
.Ltmp0:
0x10: {  	(pc) =	sbr.rel @p0 .LBB2_2-.Ltmp0, $2  }
0x11: {  	_ =	sdelay $0x2  }
0x12: {  	s15 =	sshra.s32 s15, $0x2  }
0x13: {  	[tilespmem:s15+$0x100] =	vst v0  }
0x14: {  	[spmem:s9], [sflag:s5] =	dma.local [hbm:s4], $0x2800  }
0x15: {  	_ =	swait.ge [sflag:s10], $0x2800  }
0x16: {  	[sflag:s10] =	ssyncset.done $0x0  }
0x17: {  	[sflag:s10] =	ssyncadd.s32 $0xFFFFD800  }
0x18: {  	s14 =	sadd.s32 $0x0, s8;
	[bflag:$0x0] =	sbarrier.arrive $0xFFFF  }
0x19: {  	[tilespmem:s3], [sflag:$0x1] =	stream.linear.gather [hbm4b:s14+s3], $0xC8, $0x38;
	[tilespmem:$0x8D00] =	vst v63  }
0x1a: {  	_ =	swait.ge [sflag:s10], $0xC8  }
0x1b: {  	[sflag:s10] =	ssyncset.done $0x0  }
0x1c: {  	[sflag:s10] =	ssyncadd.s32 $0xFFFFFF38  }
0x1d: {  	[spmem:s2] =	stream.indirect.scatter.add.f32 [tilespmem:s12], [sflag:$0x1], $0x10, s3, s11, $0xb8;
	[tilespmem:$0x8D00] =	vst v63  }
0x1e: {  	_ =	swait.ge [sflag:s10], $0xC80  }
0x1f: {  	s15 =	simm.s32 $0x32;
	s14 =	simm.s32 $0x19;
	[sflag:s10] =	ssyncset.done $0x0  }
.LBB2_4:
0x20: {  	s16 =	sadd.s32 s14, s8  }
0x21: {  	[sflag:s10] =	ssyncadd.s32 $0xFFFFF380;
	s14 =	smov.u32 s15;
	s17 =	sadd.s32 $0x19, s15  }
0x22: {  	[tilespmem:s3], [sflag:$0x1] =	stream.linear.gather [hbm4b:s16+s3], $0xC8, $0x38;
	[tilespmem:$0x8D00] =	vst v63  }
0x23: {  	p0 =	sne.s32 s15, $0x4C9;
	_ =	swait.ge [sflag:s10], $0xC8  }
.Ltmp1:
0x24: {  	[sflag:s10] =	ssyncset.done $0x0;
	(pc) =	sbr.rel @p0 .LBB2_4-.Ltmp1, $4  }
0x25: {  	[sflag:s10] =	ssyncadd.s32 $0xFFFFFF38  }
0x26: {  	[spmem:s2] =	stream.indirect.scatter.add.f32 [tilespmem:s12], [sflag:$0x1], $0x10, s3, s11, $0xb8;
	[tilespmem:$0x8D00] =	vst v63  }
0x27: {  	_ =	swait.ge [sflag:s10], $0xC80  }
0x28: {  	s15 =	smov.u32 s17;
	[sflag:s10] =	ssyncset.done $0x0  }
0x29: {  	s14 =	sadd.s32 s14, s8;
	[sflag:s10] =	ssyncadd.s32 $0xFFFFF380  }
0x2a: {  	[tilespmem:s3], [sflag:$0x1] =	stream.linear.gather [hbm4b:s14+s3], $0xC8, $0x38;
	[tilespmem:$0x8D00] =	vst v63  }
0x2b: {  	_ =	swait.ge [sflag:s10], $0xC8  }
0x2c: {  	[sflag:s10] =	ssyncset.done $0x0  }
0x2d: {  	[sflag:s10] =	ssyncadd.s32 $0xFFFFFF38  }
0x2e: {  	[spmem:s2] =	stream.indirect.scatter.add.f32 [tilespmem:s12], [sflag:$0x1], $0x10, s3, s11, $0xb8;
	[tilespmem:$0x8D00] =	vst v63  }
0x2f: {  	_ =	swait.ge [sflag:s10], $0xC80  }
0x30: {  	s13 =	sadd.s32 $0x1, s13;
	[sflag:s10] =	ssyncset.done $0x0  }
0x31: {  	p0 =	sne.s32 s13, s7;
	[sflag:s10] =	ssyncadd.s32 $0xFFFFF380  }
.Ltmp2:
0x32: {  	[bflag:$0x0] =	sbarrier.arrive $0xFFFF;
	(pc) =	sbr.rel @p0 .LBB2_1-.Ltmp2, $4  }
0x33: {  	[hbm:s6], [sflag:s5] =	dma.local [spmem:s9], $0x2800  }
0x34: {  	_ =	swait.ge [sflag:s10], $0x2800  }
0x35: {  	[sflag:s10] =	ssyncset.done $0x0  }
0x36: {  	[sflag:s10] =	ssyncadd.s32 $0xFFFFD800  }
0x37: {  	_ =	sfence.sel $0x180000  }
0x38: {  	[bflag:$0x0] =	sbarrier.arrive $0xFFFF  }
0x39: {  	p0 =	sne.s32 s0, $0x0;
	_ =	strace $0x90000047  }
0x3a: {  	s0 =	sadd.s32 @!p0 $0x100000, s1;
	[bflag:$0x2] =	sbarrier.arrive $0xFFFF  }
0x3b: {  	[sflag:s0] =	ssyncadd.tile.s32 @!p0 $0x1;
	_ =	shalt  }
.Lfunc_end2:
_tile_overlayer_lowered:
.L_overlay_start_2:
0x3c: {  	(tag) =	ssettag $0x2  }
0x3d: {  	s0 =	rddreg [dreg:$0x0];
	s2 =	stileid.u32  }
0x3e: {  	s1 =	rddreg [dreg:$0x1];
	p0 =	sne.s32 s2, $0x0  }
0x3f: {  	s3 =	rddreg [dreg:$0x2];
	[bflag:$0x3] =	sbarrier.arrive $0xFFFF;
	s2 =	simm.s32 @!p0 $0x1C01  }
0x40: {  	[timem:s3], [sflag:s2] =	dma.local @!p0 [hbm:s0], s1  }
0x41: {  	s0 =	simm.s32 @!p0 $0x1  }
0x42: {  	_ =	swait.ge @!p0 [sflag:s0], s1  }
0x43: {  	s1 =	ssub.s32 @!p0 $0x0, s1;
	[sflag:s0] =	ssyncset.done @!p0 $0x0  }
0x44: {  	[sflag:s0] =	ssyncadd.s32 @!p0 s1  }
0x45: {  	[bflag:$0x3] =	sbarrier.arrive $0xFFFF  }
0x46: {  	_ =	shalt  }

// kernel: kernel.16.cloned.1.call-start
scs
__scs_entry_jumppad:
0x0: {  	(pc) =	sbr.rel $0x88, $3  }
0x1: {  	(tag) =	ssettag $0x0;
	lr =	simm.s32 $0x1  }
0x2: {  	[smem:$0x3F97] =	sst lr;
	_ =	strace $0xD0000000  }
0x3: {  	_ = 	snop  }
0x4: {  	_ = 	snop  }
0x5: {  	_ = 	snop  }
0x6: {  	_ = 	snop  }
0x7: {  	_ = 	snop  }
__scs_overlays_trampoline_lowered:
0x8: {  	[smem:$0x3FA6] =	sst s0  }
0x9: {  	[smem:$0x3FA7] =	sst s1  }
0xa: {  	[smem:$0x3FA8] =	sst s2  }
0xb: {  	[smem:$0x3FA9] =	sst s3  }
0xc: {  	[smem:$0x3FAA] =	sst s4  }
0xd: {  	[smem:$0x3FAB] =	sst s5  }
0xe: {  	[smem:$0x3FAC] =	sst s6  }
0xf: {  	[smem:$0x3FAD] =	sst s7  }
0x10: {  	[smem:$0x3FAE] =	sst s8  }
0x11: {  	[smem:$0x3FAF] =	sst s9;
	s0 =	simm.s32 @!p0 $0x0  }
0x12: {  	s1 =	sld [smem:$0x3F95];
	s0 =	simm.s32 @p0 $0x1  }
0x13: {  	[smem:$0x3FB0] =	sst s0;
	s0 =	simm.s32 @!p1 $0x0  }
0x14: {  	s2 =	sld [smem:$0x3F94];
	s0 =	simm.s32 @p1 $0x1  }
0x15: {  	[smem:$0x3FB1] =	sst s0;
	s0 =	simm.s32 @!p2 $0x0  }
0x16: {  	s3 =	sld [smem:$0x3FDB];
	s0 =	simm.s32 @p2 $0x1  }
0x17: {  	s4 =	simm.s32 $0x1BF5;
	[smem:$0x3FB3] =	sst s0  }
0x18: {  	s0 =	sld [smem:$0x3F96];
	_ =	swait.ge [sflag:s4], $0x0  }
0x19: {  	s7 =	sld [smem:$0x3F97]  }
0x1a: {  	s8 =	sadd.s32 $0xFFFFE003, lr  }
0x1b: {  	s9 =	sadd.s32 $0xFFFFFEF7, lr;
	s5 =	simm.s32 $0xFFFFFFFF;
	p2 =	slt.u32 s8, $0xFFFFF086  }
0x1c: {  	p1 =	slt.u32 s9, $0xF7A;
	s5 =	simm.s32 @!p2 $0x0  }
0x1d: {  	s5 =	simm.s32 @p1 $0x1;
	p0 =	seq.s32 s7, s2  }
0x1e: {  	s7 =	smul.u32 @!p0 $0xF7A, s2;
	p2 =	seq.s32 @!p0 s5, $0x0  }
0x1f: {  	s9 =	smul.u32 $0xF7A, s1;
	s8 =	simm.s32 @!p0 $0x1BF5;
	p2 =	por !p2, p0  }
0x20: {  	[sflag:s8] =	ssyncset.s32 @!p0 $0xFFFFF086;
	s6 =	sadd.s32 @!p0 s3, s7;
	s7 =	simm.s32 @!p0 $0x108  }
0x21: {  	s3 =	sadd.s32 s3, s9;
	s6 =	sadd.s32 @!p0 $0x88, s6;
	s7 =	simm.s32 @p2 $0x1082  }
0x22: {  	[simem:s7], [sflag:s8] =	dma.local @!p0 [hbm:s6], $0xF7A  }
0x23: {  	s9 =	sor.u32 $0xD0000000, s2;
	s6 =	simm.s32 $0x108;
	_ =	swait.ge @!p0 [sflag:s8], $0x0  }
0x24: {  	s3 =	sadd.s32 $0x88, s3;
	s6 =	simm.s32 @!p1 $0x1082;
	[sflag:s4] =	ssyncset.s32 $0xFFFFF086  }
0x25: {  	[simem:s6], [sflag:s4] =	dma.local [hbm:s3], $0xF7A  }
0x26: {  	[smem:$0x3F97] =	sst s1;
	(tag) =	ssettag s2;
	_ =	strace s9  }
0x27: {  	s1 =	sld [smem:$0x3FA7]  }
0x28: {  	s2 =	sld [smem:$0x3FA8]  }
0x29: {  	s4 =	sld [smem:$0x3FAA]  }
0x2a: {  	p0 =	seq.s32 s5, $0x0;
	s5 =	sld [smem:$0x3FAB]  }
0x2b: {  	s6 =	sld [smem:$0x3FAC]  }
0x2c: {  	s7 =	sld [smem:$0x3FAD]  }
0x2d: {  	s3 =	simm.s32 $0x108;
	s8 =	sld [smem:$0x3FAE]  }
0x2e: {  	s3 =	simm.s32 @!p0 $0x1082;
	s9 =	sld [smem:$0x3FAF]  }
0x2f: {  	lr =	sadd.s32 s0, s3;
	s0 =	sld [smem:$0x3FA6]  }
0x30: {  	s3 =	sld [smem:$0x3FA9]  }
0x31: {  	[smem:$0x3FB2] =	sst s10  }
0x32: {  	s10 =	sld [smem:$0x3FB0];
	_ =	sdelay $0x3  }
0x33: {  	p0 =	seq.s32 s10, $0x1;
	s10 =	sld [smem:$0x3FB2];
	_ =	sdelay $0x3  }
0x34: {  	[smem:$0x3FB2] =	sst s10  }
0x35: {  	s10 =	sld [smem:$0x3FB1];
	_ =	sdelay $0x3  }
0x36: {  	p1 =	seq.s32 s10, $0x1;
	s10 =	sld [smem:$0x3FB2];
	_ =	sdelay $0x3  }
0x37: {  	[smem:$0x3FB2] =	sst s10  }
0x38: {  	s10 =	sld [smem:$0x3FB3]  }
0x39: {  	_ = 	snop;
	(pc) =	sbr.ind lr, $3  }
0x3a: {  	_ = 	snop  }
0x3b: {  	_ = 	snop  }
0x3c: {  	p2 =	seq.s32 s10, $0x1;
	s10 =	sld [smem:$0x3FB2]  }
0x3d: {  	_ =	shalt  }
0x3e: {  	_ =	shalt  }
0x3f: {  	_ =	shalt  }
0x40: {  	_ =	shalt  }
0x41: {  	_ =	shalt  }
0x42: {  	_ =	shalt  }
0x43: {  	_ =	shalt  }
0x44: {  	_ =	shalt  }
0x45: {  	_ =	shalt  }
0x46: {  	_ =	shalt  }
0x47: {  	_ =	shalt  }
0x48: {  	_ =	shalt  }
0x49: {  	_ =	shalt  }
0x4a: {  	_ =	shalt  }
0x4b: {  	_ =	shalt  }
0x4c: {  	_ =	shalt  }
0x4d: {  	_ =	shalt  }
0x4e: {  	_ =	shalt  }
0x4f: {  	_ =	shalt  }
0x50: {  	_ =	shalt  }
0x51: {  	_ =	shalt  }
0x52: {  	_ =	shalt  }
0x53: {  	_ =	shalt  }
0x54: {  	_ =	shalt  }
0x55: {  	_ =	shalt  }
0x56: {  	_ =	shalt  }
0x57: {  	_ =	shalt  }
0x58: {  	_ =	shalt  }
0x59: {  	_ =	shalt  }
0x5a: {  	_ =	shalt  }
0x5b: {  	_ =	shalt  }
0x5c: {  	_ =	shalt  }
0x5d: {  	_ =	shalt  }
0x5e: {  	_ =	shalt  }
0x5f: {  	_ =	shalt  }
0x60: {  	_ =	shalt  }
0x61: {  	_ =	shalt  }
0x62: {  	_ =	shalt  }
0x63: {  	_ =	shalt  }
0x64: {  	_ =	shalt  }
0x65: {  	_ =	shalt  }
0x66: {  	_ =	shalt  }
0x67: {  	_ =	shalt  }
0x68: {  	_ =	shalt  }
0x69: {  	_ =	shalt  }
0x6a: {  	_ =	shalt  }
0x6b: {  	_ =	shalt  }
0x6c: {  	_ =	shalt  }
0x6d: {  	_ =	shalt  }
0x6e: {  	_ =	shalt  }
0x6f: {  	_ =	shalt  }
0x70: {  	_ =	shalt  }
0x71: {  	_ =	shalt  }
0x72: {  	_ =	shalt  }
0x73: {  	_ =	shalt  }
0x74: {  	_ =	shalt  }
0x75: {  	_ =	shalt  }
0x76: {  	_ =	shalt  }
0x77: {  	_ =	shalt  }
0x78: {  	_ =	shalt  }
0x79: {  	_ =	shalt  }
0x7a: {  	_ =	shalt  }
0x7b: {  	_ =	shalt  }
0x7c: {  	_ =	shalt  }
0x7d: {  	_ =	shalt  }
0x7e: {  	_ =	shalt  }
0x7f: {  	_ =	shalt  }
0x80: {  	_ =	shalt  }
0x81: {  	_ =	shalt  }
0x82: {  	_ =	shalt  }
0x83: {  	_ =	shalt  }
0x84: {  	_ =	shalt  }
0x85: {  	_ =	shalt  }
0x86: {  	_ =	shalt  }
0x87: {  	_ =	shalt  }
.Lfunc_end0:
.L_simem_size_0:
called_computation.1_lowered:
.L_overlay_start_0:
0x88: {  	s2 =	sld [smem:$0x3FD9]  }
0x89: {  	s3 =	sld [smem:$0x3FFE];
	_ =	sdelay $0x1  }
0x8a: {  	s1 =	srdreg.scid  }
0x8b: {  	s0 =	sand.u32 $0x1, s1  }
0x8c: {  	s16 =	sshll.u32 s0, $0xA;
	s2 =	sadd.s32 s3, s2  }
0x8d: {  	s2 =	sadd.s32 s2, s16  }
0x8e: {  	[smem:$0x3FBE] =	sst s2  }
0x8f: {  	_ = 	snop  }
0x90: {  	(tm) =	ssettm $0x1  }
0x91: {  	s17 =	sld [smem:$0x3FFB];
	_ =	sdelay $0x3  }
0x92: {  	_ =	strace s17  }
0x93: {  	s2 =	sld [smem:$0x3FFC];
	_ =	sdelay $0x3  }
0x94: {  	_ =	strace s2  }
0x95: {  	s2 =	sld [smem:$0x3FFD];
	_ =	sdelay $0x3  }
0x96: {  	_ =	strace s2  }
0x97: {  	_ =	strace $0x8FFFFFFF  }
0x98: {  	s18 =	sld [smem:$0x3FDB];
	_ =	sdelay $0x1  }
0x99: {  	s19 =	simm.s32 $_scs_section_size  }
0x9a: {  	s4 =	simm.s32 $_size__tile_overlayer_lowered;
	s5 =	simm.s32 $_tile_overlayer_lowered  }
0x9b: {  	s22 =	simm.s32 $0x1BFF;
	s21 =	sshll.u32 s5, $0x1;
	s2 =	sadd.s32 s19, s18  }
0x9c: {  	s6 =	simm.s32 $0x0;
	s20 =	sshll.u32 s4, $0x1;
	s4 =	sadd.s32 s21, s2  }
0x9d: {  	[timem:s6], [sflag:s22] =	dma.local [hbm:s4], s20  }
0x9e: {  	_ =	swait.ge [sflag:s22], s20  }
0x9f: {  	s3 =	ssub.s32 $0x0, s20;
	[sflag:s22] =	ssyncset.done $0x0  }
0xa0: {  	[sflag:s22] =	ssyncadd.s32 s3;
	_ =	sdelay $0x1  }
0xa1: {  	s23 =	simm.s32 $0x1B8B  }
0xa2: {  	_ =	swait.ge [sflag:s23], $0x1  }
0xa3: {  	[sflag:s23] =	ssyncset.done $0x0  }
0xa4: {  	s25 =	simm.s32 $0x1B8E;
	s24 =	sld [smem:$0x3FFE];
	[sflag:s23] =	ssyncadd.s32 $0xFFFFFFFF  }
0xa5: {  	s26 =	simm.s32 $execute0_lowered;
	[smem:$0x3FD2] =	sst s25  }
0xa6: {  	s4 =	sshll.u32 s26, $0x1;
	_ =	strace $0x80000049;
	[dreg:$0x1] =	wrdreg $0xFFFFFFFF  }
0xa7: {  	s28 =	simm.s32 $_size_execute0_lowered;
	s2 =	sadd.s32 s2, s4;
	[dreg:$0x0] =	wrdreg $0x0  }
0xa8: {  	s4 =	sshll.u32 s28, $0x1;
	[dreg:$0x2] =	wrdreg s2  }
0xa9: {  	[dreg:$0x3] =	wrdreg s4  }
0xaa: {  	[dreg:$0x4] =	wrdreg $0xC0  }
0xab: {  	_ =	task [dreg:s6], $0x5FFFF  }
0xac: {  	[dreg:$0x1] =	wrdreg $0xFFFFFFFF  }
0xad: {  	[dreg:$0x0] =	wrdreg $0x60  }
0xae: {  	[dreg:$0x2] =	wrdreg s24  }
0xaf: {  	[dreg:$0x3] =	wrdreg $0xA9000  }
0xb0: {  	[dreg:$0x4] =	wrdreg $0x9  }
0xb1: {  	_ =	task.clear_ibuf [dreg:s6], $0x5FFFF;
	_ =	strace $0x90000049  }
0xb2: {  	s29 =	simm.s32 $0x9;
	_ =	strace $0x8000004B  }
0xb3: {  	_ =	swait.ge [sflag:s29], $0x1  }
0xb4: {  	[sflag:s29] =	ssyncadd.s32 $0xFFFFFFFF  }
0xb5: {  	_ =	strace $0x9000004B  }
0xb6: {  	_ =	sfence  }
0xb7: {  	s30 =	sld [smem:$0x0];
	_ =	sdelay $0x2  }
0xb8: {  	s31 =	sshll.u32 s1, $0xD;
	s1 =	sshrl.u32 s1, $0x2  }
0xb9: {  	s3 =	sand.u32 $0x4000, s31;
	s1 =	sadd.s32 s1, s30  }
0xba: {  	s0 =	sor.u32 s3, s0;
	s1 =	sshll.u32 s1, $0x11  }
0xbb: {  	s0 =	sor.u32 s1, s0  }
0xbc: {  	s0 =	sadd.s32 $0x8F2B, s0  }
0xbd: {  	[sflag:s0] =	ssyncadd.remote.s32 $0x1  }
0xbe: {  	_ =	sfence.sel $0xFFFF  }
0xbf: {  	[dreg:$0x0] =	wrdreg $0xFFFFFFFF;
	(pc) =	sbr.abs _section_cstart, $3  }
0xc0: {  	[dreg:$0x1] =	wrdreg $0xFFFFFFFF  }
0xc1: {  	_ =	task.clear_ibuf [dreg:s6], $0x2FFFF;
	_ =	strace $0x9FFFFFFF  }
0xc2: {  	(tm) =	ssettm $0x7FFFFFFF  }
0xc3: {  	_ =	shalt  }
tec
execute0_lowered:
.L_overlay_start_1:
0x0: {  	(tag) =	ssettag $0x1  }
0x1: {  	s1 =	srdreg.scid;
	s8 =	rddreg [dreg:$0x0]  }
0x2: {  	s0 =	stileid.u32;
	s3 =	rddreg [dreg:$0x1];
	s4 =	simm.s32 $0x0  }
0x3: {  	s17 =	simm.s32 $0x2880;
	s18 =	simm.s32 $0x80;
	s19 =	simm.s32 $0x2900  }
0x4: {  	s20 =	simm.s32 $0x6900;
	s21 =	simm.s32 $0x1;
	s2 =	smul.u32 $0x2800, s0  }
0x5: {  	s22 =	simm.s32 $0x3;
	s23 =	simm.s32 $0x2;
	s11 =	smul.u32 $0x14000, s0  }
0x6: {  	s24 =	simm.s32 $0x4;
	s9 =	sand.u32 $0x1, s1;
	s13 =	smul.u32 $0x50000, s0  }
0x7: {  	s25 =	simm.s32 $0x0;
	[smem:$0x7FF] =	sst s4;
	s5 =	smul.u32 $0x28000, s9  }
0x8: {  	s7 =	sadd.s32 $0x53600, s8;
	s10 =	smul.u32 $0x140000, s9;
	s9 =	ssub.s32 $0x2, s9  }
0x9: {  	s31 =	sshll.u32 s0, $0x6;
	_ =	strace $0x8000004A;
	s28 =	sshrl.u32 s9, $0x1  }
0xa: {  	s29 =	sshrl.u32 s2, $0x3;
	s30 =	sshrl.u32 s13, $0x2;
	s13 =	simm.s32 $0x5  }
0xb: {  	s5 =	sadd.s32 s2, s5;
	s10 =	sadd.s32 s11, s10;
	s15 =	ssub.s32 s9, s28  }
0xc: {  	s16 =	sadd.s32 s30, s3;
	s6 =	sshrl.u32 s5, $0x3;
	s5 =	sadd.s32 $0x3600, s8  }
0xd: {  	s10 =	sshrl.u32 s10, $0x3;
	s12 =	sadd.s32 s6, s8;
	s6 =	sadd.s32 $0xAFC00, s8  }
0xe: {  	s14 =	sadd.s32 s10, s8;
	s8 =	sadd.s32 $0xB4C00, s12;
	s9 =	sadd.s32 s6, s29  }
0xf: {  	s11 =	sadd.s32 $0x55E00, s14;
	s12 =	smax.u32 s15, $0x1;
	s14 =	sor.u32 $0x1C05, s31  }
0x10: {  	s15 =	sshrl.u32 s16, $0x3;
	s16 =	simm.s32 $0x2800;
	s10 =	sadd.s32 $0x10, s9  }
.LBB2_1:
0x11: {  	[tilespmem:s4], [sflag:$0x5] =	stream.linear.gather [hbm4b:s8+s4], $0x2800, $0x38;
	[tilespmem:$0x1E900] =	vst v63  }
0x12: {  	_ =	swait.ge [sflag:s13], $0x2800  }
0x13: {  	[sflag:s13] =	ssyncset.done $0x0  }
0x14: {  	[sflag:s13] =	ssyncadd.s32 $0xFFFFD800  }
0x15: {  	[spmem:s15], [sflag:s14] =	dma.local [hbm:s7], $0x2800  }
0x16: {  	_ =	swait.ge [sflag:s13], $0x2800  }
0x17: {  	[sflag:s13] =	ssyncset.done $0x0  }
0x18: {  	[sflag:s13] =	ssyncadd.s32 $0xFFFFD800  }
0x19: {  	[bflag:$0x0] =	sbarrier.arrive $0xFFFF  }
0x1a: {  	[tilespmem:s16], [sflag:$0x3] =	stream.linear.gather [hbm4b:s9+s4], $0x80, $0x38;
	[tilespmem:$0x1E900] =	vst v63  }
0x1b: {  	_ = 	snop  }
0x1c: {  	[tilespmem:s17], [sflag:$0x4] =	stream.linear.gather [hbm4b:s10+s4], $0x80, $0x38;
	[tilespmem:$0x1E900] =	vst v63  }
0x1d: {  	_ = 	snop  }
0x1e: {  	[tilespmem:s19], [sflag:$0x1] =	stream.indirect.gather [hbm4b:s5+s18], $0x80, s4, s18, $0xb8;
	[tilespmem:$0x1E900] =	vst v63  }
0x1f: {  	_ = 	snop  }
0x20: {  	[tilespmem:s20], [sflag:$0x2] =	stream.indirect.gather [hbm4b:s5+s18], $0x80, s18, s18, $0xb8;
	[tilespmem:$0x1E900] =	vst v63  }
0x21: {  	_ =	swait.ge [sflag:s21], $0x4000  }
0x22: {  	[sflag:s21] =	ssyncset.done $0x0  }
0x23: {  	[sflag:s21] =	ssyncadd.s32 $0xFFFFC000  }
0x24: {  	s26 =	simm.s32 $0x100;
	_ =	swait.ge [sflag:s22], $0x80  }
0x25: {  	s28 =	sand.u32 $0x7C00, s26;
	[sflag:s22] =	ssyncset.done $0x0  }
0x26: {  	s26 =	sand.u32 $0x300, s26;
	s28 =	sadd.s32 s2, s28;
	[sflag:s22] =	ssyncadd.s32 $0xFFFFFF80  }
0x27: {  	[spmem:s3] =	stream.indirect.scatter.add.f32 [tilespmem:s19], [sflag:$0x5], $0x80, s16, s18, $0xb8;
	[tilespmem:$0x1E900] =	vst v63  }
0x28: {  	s26 =	sor.u32 s26, s28;
	_ =	swait.ge [sflag:s13], $0x4000  }
0x29: {  	s26 =	sshrl.u32 s26, $0x3;
	[sflag:s13] =	ssyncset.done $0x0  }
0x2a: {  	s26 =	sadd.s32 s6, s26;
	[sflag:s13] =	ssyncadd.s32 $0xFFFFC000  }
0x2b: {  	[tilespmem:s16], [sflag:$0x3] =	stream.linear.gather [hbm4b:s26+s4], $0x80, $0x38;
	[tilespmem:$0x1E900] =	vst v63  }
0x2c: {  	s30 =	simm.s32 $0x100  }
0x2d: {  	[tilespmem:s19], [sflag:$0x1] =	stream.indirect.gather [hbm4b:s5+s18], $0x80, s30, s18, $0xb8;
	[tilespmem:$0x1E900] =	vst v63  }
0x2e: {  	_ =	swait.ge [sflag:s23], $0x4000  }
0x2f: {  	[sflag:s23] =	ssyncset.done $0x0  }
0x30: {  	[sflag:s23] =	ssyncadd.s32 $0xFFFFC000  }
0x31: {  	s31 =	simm.s32 $0x180;
	_ =	swait.ge [sflag:s24], $0x80  }
0x32: {  	s28 =	sand.u32 $0x7C00, s31;
	[sflag:s24] =	ssyncset.done $0x0  }
0x33: {  	s28 =	sadd.s32 s2, s28;
	s26 =	sand.u32 $0x380, s31;
	[sflag:s24] =	ssyncadd.s32 $0xFFFFFF80  }
0x34: {  	[spmem:s3] =	stream.indirect.scatter.add.f32 [tilespmem:s20], [sflag:$0x5], $0x80, s17, s18, $0xb8;
	[tilespmem:$0x1E900] =	vst v63  }
0x35: {  	s26 =	sor.u32 s26, s28;
	_ =	swait.ge [sflag:s13], $0x4000  }
0x36: {  	s26 =	sshrl.u32 s26, $0x3;
	[sflag:s13] =	ssyncset.done $0x0  }
0x37: {  	s26 =	sadd.s32 s6, s26;
	[sflag:s13] =	ssyncadd.s32 $0xFFFFC000  }
0x38: {  	[tilespmem:s17], [sflag:$0x4] =	stream.linear.gather [hbm4b:s26+s4], $0x80, $0x38;
	[tilespmem:$0x1E900] =	vst v63  }
0x39: {  	s29 =	simm.s32 $0x200;
	s28 =	simm.s32 $0x180;
	s26 =	simm.s32 $0x280  }
.LBB2_2:
0x3a: {  	s30 =	sadd.s32 $0x80, s29  }
0x3b: {  	p0 =	sne.s32 s26, $0x2780;
	s31 =	smov.u32 s26;
	s26 =	sadd.s32 $0x100, s26  }
0x3c: {  	[tilespmem:s20], [sflag:$0x2] =	stream.indirect.gather [hbm4b:s5+s18], $0x80, s28, s18, $0xb8;
	[tilespmem:$0x1E900] =	vst v63  }
0x3d: {  	s28 =	smov.u32 s30;
	_ =	swait.ge [sflag:s21], $0x4000  }
0x3e: {  	[sflag:s21] =	ssyncset.done $0x0  }
0x3f: {  	[sflag:s21] =	ssyncadd.s32 $0xFFFFC000  }
0x40: {  	_ =	swait.ge [sflag:s22], $0x80  }
0x41: {  	s30 =	sadd.s32 $0xFFFFFF80, s31;
	[sflag:s22] =	ssyncset.done $0x0  }
0x42: {  	s1 =	sand.u32 $0x7C00, s30;
	s30 =	sand.u32 $0x300, s30;
	[sflag:s22] =	ssyncadd.s32 $0xFFFFFF80  }
0x43: {  	[spmem:s3] =	stream.indirect.scatter.add.f32 [tilespmem:s19], [sflag:$0x5], $0x80, s16, s18, $0xb8;
	[tilespmem:$0x1E900] =	vst v63  }
0x44: {  	s1 =	sadd.s32 s2, s1;
	_ =	swait.ge [sflag:s13], $0x4000  }
0x45: {  	s1 =	sor.u32 s30, s1;
	[sflag:s13] =	ssyncset.done $0x0  }
0x46: {  	s1 =	sshrl.u32 s1, $0x3;
	[sflag:s13] =	ssyncadd.s32 $0xFFFFC000  }
0x47: {  	s1 =	sadd.s32 s6, s1  }
0x48: {  	[tilespmem:s16], [sflag:$0x3] =	stream.linear.gather [hbm4b:s1+s4], $0x80, $0x38;
	[tilespmem:$0x1E900] =	vst v63  }
0x49: {  	_ = 	snop  }
0x4a: {  	[tilespmem:s19], [sflag:$0x1] =	stream.indirect.gather [hbm4b:s5+s18], $0x80, s29, s18, $0xb8;
	[tilespmem:$0x1E900] =	vst v63  }
0x4b: {  	_ =	swait.ge [sflag:s23], $0x4000  }
0x4c: {  	[sflag:s23] =	ssyncset.done $0x0  }
0x4d: {  	[sflag:s23] =	ssyncadd.s32 $0xFFFFC000  }
0x4e: {  	_ =	swait.ge [sflag:s24], $0x80  }
0x4f: {  	s1 =	sand.u32 $0x7C00, s31;
	[sflag:s24] =	ssyncset.done $0x0  }
0x50: {  	s30 =	sand.u32 $0x380, s31;
	s1 =	sadd.s32 s2, s1;
	[sflag:s24] =	ssyncadd.s32 $0xFFFFFF80  }
0x51: {  	[spmem:s3] =	stream.indirect.scatter.add.f32 [tilespmem:s20], [sflag:$0x5], $0x80, s17, s18, $0xb8;
	[tilespmem:$0x1E900] =	vst v63  }
.Ltmp0:
0x52: {  	_ = 	snop;
	(pc) =	sbr.rel @p0 .LBB2_2-.Ltmp0, $4  }
0x53: {  	s1 =	sor.u32 s30, s1;
	_ =	swait.ge [sflag:s13], $0x4000  }
0x54: {  	s1 =	sshrl.u32 s1, $0x3;
	[sflag:s13] =	ssyncset.done $0x0  }
0x55: {  	s29 =	sadd.s32 $0x100, s29;
	s1 =	sadd.s32 s6, s1;
	[sflag:s13] =	ssyncadd.s32 $0xFFFFC000  }
0x56: {  	[tilespmem:s17], [sflag:$0x4] =	stream.linear.gather [hbm4b:s1+s4], $0x80, $0x38;
	[tilespmem:$0x1E900] =	vst v63  }
0x57: {  	[tilespmem:s20], [sflag:$0x2] =	stream.indirect.gather [hbm4b:s5+s18], $0x80, s28, s18, $0xb8;
	[tilespmem:$0x1E900] =	vst v63  }
0x58: {  	_ =	swait.ge [sflag:s21], $0x4000  }
0x59: {  	[sflag:s21] =	ssyncset.done $0x0  }
0x5a: {  	[sflag:s21] =	ssyncadd.s32 $0xFFFFC000  }
0x5b: {  	_ =	swait.ge [sflag:s22], $0x80  }
0x5c: {  	[sflag:s22] =	ssyncset.done $0x0  }
0x5d: {  	[sflag:s22] =	ssyncadd.s32 $0xFFFFFF80  }
0x5e: {  	[spmem:s3] =	stream.indirect.scatter.add.f32 [tilespmem:s19], [sflag:$0x5], $0x80, s16, s18, $0xb8;
	[tilespmem:$0x1E900] =	vst v63  }
0x5f: {  	_ =	swait.ge [sflag:s13], $0x4000  }
0x60: {  	[sflag:s13] =	ssyncset.done $0x0  }
0x61: {  	[sflag:s13] =	ssyncadd.s32 $0xFFFFC000  }
0x62: {  	_ =	swait.ge [sflag:s23], $0x4000  }
0x63: {  	[sflag:s23] =	ssyncset.done $0x0  }
0x64: {  	[sflag:s23] =	ssyncadd.s32 $0xFFFFC000  }
0x65: {  	_ =	swait.ge [sflag:s24], $0x80  }
0x66: {  	[sflag:s24] =	ssyncset.done $0x0  }
0x67: {  	[sflag:s24] =	ssyncadd.s32 $0xFFFFFF80  }
0x68: {  	[spmem:s3] =	stream.indirect.scatter.add.f32 [tilespmem:s20], [sflag:$0x5], $0x80, s17, s18, $0xb8;
	[tilespmem:$0x1E900] =	vst v63  }
0x69: {  	_ =	swait.ge [sflag:s13], $0x4000  }
0x6a: {  	s25 =	sadd.s32 $0x1, s25;
	[sflag:s13] =	ssyncset.done $0x0  }
0x6b: {  	p0 =	sne.s32 s25, s12;
	[sflag:s13] =	ssyncadd.s32 $0xFFFFC000  }
.Ltmp1:
0x6c: {  	[bflag:$0x0] =	sbarrier.arrive $0xFFFF;
	(pc) =	sbr.rel @p0 .LBB2_1-.Ltmp1, $4  }
0x6d: {  	[hbm:s11], [sflag:s14] =	dma.local [spmem:s15], $0x2800  }
0x6e: {  	_ =	swait.ge [sflag:s13], $0x2800  }
0x6f: {  	[sflag:s13] =	ssyncset.done $0x0  }
0x70: {  	[sflag:s13] =	ssyncadd.s32 $0xFFFFD800  }
0x71: {  	_ =	sfence.sel $0x180000  }
0x72: {  	[bflag:$0x0] =	sbarrier.arrive $0xFFFF  }
0x73: {  	_ =	strace $0x9000004A  }
0x74: {  	[bflag:$0x2] =	sbarrier.arrive $0xFFFF  }
0x75: {  	p0 =	sne.s32 s0, $0x0;
	s0 =	rddreg [dreg:$0x2]  }
0x76: {  	s0 =	sadd.s32 @!p0 $0x100000, s0  }
0x77: {  	[sflag:s0] =	ssyncadd.tile.s32 @!p0 $0x1;
	_ =	shalt  }
.Lfunc_end2:
_tile_overlayer_lowered:
.L_overlay_start_2:
0x78: {  	(tag) =	ssettag $0x2  }
0x79: {  	s0 =	rddreg [dreg:$0x0];
	s2 =	stileid.u32  }
0x7a: {  	s1 =	rddreg [dreg:$0x1];
	p0 =	sne.s32 s2, $0x0  }
0x7b: {  	s3 =	rddreg [dreg:$0x2];
	[bflag:$0x3] =	sbarrier.arrive $0xFFFF;
	s2 =	simm.s32 @!p0 $0x1C05  }
0x7c: {  	[timem:s3], [sflag:s2] =	dma.local @!p0 [hbm:s0], s1  }
0x7d: {  	s0 =	simm.s32 @!p0 $0x5  }
0x7e: {  	_ =	swait.ge @!p0 [sflag:s0], s1  }
0x7f: {  	s1 =	ssub.s32 @!p0 $0x0, s1;
	[sflag:s0] =	ssyncset.done @!p0 $0x0  }
0x80: {  	[sflag:s0] =	ssyncadd.s32 @!p0 s1  }
0x81: {  	[bflag:$0x3] =	sbarrier.arrive $0xFFFF  }
0x82: {  	_ =	shalt  }

// kernel: kernel.19.cloned.1.call-start
scs
__scs_entry_jumppad:
0x0: {  	(pc) =	sbr.rel $0x88, $3  }
0x1: {  	(tag) =	ssettag $0x0;
	lr =	simm.s32 $0x1  }
0x2: {  	[smem:$0x3F97] =	sst lr;
	_ =	strace $0xD0000000  }
0x3: {  	_ = 	snop  }
0x4: {  	_ = 	snop  }
0x5: {  	_ = 	snop  }
0x6: {  	_ = 	snop  }
0x7: {  	_ = 	snop  }
__scs_overlays_trampoline_lowered:
0x8: {  	[smem:$0x3FA6] =	sst s0  }
0x9: {  	[smem:$0x3FA7] =	sst s1  }
0xa: {  	[smem:$0x3FA8] =	sst s2  }
0xb: {  	[smem:$0x3FA9] =	sst s3  }
0xc: {  	[smem:$0x3FAA] =	sst s4  }
0xd: {  	[smem:$0x3FAB] =	sst s5  }
0xe: {  	[smem:$0x3FAC] =	sst s6  }
0xf: {  	[smem:$0x3FAD] =	sst s7  }
0x10: {  	[smem:$0x3FAE] =	sst s8  }
0x11: {  	[smem:$0x3FAF] =	sst s9;
	s0 =	simm.s32 @!p0 $0x0  }
0x12: {  	s1 =	sld [smem:$0x3F95];
	s0 =	simm.s32 @p0 $0x1  }
0x13: {  	[smem:$0x3FB0] =	sst s0;
	s0 =	simm.s32 @!p1 $0x0  }
0x14: {  	s2 =	sld [smem:$0x3F94];
	s0 =	simm.s32 @p1 $0x1  }
0x15: {  	[smem:$0x3FB1] =	sst s0;
	s0 =	simm.s32 @!p2 $0x0  }
0x16: {  	s3 =	sld [smem:$0x3FDB];
	s0 =	simm.s32 @p2 $0x1  }
0x17: {  	s4 =	simm.s32 $0x1BF5;
	[smem:$0x3FB3] =	sst s0  }
0x18: {  	s0 =	sld [smem:$0x3F96];
	_ =	swait.ge [sflag:s4], $0x0  }
0x19: {  	s7 =	sld [smem:$0x3F97]  }
0x1a: {  	s8 =	sadd.s32 $0xFFFFE003, lr  }
0x1b: {  	s9 =	sadd.s32 $0xFFFFFEF7, lr;
	s5 =	simm.s32 $0xFFFFFFFF;
	p2 =	slt.u32 s8, $0xFFFFF086  }
0x1c: {  	p1 =	slt.u32 s9, $0xF7A;
	s5 =	simm.s32 @!p2 $0x0  }
0x1d: {  	s5 =	simm.s32 @p1 $0x1;
	p0 =	seq.s32 s7, s2  }
0x1e: {  	s7 =	smul.u32 @!p0 $0xF7A, s2;
	p2 =	seq.s32 @!p0 s5, $0x0  }
0x1f: {  	s9 =	smul.u32 $0xF7A, s1;
	s8 =	simm.s32 @!p0 $0x1BF5;
	p2 =	por !p2, p0  }
0x20: {  	[sflag:s8] =	ssyncset.s32 @!p0 $0xFFFFF086;
	s6 =	sadd.s32 @!p0 s3, s7;
	s7 =	simm.s32 @!p0 $0x108  }
0x21: {  	s3 =	sadd.s32 s3, s9;
	s6 =	sadd.s32 @!p0 $0x88, s6;
	s7 =	simm.s32 @p2 $0x1082  }
0x22: {  	[simem:s7], [sflag:s8] =	dma.local @!p0 [hbm:s6], $0xF7A  }
0x23: {  	s9 =	sor.u32 $0xD0000000, s2;
	s6 =	simm.s32 $0x108;
	_ =	swait.ge @!p0 [sflag:s8], $0x0  }
0x24: {  	s3 =	sadd.s32 $0x88, s3;
	s6 =	simm.s32 @!p1 $0x1082;
	[sflag:s4] =	ssyncset.s32 $0xFFFFF086  }
0x25: {  	[simem:s6], [sflag:s4] =	dma.local [hbm:s3], $0xF7A  }
0x26: {  	[smem:$0x3F97] =	sst s1;
	(tag) =	ssettag s2;
	_ =	strace s9  }
0x27: {  	s1 =	sld [smem:$0x3FA7]  }
0x28: {  	s2 =	sld [smem:$0x3FA8]  }
0x29: {  	s4 =	sld [smem:$0x3FAA]  }
0x2a: {  	p0 =	seq.s32 s5, $0x0;
	s5 =	sld [smem:$0x3FAB]  }
0x2b: {  	s6 =	sld [smem:$0x3FAC]  }
0x2c: {  	s7 =	sld [smem:$0x3FAD]  }
0x2d: {  	s3 =	simm.s32 $0x108;
	s8 =	sld [smem:$0x3FAE]  }
0x2e: {  	s3 =	simm.s32 @!p0 $0x1082;
	s9 =	sld [smem:$0x3FAF]  }
0x2f: {  	lr =	sadd.s32 s0, s3;
	s0 =	sld [smem:$0x3FA6]  }
0x30: {  	s3 =	sld [smem:$0x3FA9]  }
0x31: {  	[smem:$0x3FB2] =	sst s10  }
0x32: {  	s10 =	sld [smem:$0x3FB0];
	_ =	sdelay $0x3  }
0x33: {  	p0 =	seq.s32 s10, $0x1;
	s10 =	sld [smem:$0x3FB2];
	_ =	sdelay $0x3  }
0x34: {  	[smem:$0x3FB2] =	sst s10  }
0x35: {  	s10 =	sld [smem:$0x3FB1];
	_ =	sdelay $0x3  }
0x36: {  	p1 =	seq.s32 s10, $0x1;
	s10 =	sld [smem:$0x3FB2];
	_ =	sdelay $0x3  }
0x37: {  	[smem:$0x3FB2] =	sst s10  }
0x38: {  	s10 =	sld [smem:$0x3FB3]  }
0x39: {  	_ = 	snop;
	(pc) =	sbr.ind lr, $3  }
0x3a: {  	_ = 	snop  }
0x3b: {  	_ = 	snop  }
0x3c: {  	p2 =	seq.s32 s10, $0x1;
	s10 =	sld [smem:$0x3FB2]  }
0x3d: {  	_ =	shalt  }
0x3e: {  	_ =	shalt  }
0x3f: {  	_ =	shalt  }
0x40: {  	_ =	shalt  }
0x41: {  	_ =	shalt  }
0x42: {  	_ =	shalt  }
0x43: {  	_ =	shalt  }
0x44: {  	_ =	shalt  }
0x45: {  	_ =	shalt  }
0x46: {  	_ =	shalt  }
0x47: {  	_ =	shalt  }
0x48: {  	_ =	shalt  }
0x49: {  	_ =	shalt  }
0x4a: {  	_ =	shalt  }
0x4b: {  	_ =	shalt  }
0x4c: {  	_ =	shalt  }
0x4d: {  	_ =	shalt  }
0x4e: {  	_ =	shalt  }
0x4f: {  	_ =	shalt  }
0x50: {  	_ =	shalt  }
0x51: {  	_ =	shalt  }
0x52: {  	_ =	shalt  }
0x53: {  	_ =	shalt  }
0x54: {  	_ =	shalt  }
0x55: {  	_ =	shalt  }
0x56: {  	_ =	shalt  }
0x57: {  	_ =	shalt  }
0x58: {  	_ =	shalt  }
0x59: {  	_ =	shalt  }
0x5a: {  	_ =	shalt  }
0x5b: {  	_ =	shalt  }
0x5c: {  	_ =	shalt  }
0x5d: {  	_ =	shalt  }
0x5e: {  	_ =	shalt  }
0x5f: {  	_ =	shalt  }
0x60: {  	_ =	shalt  }
0x61: {  	_ =	shalt  }
0x62: {  	_ =	shalt  }
0x63: {  	_ =	shalt  }
0x64: {  	_ =	shalt  }
0x65: {  	_ =	shalt  }
0x66: {  	_ =	shalt  }
0x67: {  	_ =	shalt  }
0x68: {  	_ =	shalt  }
0x69: {  	_ =	shalt  }
0x6a: {  	_ =	shalt  }
0x6b: {  	_ =	shalt  }
0x6c: {  	_ =	shalt  }
0x6d: {  	_ =	shalt  }
0x6e: {  	_ =	shalt  }
0x6f: {  	_ =	shalt  }
0x70: {  	_ =	shalt  }
0x71: {  	_ =	shalt  }
0x72: {  	_ =	shalt  }
0x73: {  	_ =	shalt  }
0x74: {  	_ =	shalt  }
0x75: {  	_ =	shalt  }
0x76: {  	_ =	shalt  }
0x77: {  	_ =	shalt  }
0x78: {  	_ =	shalt  }
0x79: {  	_ =	shalt  }
0x7a: {  	_ =	shalt  }
0x7b: {  	_ =	shalt  }
0x7c: {  	_ =	shalt  }
0x7d: {  	_ =	shalt  }
0x7e: {  	_ =	shalt  }
0x7f: {  	_ =	shalt  }
0x80: {  	_ =	shalt  }
0x81: {  	_ =	shalt  }
0x82: {  	_ =	shalt  }
0x83: {  	_ =	shalt  }
0x84: {  	_ =	shalt  }
0x85: {  	_ =	shalt  }
0x86: {  	_ =	shalt  }
0x87: {  	_ =	shalt  }
.Lfunc_end0:
.L_simem_size_0:
called_computation.2_lowered:
.L_overlay_start_0:
0x88: {  	s2 =	sld [smem:$0x3FD9]  }
0x89: {  	s3 =	sld [smem:$0x3FFE];
	_ =	sdelay $0x1  }
0x8a: {  	s1 =	srdreg.scid  }
0x8b: {  	s0 =	sand.u32 $0x1, s1  }
0x8c: {  	s16 =	sshll.u32 s0, $0xA;
	s2 =	sadd.s32 s3, s2  }
0x8d: {  	s2 =	sadd.s32 s2, s16  }
0x8e: {  	[smem:$0x3FBE] =	sst s2  }
0x8f: {  	_ = 	snop  }
0x90: {  	(tm) =	ssettm $0x1  }
0x91: {  	s17 =	sld [smem:$0x3FFB];
	_ =	sdelay $0x3  }
0x92: {  	_ =	strace s17  }
0x93: {  	s2 =	sld [smem:$0x3FFC];
	_ =	sdelay $0x3  }
0x94: {  	_ =	strace s2  }
0x95: {  	s2 =	sld [smem:$0x3FFD];
	_ =	sdelay $0x3  }
0x96: {  	_ =	strace s2  }
0x97: {  	_ =	strace $0x8FFFFFFF  }
0x98: {  	s18 =	sld [smem:$0x3FDB];
	_ =	sdelay $0x1  }
0x99: {  	s19 =	simm.s32 $_scs_section_size  }
0x9a: {  	s4 =	simm.s32 $_size__tile_overlayer_lowered;
	s5 =	simm.s32 $_tile_overlayer_lowered  }
0x9b: {  	s22 =	simm.s32 $0x1BFF;
	s21 =	sshll.u32 s5, $0x1;
	s2 =	sadd.s32 s19, s18  }
0x9c: {  	s6 =	simm.s32 $0x0;
	s20 =	sshll.u32 s4, $0x1;
	s4 =	sadd.s32 s21, s2  }
0x9d: {  	[timem:s6], [sflag:s22] =	dma.local [hbm:s4], s20  }
0x9e: {  	_ =	swait.ge [sflag:s22], s20  }
0x9f: {  	s3 =	ssub.s32 $0x0, s20;
	[sflag:s22] =	ssyncset.done $0x0  }
0xa0: {  	[sflag:s22] =	ssyncadd.s32 s3;
	_ =	sdelay $0x1  }
0xa1: {  	s23 =	simm.s32 $0x1B8B  }
0xa2: {  	_ =	swait.ge [sflag:s23], $0x1  }
0xa3: {  	[sflag:s23] =	ssyncset.done $0x0  }
0xa4: {  	s25 =	simm.s32 $0x1B8E;
	s24 =	sld [smem:$0x3FFE];
	[sflag:s23] =	ssyncadd.s32 $0xFFFFFFFF  }
0xa5: {  	s26 =	simm.s32 $execute0_lowered;
	[smem:$0x3FD2] =	sst s25  }
0xa6: {  	s4 =	sshll.u32 s26, $0x1;
	_ =	strace $0x8000004C;
	[dreg:$0x1] =	wrdreg $0xFFFFFFFF  }
0xa7: {  	s28 =	simm.s32 $_size_execute0_lowered;
	s2 =	sadd.s32 s2, s4;
	[dreg:$0x0] =	wrdreg $0x0  }
0xa8: {  	s4 =	sshll.u32 s28, $0x1;
	[dreg:$0x2] =	wrdreg s2  }
0xa9: {  	[dreg:$0x3] =	wrdreg s4  }
0xaa: {  	[dreg:$0x4] =	wrdreg $0xC0  }
0xab: {  	_ =	task [dreg:s6], $0x5FFFF  }
0xac: {  	[dreg:$0x1] =	wrdreg $0xFFFFFFFF  }
0xad: {  	[dreg:$0x0] =	wrdreg $0x60  }
0xae: {  	[dreg:$0x2] =	wrdreg s24  }
0xaf: {  	[dreg:$0x3] =	wrdreg $0xA9000  }
0xb0: {  	[dreg:$0x4] =	wrdreg $0x9  }
0xb1: {  	_ =	task.clear_ibuf [dreg:s6], $0x5FFFF;
	_ =	strace $0x9000004C  }
0xb2: {  	s29 =	simm.s32 $0x9;
	_ =	strace $0x8000004E  }
0xb3: {  	_ =	swait.ge [sflag:s29], $0x1  }
0xb4: {  	[sflag:s29] =	ssyncadd.s32 $0xFFFFFFFF  }
0xb5: {  	_ =	strace $0x9000004E  }
0xb6: {  	_ =	sfence  }
0xb7: {  	s30 =	sld [smem:$0x0];
	_ =	sdelay $0x2  }
0xb8: {  	s31 =	sshll.u32 s1, $0xD;
	s1 =	sshrl.u32 s1, $0x2  }
0xb9: {  	s3 =	sand.u32 $0x4000, s31;
	s1 =	sadd.s32 s1, s30  }
0xba: {  	s0 =	sor.u32 s3, s0;
	s1 =	sshll.u32 s1, $0x11  }
0xbb: {  	s0 =	sor.u32 s1, s0  }
0xbc: {  	s0 =	sadd.s32 $0x8F2B, s0  }
0xbd: {  	[sflag:s0] =	ssyncadd.remote.s32 $0x1  }
0xbe: {  	_ =	sfence.sel $0xFFFF  }
0xbf: {  	[dreg:$0x0] =	wrdreg $0xFFFFFFFF;
	(pc) =	sbr.abs _section_cstart, $3  }
0xc0: {  	[dreg:$0x1] =	wrdreg $0xFFFFFFFF  }
0xc1: {  	_ =	task.clear_ibuf [dreg:s6], $0x2FFFF;
	_ =	strace $0x9FFFFFFF  }
0xc2: {  	(tm) =	ssettm $0x7FFFFFFF  }
0xc3: {  	_ =	shalt  }
tec
execute0_lowered:
.L_overlay_start_1:
0x0: {  	(tag) =	ssettag $0x1  }
0x1: {  	s1 =	srdreg.scid;
	s8 =	rddreg [dreg:$0x0]  }
0x2: {  	s0 =	stileid.u32;
	s3 =	rddreg [dreg:$0x1];
	s4 =	simm.s32 $0x0  }
0x3: {  	s17 =	simm.s32 $0x2880;
	s18 =	simm.s32 $0x80;
	s19 =	simm.s32 $0x2900  }
0x4: {  	s20 =	simm.s32 $0x6900;
	s21 =	simm.s32 $0x1;
	s2 =	smul.u32 $0x2800, s0  }
0x5: {  	s22 =	simm.s32 $0x3;
	s23 =	simm.s32 $0x2;
	s11 =	smul.u32 $0x14000, s0  }
0x6: {  	s24 =	simm.s32 $0x4;
	s9 =	sand.u32 $0x1, s1;
	s13 =	smul.u32 $0x50000, s0  }
0x7: {  	s25 =	simm.s32 $0x0;
	[smem:$0x7FF] =	sst s4;
	s5 =	smul.u32 $0x28000, s9  }
0x8: {  	s7 =	sadd.s32 $0x53600, s8;
	s10 =	smul.u32 $0x140000, s9;
	s9 =	ssub.s32 $0x2, s9  }
0x9: {  	s31 =	sshll.u32 s0, $0x6;
	_ =	strace $0x8000004D;
	s28 =	sshrl.u32 s9, $0x1  }
0xa: {  	s29 =	sshrl.u32 s2, $0x3;
	s30 =	sshrl.u32 s13, $0x2;
	s13 =	simm.s32 $0x5  }
0xb: {  	s5 =	sadd.s32 s2, s5;
	s10 =	sadd.s32 s11, s10;
	s15 =	ssub.s32 s9, s28  }
0xc: {  	s16 =	sadd.s32 s30, s3;
	s6 =	sshrl.u32 s5, $0x3;
	s5 =	sadd.s32 $0x3600, s8  }
0xd: {  	s10 =	sshrl.u32 s10, $0x3;
	s12 =	sadd.s32 s6, s8;
	s6 =	sadd.s32 $0xAFC00, s8  }
0xe: {  	s14 =	sadd.s32 s10, s8;
	s8 =	sadd.s32 $0xB4C00, s12;
	s9 =	sadd.s32 s6, s29  }
0xf: {  	s11 =	sadd.s32 $0x55E00, s14;
	s12 =	smax.u32 s15, $0x1;
	s14 =	sor.u32 $0x1C05, s31  }
0x10: {  	s15 =	sshrl.u32 s16, $0x3;
	s16 =	simm.s32 $0x2800;
	s10 =	sadd.s32 $0x10, s9  }
.LBB2_1:
0x11: {  	[tilespmem:s4], [sflag:$0x5] =	stream.linear.gather [hbm4b:s8+s4], $0x2800, $0x38;
	[tilespmem:$0x1E900] =	vst v63  }
0x12: {  	_ =	swait.ge [sflag:s13], $0x2800  }
0x13: {  	[sflag:s13] =	ssyncset.done $0x0  }
0x14: {  	[sflag:s13] =	ssyncadd.s32 $0xFFFFD800  }
0x15: {  	[spmem:s15], [sflag:s14] =	dma.local [hbm:s7], $0x2800  }
0x16: {  	_ =	swait.ge [sflag:s13], $0x2800  }
0x17: {  	[sflag:s13] =	ssyncset.done $0x0  }
0x18: {  	[sflag:s13] =	ssyncadd.s32 $0xFFFFD800  }
0x19: {  	[bflag:$0x0] =	sbarrier.arrive $0xFFFF  }
0x1a: {  	[tilespmem:s16], [sflag:$0x3] =	stream.linear.gather [hbm4b:s9+s4], $0x80, $0x38;
	[tilespmem:$0x1E900] =	vst v63  }
0x1b: {  	_ = 	snop  }
0x1c: {  	[tilespmem:s17], [sflag:$0x4] =	stream.linear.gather [hbm4b:s10+s4], $0x80, $0x38;
	[tilespmem:$0x1E900] =	vst v63  }
0x1d: {  	_ = 	snop  }
0x1e: {  	[tilespmem:s19], [sflag:$0x1] =	stream.indirect.gather [hbm4b:s5+s18], $0x80, s4, s18, $0xb8;
	[tilespmem:$0x1E900] =	vst v63  }
0x1f: {  	_ = 	snop  }
0x20: {  	[tilespmem:s20], [sflag:$0x2] =	stream.indirect.gather [hbm4b:s5+s18], $0x80, s18, s18, $0xb8;
	[tilespmem:$0x1E900] =	vst v63  }
0x21: {  	_ =	swait.ge [sflag:s21], $0x4000  }
0x22: {  	[sflag:s21] =	ssyncset.done $0x0  }
0x23: {  	[sflag:s21] =	ssyncadd.s32 $0xFFFFC000  }
0x24: {  	s26 =	simm.s32 $0x100;
	_ =	swait.ge [sflag:s22], $0x80  }
0x25: {  	s28 =	sand.u32 $0x7C00, s26;
	[sflag:s22] =	ssyncset.done $0x0  }
0x26: {  	s26 =	sand.u32 $0x300, s26;
	s28 =	sadd.s32 s2, s28;
	[sflag:s22] =	ssyncadd.s32 $0xFFFFFF80  }
0x27: {  	[spmem:s3] =	stream.indirect.scatter.add.f32 [tilespmem:s19], [sflag:$0x5], $0x80, s16, s18, $0xb8;
	[tilespmem:$0x1E900] =	vst v63  }
0x28: {  	s26 =	sor.u32 s26, s28;
	_ =	swait.ge [sflag:s13], $0x4000  }
0x29: {  	s26 =	sshrl.u32 s26, $0x3;
	[sflag:s13] =	ssyncset.done $0x0  }
0x2a: {  	s26 =	sadd.s32 s6, s26;
	[sflag:s13] =	ssyncadd.s32 $0xFFFFC000  }
0x2b: {  	[tilespmem:s16], [sflag:$0x3] =	stream.linear.gather [hbm4b:s26+s4], $0x80, $0x38;
	[tilespmem:$0x1E900] =	vst v63  }
0x2c: {  	s30 =	simm.s32 $0x100  }
0x2d: {  	[tilespmem:s19], [sflag:$0x1] =	stream.indirect.gather [hbm4b:s5+s18], $0x80, s30, s18, $0xb8;
	[tilespmem:$0x1E900] =	vst v63  }
0x2e: {  	_ =	swait.ge [sflag:s23], $0x4000  }
0x2f: {  	[sflag:s23] =	ssyncset.done $0x0  }
0x30: {  	[sflag:s23] =	ssyncadd.s32 $0xFFFFC000  }
0x31: {  	s31 =	simm.s32 $0x180;
	_ =	swait.ge [sflag:s24], $0x80  }
0x32: {  	s28 =	sand.u32 $0x7C00, s31;
	[sflag:s24] =	ssyncset.done $0x0  }
0x33: {  	s28 =	sadd.s32 s2, s28;
	s26 =	sand.u32 $0x380, s31;
	[sflag:s24] =	ssyncadd.s32 $0xFFFFFF80  }
0x34: {  	[spmem:s3] =	stream.indirect.scatter.add.f32 [tilespmem:s20], [sflag:$0x5], $0x80, s17, s18, $0xb8;
	[tilespmem:$0x1E900] =	vst v63  }
0x35: {  	s26 =	sor.u32 s26, s28;
	_ =	swait.ge [sflag:s13], $0x4000  }
0x36: {  	s26 =	sshrl.u32 s26, $0x3;
	[sflag:s13] =	ssyncset.done $0x0  }
0x37: {  	s26 =	sadd.s32 s6, s26;
	[sflag:s13] =	ssyncadd.s32 $0xFFFFC000  }
0x38: {  	[tilespmem:s17], [sflag:$0x4] =	stream.linear.gather [hbm4b:s26+s4], $0x80, $0x38;
	[tilespmem:$0x1E900] =	vst v63  }
0x39: {  	s29 =	simm.s32 $0x200;
	s28 =	simm.s32 $0x180;
	s26 =	simm.s32 $0x280  }
.LBB2_2:
0x3a: {  	s30 =	sadd.s32 $0x80, s29  }
0x3b: {  	p0 =	sne.s32 s26, $0x2780;
	s31 =	smov.u32 s26;
	s26 =	sadd.s32 $0x100, s26  }
0x3c: {  	[tilespmem:s20], [sflag:$0x2] =	stream.indirect.gather [hbm4b:s5+s18], $0x80, s28, s18, $0xb8;
	[tilespmem:$0x1E900] =	vst v63  }
0x3d: {  	s28 =	smov.u32 s30;
	_ =	swait.ge [sflag:s21], $0x4000  }
0x3e: {  	[sflag:s21] =	ssyncset.done $0x0  }
0x3f: {  	[sflag:s21] =	ssyncadd.s32 $0xFFFFC000  }
0x40: {  	_ =	swait.ge [sflag:s22], $0x80  }
0x41: {  	s30 =	sadd.s32 $0xFFFFFF80, s31;
	[sflag:s22] =	ssyncset.done $0x0  }
0x42: {  	s1 =	sand.u32 $0x7C00, s30;
	s30 =	sand.u32 $0x300, s30;
	[sflag:s22] =	ssyncadd.s32 $0xFFFFFF80  }
0x43: {  	[spmem:s3] =	stream.indirect.scatter.add.f32 [tilespmem:s19], [sflag:$0x5], $0x80, s16, s18, $0xb8;
	[tilespmem:$0x1E900] =	vst v63  }
0x44: {  	s1 =	sadd.s32 s2, s1;
	_ =	swait.ge [sflag:s13], $0x4000  }
0x45: {  	s1 =	sor.u32 s30, s1;
	[sflag:s13] =	ssyncset.done $0x0  }
0x46: {  	s1 =	sshrl.u32 s1, $0x3;
	[sflag:s13] =	ssyncadd.s32 $0xFFFFC000  }
0x47: {  	s1 =	sadd.s32 s6, s1  }
0x48: {  	[tilespmem:s16], [sflag:$0x3] =	stream.linear.gather [hbm4b:s1+s4], $0x80, $0x38;
	[tilespmem:$0x1E900] =	vst v63  }
0x49: {  	_ = 	snop  }
0x4a: {  	[tilespmem:s19], [sflag:$0x1] =	stream.indirect.gather [hbm4b:s5+s18], $0x80, s29, s18, $0xb8;
	[tilespmem:$0x1E900] =	vst v63  }
0x4b: {  	_ =	swait.ge [sflag:s23], $0x4000  }
0x4c: {  	[sflag:s23] =	ssyncset.done $0x0  }
0x4d: {  	[sflag:s23] =	ssyncadd.s32 $0xFFFFC000  }
0x4e: {  	_ =	swait.ge [sflag:s24], $0x80  }
0x4f: {  	s1 =	sand.u32 $0x7C00, s31;
	[sflag:s24] =	ssyncset.done $0x0  }
0x50: {  	s30 =	sand.u32 $0x380, s31;
	s1 =	sadd.s32 s2, s1;
	[sflag:s24] =	ssyncadd.s32 $0xFFFFFF80  }
0x51: {  	[spmem:s3] =	stream.indirect.scatter.add.f32 [tilespmem:s20], [sflag:$0x5], $0x80, s17, s18, $0xb8;
	[tilespmem:$0x1E900] =	vst v63  }
.Ltmp0:
0x52: {  	_ = 	snop;
	(pc) =	sbr.rel @p0 .LBB2_2-.Ltmp0, $4  }
0x53: {  	s1 =	sor.u32 s30, s1;
	_ =	swait.ge [sflag:s13], $0x4000  }
0x54: {  	s1 =	sshrl.u32 s1, $0x3;
	[sflag:s13] =	ssyncset.done $0x0  }
0x55: {  	s29 =	sadd.s32 $0x100, s29;
	s1 =	sadd.s32 s6, s1;
	[sflag:s13] =	ssyncadd.s32 $0xFFFFC000  }
0x56: {  	[tilespmem:s17], [sflag:$0x4] =	stream.linear.gather [hbm4b:s1+s4], $0x80, $0x38;
	[tilespmem:$0x1E900] =	vst v63  }
0x57: {  	[tilespmem:s20], [sflag:$0x2] =	stream.indirect.gather [hbm4b:s5+s18], $0x80, s28, s18, $0xb8;
	[tilespmem:$0x1E900] =	vst v63  }
0x58: {  	_ =	swait.ge [sflag:s21], $0x4000  }
0x59: {  	[sflag:s21] =	ssyncset.done $0x0  }
0x5a: {  	[sflag:s21] =	ssyncadd.s32 $0xFFFFC000  }
0x5b: {  	_ =	swait.ge [sflag:s22], $0x80  }
0x5c: {  	[sflag:s22] =	ssyncset.done $0x0  }
0x5d: {  	[sflag:s22] =	ssyncadd.s32 $0xFFFFFF80  }
0x5e: {  	[spmem:s3] =	stream.indirect.scatter.add.f32 [tilespmem:s19], [sflag:$0x5], $0x80, s16, s18, $0xb8;
	[tilespmem:$0x1E900] =	vst v63  }
0x5f: {  	_ =	swait.ge [sflag:s13], $0x4000  }
0x60: {  	[sflag:s13] =	ssyncset.done $0x0  }
0x61: {  	[sflag:s13] =	ssyncadd.s32 $0xFFFFC000  }
0x62: {  	_ =	swait.ge [sflag:s23], $0x4000  }
0x63: {  	[sflag:s23] =	ssyncset.done $0x0  }
0x64: {  	[sflag:s23] =	ssyncadd.s32 $0xFFFFC000  }
0x65: {  	_ =	swait.ge [sflag:s24], $0x80  }
0x66: {  	[sflag:s24] =	ssyncset.done $0x0  }
0x67: {  	[sflag:s24] =	ssyncadd.s32 $0xFFFFFF80  }
0x68: {  	[spmem:s3] =	stream.indirect.scatter.add.f32 [tilespmem:s20], [sflag:$0x5], $0x80, s17, s18, $0xb8;
	[tilespmem:$0x1E900] =	vst v63  }
0x69: {  	_ =	swait.ge [sflag:s13], $0x4000  }
0x6a: {  	s25 =	sadd.s32 $0x1, s25;
	[sflag:s13] =	ssyncset.done $0x0  }
0x6b: {  	p0 =	sne.s32 s25, s12;
	[sflag:s13] =	ssyncadd.s32 $0xFFFFC000  }
.Ltmp1:
0x6c: {  	[bflag:$0x0] =	sbarrier.arrive $0xFFFF;
	(pc) =	sbr.rel @p0 .LBB2_1-.Ltmp1, $4  }
0x6d: {  	[hbm:s11], [sflag:s14] =	dma.local [spmem:s15], $0x2800  }
0x6e: {  	_ =	swait.ge [sflag:s13], $0x2800  }
0x6f: {  	[sflag:s13] =	ssyncset.done $0x0  }
0x70: {  	[sflag:s13] =	ssyncadd.s32 $0xFFFFD800  }
0x71: {  	_ =	sfence.sel $0x180000  }
0x72: {  	[bflag:$0x0] =	sbarrier.arrive $0xFFFF  }
0x73: {  	_ =	strace $0x9000004D  }
0x74: {  	[bflag:$0x2] =	sbarrier.arrive $0xFFFF  }
0x75: {  	p0 =	sne.s32 s0, $0x0;
	s0 =	rddreg [dreg:$0x2]  }
0x76: {  	s0 =	sadd.s32 @!p0 $0x100000, s0  }
0x77: {  	[sflag:s0] =	ssyncadd.tile.s32 @!p0 $0x1;
	_ =	shalt  }
.Lfunc_end2:
_tile_overlayer_lowered:
.L_overlay_start_2:
0x78: {  	(tag) =	ssettag $0x2  }
0x79: {  	s0 =	rddreg [dreg:$0x0];
	s2 =	stileid.u32  }
0x7a: {  	s1 =	rddreg [dreg:$0x1];
	p0 =	sne.s32 s2, $0x0  }
0x7b: {  	s3 =	rddreg [dreg:$0x2];
	[bflag:$0x3] =	sbarrier.arrive $0xFFFF;
	s2 =	simm.s32 @!p0 $0x1C05  }
0x7c: {  	[timem:s3], [sflag:s2] =	dma.local @!p0 [hbm:s0], s1  }
0x7d: {  	s0 =	simm.s32 @!p0 $0x5  }
0x7e: {  	_ =	swait.ge @!p0 [sflag:s0], s1  }
0x7f: {  	s1 =	ssub.s32 @!p0 $0x0, s1;
	[sflag:s0] =	ssyncset.done @!p0 $0x0  }
0x80: {  	[sflag:s0] =	ssyncadd.s32 @!p0 s1  }
0x81: {  	[bflag:$0x3] =	sbarrier.arrive $0xFFFF  }
0x82: {  	_ =	shalt  }

// kernel: kernel.22.cloned.1.call-start
scs
__scs_entry_jumppad:
0x0: {  	(pc) =	sbr.rel $0x88, $3  }
0x1: {  	(tag) =	ssettag $0x0;
	lr =	simm.s32 $0x1  }
0x2: {  	[smem:$0x3F97] =	sst lr;
	_ =	strace $0xD0000000  }
0x3: {  	_ = 	snop  }
0x4: {  	_ = 	snop  }
0x5: {  	_ = 	snop  }
0x6: {  	_ = 	snop  }
0x7: {  	_ = 	snop  }
__scs_overlays_trampoline_lowered:
0x8: {  	[smem:$0x3FA6] =	sst s0  }
0x9: {  	[smem:$0x3FA7] =	sst s1  }
0xa: {  	[smem:$0x3FA8] =	sst s2  }
0xb: {  	[smem:$0x3FA9] =	sst s3  }
0xc: {  	[smem:$0x3FAA] =	sst s4  }
0xd: {  	[smem:$0x3FAB] =	sst s5  }
0xe: {  	[smem:$0x3FAC] =	sst s6  }
0xf: {  	[smem:$0x3FAD] =	sst s7  }
0x10: {  	[smem:$0x3FAE] =	sst s8  }
0x11: {  	[smem:$0x3FAF] =	sst s9;
	s0 =	simm.s32 @!p0 $0x0  }
0x12: {  	s1 =	sld [smem:$0x3F95];
	s0 =	simm.s32 @p0 $0x1  }
0x13: {  	[smem:$0x3FB0] =	sst s0;
	s0 =	simm.s32 @!p1 $0x0  }
0x14: {  	s2 =	sld [smem:$0x3F94];
	s0 =	simm.s32 @p1 $0x1  }
0x15: {  	[smem:$0x3FB1] =	sst s0;
	s0 =	simm.s32 @!p2 $0x0  }
0x16: {  	s3 =	sld [smem:$0x3FDB];
	s0 =	simm.s32 @p2 $0x1  }
0x17: {  	s4 =	simm.s32 $0x1BF5;
	[smem:$0x3FB3] =	sst s0  }
0x18: {  	s0 =	sld [smem:$0x3F96];
	_ =	swait.ge [sflag:s4], $0x0  }
0x19: {  	s7 =	sld [smem:$0x3F97]  }
0x1a: {  	s8 =	sadd.s32 $0xFFFFE003, lr  }
0x1b: {  	s9 =	sadd.s32 $0xFFFFFEF7, lr;
	s5 =	simm.s32 $0xFFFFFFFF;
	p2 =	slt.u32 s8, $0xFFFFF086  }
0x1c: {  	p1 =	slt.u32 s9, $0xF7A;
	s5 =	simm.s32 @!p2 $0x0  }
0x1d: {  	s5 =	simm.s32 @p1 $0x1;
	p0 =	seq.s32 s7, s2  }
0x1e: {  	s7 =	smul.u32 @!p0 $0xF7A, s2;
	p2 =	seq.s32 @!p0 s5, $0x0  }
0x1f: {  	s9 =	smul.u32 $0xF7A, s1;
	s8 =	simm.s32 @!p0 $0x1BF5;
	p2 =	por !p2, p0  }
0x20: {  	[sflag:s8] =	ssyncset.s32 @!p0 $0xFFFFF086;
	s6 =	sadd.s32 @!p0 s3, s7;
	s7 =	simm.s32 @!p0 $0x108  }
0x21: {  	s3 =	sadd.s32 s3, s9;
	s6 =	sadd.s32 @!p0 $0x88, s6;
	s7 =	simm.s32 @p2 $0x1082  }
0x22: {  	[simem:s7], [sflag:s8] =	dma.local @!p0 [hbm:s6], $0xF7A  }
0x23: {  	s9 =	sor.u32 $0xD0000000, s2;
	s6 =	simm.s32 $0x108;
	_ =	swait.ge @!p0 [sflag:s8], $0x0  }
0x24: {  	s3 =	sadd.s32 $0x88, s3;
	s6 =	simm.s32 @!p1 $0x1082;
	[sflag:s4] =	ssyncset.s32 $0xFFFFF086  }
0x25: {  	[simem:s6], [sflag:s4] =	dma.local [hbm:s3], $0xF7A  }
0x26: {  	[smem:$0x3F97] =	sst s1;
	(tag) =	ssettag s2;
	_ =	strace s9  }
0x27: {  	s1 =	sld [smem:$0x3FA7]  }
0x28: {  	s2 =	sld [smem:$0x3FA8]  }
0x29: {  	s4 =	sld [smem:$0x3FAA]  }
0x2a: {  	p0 =	seq.s32 s5, $0x0;
	s5 =	sld [smem:$0x3FAB]  }
0x2b: {  	s6 =	sld [smem:$0x3FAC]  }
0x2c: {  	s7 =	sld [smem:$0x3FAD]  }
0x2d: {  	s3 =	simm.s32 $0x108;
	s8 =	sld [smem:$0x3FAE]  }
0x2e: {  	s3 =	simm.s32 @!p0 $0x1082;
	s9 =	sld [smem:$0x3FAF]  }
0x2f: {  	lr =	sadd.s32 s0, s3;
	s0 =	sld [smem:$0x3FA6]  }
0x30: {  	s3 =	sld [smem:$0x3FA9]  }
0x31: {  	[smem:$0x3FB2] =	sst s10  }
0x32: {  	s10 =	sld [smem:$0x3FB0];
	_ =	sdelay $0x3  }
0x33: {  	p0 =	seq.s32 s10, $0x1;
	s10 =	sld [smem:$0x3FB2];
	_ =	sdelay $0x3  }
0x34: {  	[smem:$0x3FB2] =	sst s10  }
0x35: {  	s10 =	sld [smem:$0x3FB1];
	_ =	sdelay $0x3  }
0x36: {  	p1 =	seq.s32 s10, $0x1;
	s10 =	sld [smem:$0x3FB2];
	_ =	sdelay $0x3  }
0x37: {  	[smem:$0x3FB2] =	sst s10  }
0x38: {  	s10 =	sld [smem:$0x3FB3]  }
0x39: {  	_ = 	snop;
	(pc) =	sbr.ind lr, $3  }
0x3a: {  	_ = 	snop  }
0x3b: {  	_ = 	snop  }
0x3c: {  	p2 =	seq.s32 s10, $0x1;
	s10 =	sld [smem:$0x3FB2]  }
0x3d: {  	_ =	shalt  }
0x3e: {  	_ =	shalt  }
0x3f: {  	_ =	shalt  }
0x40: {  	_ =	shalt  }
0x41: {  	_ =	shalt  }
0x42: {  	_ =	shalt  }
0x43: {  	_ =	shalt  }
0x44: {  	_ =	shalt  }
0x45: {  	_ =	shalt  }
0x46: {  	_ =	shalt  }
0x47: {  	_ =	shalt  }
0x48: {  	_ =	shalt  }
0x49: {  	_ =	shalt  }
0x4a: {  	_ =	shalt  }
0x4b: {  	_ =	shalt  }
0x4c: {  	_ =	shalt  }
0x4d: {  	_ =	shalt  }
0x4e: {  	_ =	shalt  }
0x4f: {  	_ =	shalt  }
0x50: {  	_ =	shalt  }
0x51: {  	_ =	shalt  }
0x52: {  	_ =	shalt  }
0x53: {  	_ =	shalt  }
0x54: {  	_ =	shalt  }
0x55: {  	_ =	shalt  }
0x56: {  	_ =	shalt  }
0x57: {  	_ =	shalt  }
0x58: {  	_ =	shalt  }
0x59: {  	_ =	shalt  }
0x5a: {  	_ =	shalt  }
0x5b: {  	_ =	shalt  }
0x5c: {  	_ =	shalt  }
0x5d: {  	_ =	shalt  }
0x5e: {  	_ =	shalt  }
0x5f: {  	_ =	shalt  }
0x60: {  	_ =	shalt  }
0x61: {  	_ =	shalt  }
0x62: {  	_ =	shalt  }
0x63: {  	_ =	shalt  }
0x64: {  	_ =	shalt  }
0x65: {  	_ =	shalt  }
0x66: {  	_ =	shalt  }
0x67: {  	_ =	shalt  }
0x68: {  	_ =	shalt  }
0x69: {  	_ =	shalt  }
0x6a: {  	_ =	shalt  }
0x6b: {  	_ =	shalt  }
0x6c: {  	_ =	shalt  }
0x6d: {  	_ =	shalt  }
0x6e: {  	_ =	shalt  }
0x6f: {  	_ =	shalt  }
0x70: {  	_ =	shalt  }
0x71: {  	_ =	shalt  }
0x72: {  	_ =	shalt  }
0x73: {  	_ =	shalt  }
0x74: {  	_ =	shalt  }
0x75: {  	_ =	shalt  }
0x76: {  	_ =	shalt  }
0x77: {  	_ =	shalt  }
0x78: {  	_ =	shalt  }
0x79: {  	_ =	shalt  }
0x7a: {  	_ =	shalt  }
0x7b: {  	_ =	shalt  }
0x7c: {  	_ =	shalt  }
0x7d: {  	_ =	shalt  }
0x7e: {  	_ =	shalt  }
0x7f: {  	_ =	shalt  }
0x80: {  	_ =	shalt  }
0x81: {  	_ =	shalt  }
0x82: {  	_ =	shalt  }
0x83: {  	_ =	shalt  }
0x84: {  	_ =	shalt  }
0x85: {  	_ =	shalt  }
0x86: {  	_ =	shalt  }
0x87: {  	_ =	shalt  }
.Lfunc_end0:
.L_simem_size_0:
called_computation.3_lowered:
.L_overlay_start_0:
0x88: {  	s2 =	sld [smem:$0x3FD9]  }
0x89: {  	s3 =	sld [smem:$0x3FFE];
	_ =	sdelay $0x1  }
0x8a: {  	s1 =	srdreg.scid  }
0x8b: {  	s0 =	sand.u32 $0x1, s1  }
0x8c: {  	s16 =	sshll.u32 s0, $0xA;
	s2 =	sadd.s32 s3, s2  }
0x8d: {  	s2 =	sadd.s32 s2, s16  }
0x8e: {  	[smem:$0x3FBE] =	sst s2  }
0x8f: {  	_ = 	snop  }
0x90: {  	(tm) =	ssettm $0x1  }
0x91: {  	s17 =	sld [smem:$0x3FFB];
	_ =	sdelay $0x3  }
0x92: {  	_ =	strace s17  }
0x93: {  	s2 =	sld [smem:$0x3FFC];
	_ =	sdelay $0x3  }
0x94: {  	_ =	strace s2  }
0x95: {  	s2 =	sld [smem:$0x3FFD];
	_ =	sdelay $0x3  }
0x96: {  	_ =	strace s2  }
0x97: {  	_ =	strace $0x8FFFFFFF  }
0x98: {  	s18 =	sld [smem:$0x3FDB];
	_ =	sdelay $0x1  }
0x99: {  	s19 =	simm.s32 $_scs_section_size  }
0x9a: {  	s4 =	simm.s32 $_size__tile_overlayer_lowered;
	s5 =	simm.s32 $_tile_overlayer_lowered  }
0x9b: {  	s22 =	simm.s32 $0x1BFF;
	s21 =	sshll.u32 s5, $0x1;
	s2 =	sadd.s32 s19, s18  }
0x9c: {  	s6 =	simm.s32 $0x0;
	s20 =	sshll.u32 s4, $0x1;
	s4 =	sadd.s32 s21, s2  }
0x9d: {  	[timem:s6], [sflag:s22] =	dma.local [hbm:s4], s20  }
0x9e: {  	_ =	swait.ge [sflag:s22], s20  }
0x9f: {  	s3 =	ssub.s32 $0x0, s20;
	[sflag:s22] =	ssyncset.done $0x0  }
0xa0: {  	[sflag:s22] =	ssyncadd.s32 s3;
	_ =	sdelay $0x1  }
0xa1: {  	s23 =	simm.s32 $0x1B8B  }
0xa2: {  	_ =	swait.ge [sflag:s23], $0x1  }
0xa3: {  	[sflag:s23] =	ssyncset.done $0x0  }
0xa4: {  	s25 =	simm.s32 $0x1B8E;
	s24 =	sld [smem:$0x3FFE];
	[sflag:s23] =	ssyncadd.s32 $0xFFFFFFFF  }
0xa5: {  	s26 =	simm.s32 $execute0_lowered;
	[smem:$0x3FD2] =	sst s25  }
0xa6: {  	s4 =	sshll.u32 s26, $0x1;
	_ =	strace $0x8000004F;
	[dreg:$0x1] =	wrdreg $0xFFFFFFFF  }
0xa7: {  	s28 =	simm.s32 $_size_execute0_lowered;
	s2 =	sadd.s32 s2, s4;
	[dreg:$0x0] =	wrdreg $0x0  }
0xa8: {  	s4 =	sshll.u32 s28, $0x1;
	[dreg:$0x2] =	wrdreg s2  }
0xa9: {  	[dreg:$0x3] =	wrdreg s4  }
0xaa: {  	[dreg:$0x4] =	wrdreg $0xC0  }
0xab: {  	_ =	task [dreg:s6], $0x5FFFF  }
0xac: {  	[dreg:$0x1] =	wrdreg $0xFFFFFFFF  }
0xad: {  	[dreg:$0x0] =	wrdreg $0x60  }
0xae: {  	[dreg:$0x2] =	wrdreg s24  }
0xaf: {  	[dreg:$0x3] =	wrdreg $0xA9000  }
0xb0: {  	[dreg:$0x4] =	wrdreg $0x9  }
0xb1: {  	_ =	task.clear_ibuf [dreg:s6], $0x5FFFF;
	_ =	strace $0x9000004F  }
0xb2: {  	s29 =	simm.s32 $0x9;
	_ =	strace $0x80000051  }
0xb3: {  	_ =	swait.ge [sflag:s29], $0x1  }
0xb4: {  	[sflag:s29] =	ssyncadd.s32 $0xFFFFFFFF  }
0xb5: {  	_ =	strace $0x90000051  }
0xb6: {  	_ =	sfence  }
0xb7: {  	s30 =	sld [smem:$0x0];
	_ =	sdelay $0x2  }
0xb8: {  	s31 =	sshll.u32 s1, $0xD;
	s1 =	sshrl.u32 s1, $0x2  }
0xb9: {  	s3 =	sand.u32 $0x4000, s31;
	s1 =	sadd.s32 s1, s30  }
0xba: {  	s0 =	sor.u32 s3, s0;
	s1 =	sshll.u32 s1, $0x11  }
0xbb: {  	s0 =	sor.u32 s1, s0  }
0xbc: {  	s0 =	sadd.s32 $0x8F2B, s0  }
0xbd: {  	[sflag:s0] =	ssyncadd.remote.s32 $0x1  }
0xbe: {  	_ =	sfence.sel $0xFFFF  }
0xbf: {  	[dreg:$0x0] =	wrdreg $0xFFFFFFFF;
	(pc) =	sbr.abs _section_cstart, $3  }
0xc0: {  	[dreg:$0x1] =	wrdreg $0xFFFFFFFF  }
0xc1: {  	_ =	task.clear_ibuf [dreg:s6], $0x2FFFF;
	_ =	strace $0x9FFFFFFF  }
0xc2: {  	(tm) =	ssettm $0x7FFFFFFF  }
0xc3: {  	_ =	shalt  }
tec
execute0_lowered:
.L_overlay_start_1:
0x0: {  	(tag) =	ssettag $0x1  }
0x1: {  	s1 =	srdreg.scid;
	s8 =	rddreg [dreg:$0x0]  }
0x2: {  	s0 =	stileid.u32;
	s3 =	rddreg [dreg:$0x1];
	s4 =	simm.s32 $0x0  }
0x3: {  	s17 =	simm.s32 $0x2880;
	s18 =	simm.s32 $0x80;
	s19 =	simm.s32 $0x2900  }
0x4: {  	s20 =	simm.s32 $0x6900;
	s21 =	simm.s32 $0x1;
	s2 =	smul.u32 $0x2800, s0  }
0x5: {  	s22 =	simm.s32 $0x3;
	s23 =	simm.s32 $0x2;
	s11 =	smul.u32 $0x14000, s0  }
0x6: {  	s24 =	simm.s32 $0x4;
	s9 =	sand.u32 $0x1, s1;
	s13 =	smul.u32 $0x50000, s0  }
0x7: {  	s25 =	simm.s32 $0x0;
	[smem:$0x7FF] =	sst s4;
	s5 =	smul.u32 $0x28000, s9  }
0x8: {  	s7 =	sadd.s32 $0x53600, s8;
	s10 =	smul.u32 $0x140000, s9;
	s9 =	ssub.s32 $0x2, s9  }
0x9: {  	s31 =	sshll.u32 s0, $0x6;
	_ =	strace $0x80000050;
	s28 =	sshrl.u32 s9, $0x1  }
0xa: {  	s29 =	sshrl.u32 s2, $0x3;
	s30 =	sshrl.u32 s13, $0x2;
	s13 =	simm.s32 $0x5  }
0xb: {  	s5 =	sadd.s32 s2, s5;
	s10 =	sadd.s32 s11, s10;
	s15 =	ssub.s32 s9, s28  }
0xc: {  	s16 =	sadd.s32 s30, s3;
	s6 =	sshrl.u32 s5, $0x3;
	s5 =	sadd.s32 $0x3600, s8  }
0xd: {  	s10 =	sshrl.u32 s10, $0x3;
	s12 =	sadd.s32 s6, s8;
	s6 =	sadd.s32 $0xAFC00, s8  }
0xe: {  	s14 =	sadd.s32 s10, s8;
	s8 =	sadd.s32 $0xB4C00, s12;
	s9 =	sadd.s32 s6, s29  }
0xf: {  	s11 =	sadd.s32 $0x55E00, s14;
	s12 =	smax.u32 s15, $0x1;
	s14 =	sor.u32 $0x1C05, s31  }
0x10: {  	s15 =	sshrl.u32 s16, $0x3;
	s16 =	simm.s32 $0x2800;
	s10 =	sadd.s32 $0x10, s9  }
.LBB2_1:
0x11: {  	[tilespmem:s4], [sflag:$0x5] =	stream.linear.gather [hbm4b:s8+s4], $0x2800, $0x38;
	[tilespmem:$0x1E900] =	vst v63  }
0x12: {  	_ =	swait.ge [sflag:s13], $0x2800  }
0x13: {  	[sflag:s13] =	ssyncset.done $0x0  }
0x14: {  	[sflag:s13] =	ssyncadd.s32 $0xFFFFD800  }
0x15: {  	[spmem:s15], [sflag:s14] =	dma.local [hbm:s7], $0x2800  }
0x16: {  	_ =	swait.ge [sflag:s13], $0x2800  }
0x17: {  	[sflag:s13] =	ssyncset.done $0x0  }
0x18: {  	[sflag:s13] =	ssyncadd.s32 $0xFFFFD800  }
0x19: {  	[bflag:$0x0] =	sbarrier.arrive $0xFFFF  }
0x1a: {  	[tilespmem:s16], [sflag:$0x3] =	stream.linear.gather [hbm4b:s9+s4], $0x80, $0x38;
	[tilespmem:$0x1E900] =	vst v63  }
0x1b: {  	_ = 	snop  }
0x1c: {  	[tilespmem:s17], [sflag:$0x4] =	stream.linear.gather [hbm4b:s10+s4], $0x80, $0x38;
	[tilespmem:$0x1E900] =	vst v63  }
0x1d: {  	_ = 	snop  }
0x1e: {  	[tilespmem:s19], [sflag:$0x1] =	stream.indirect.gather [hbm4b:s5+s18], $0x80, s4, s18, $0xb8;
	[tilespmem:$0x1E900] =	vst v63  }
0x1f: {  	_ = 	snop  }
0x20: {  	[tilespmem:s20], [sflag:$0x2] =	stream.indirect.gather [hbm4b:s5+s18], $0x80, s18, s18, $0xb8;
	[tilespmem:$0x1E900] =	vst v63  }
0x21: {  	_ =	swait.ge [sflag:s21], $0x4000  }
0x22: {  	[sflag:s21] =	ssyncset.done $0x0  }
0x23: {  	[sflag:s21] =	ssyncadd.s32 $0xFFFFC000  }
0x24: {  	s26 =	simm.s32 $0x100;
	_ =	swait.ge [sflag:s22], $0x80  }
0x25: {  	s28 =	sand.u32 $0x7C00, s26;
	[sflag:s22] =	ssyncset.done $0x0  }
0x26: {  	s26 =	sand.u32 $0x300, s26;
	s28 =	sadd.s32 s2, s28;
	[sflag:s22] =	ssyncadd.s32 $0xFFFFFF80  }
0x27: {  	[spmem:s3] =	stream.indirect.scatter.add.f32 [tilespmem:s19], [sflag:$0x5], $0x80, s16, s18, $0xb8;
	[tilespmem:$0x1E900] =	vst v63  }
0x28: {  	s26 =	sor.u32 s26, s28;
	_ =	swait.ge [sflag:s13], $0x4000  }
0x29: {  	s26 =	sshrl.u32 s26, $0x3;
	[sflag:s13] =	ssyncset.done $0x0  }
0x2a: {  	s26 =	sadd.s32 s6, s26;
	[sflag:s13] =	ssyncadd.s32 $0xFFFFC000  }
0x2b: {  	[tilespmem:s16], [sflag:$0x3] =	stream.linear.gather [hbm4b:s26+s4], $0x80, $0x38;
	[tilespmem:$0x1E900] =	vst v63  }
0x2c: {  	s30 =	simm.s32 $0x100  }
0x2d: {  	[tilespmem:s19], [sflag:$0x1] =	stream.indirect.gather [hbm4b:s5+s18], $0x80, s30, s18, $0xb8;
	[tilespmem:$0x1E900] =	vst v63  }
0x2e: {  	_ =	swait.ge [sflag:s23], $0x4000  }
0x2f: {  	[sflag:s23] =	ssyncset.done $0x0  }
0x30: {  	[sflag:s23] =	ssyncadd.s32 $0xFFFFC000  }
0x31: {  	s31 =	simm.s32 $0x180;
	_ =	swait.ge [sflag:s24], $0x80  }
0x32: {  	s28 =	sand.u32 $0x7C00, s31;
	[sflag:s24] =	ssyncset.done $0x0  }
0x33: {  	s28 =	sadd.s32 s2, s28;
	s26 =	sand.u32 $0x380, s31;
	[sflag:s24] =	ssyncadd.s32 $0xFFFFFF80  }
0x34: {  	[spmem:s3] =	stream.indirect.scatter.add.f32 [tilespmem:s20], [sflag:$0x5], $0x80, s17, s18, $0xb8;
	[tilespmem:$0x1E900] =	vst v63  }
0x35: {  	s26 =	sor.u32 s26, s28;
	_ =	swait.ge [sflag:s13], $0x4000  }
0x36: {  	s26 =	sshrl.u32 s26, $0x3;
	[sflag:s13] =	ssyncset.done $0x0  }
0x37: {  	s26 =	sadd.s32 s6, s26;
	[sflag:s13] =	ssyncadd.s32 $0xFFFFC000  }
0x38: {  	[tilespmem:s17], [sflag:$0x4] =	stream.linear.gather [hbm4b:s26+s4], $0x80, $0x38;
	[tilespmem:$0x1E900] =	vst v63  }
0x39: {  	s29 =	simm.s32 $0x200;
	s28 =	simm.s32 $0x180;
	s26 =	simm.s32 $0x280  }
.LBB2_2:
0x3a: {  	s30 =	sadd.s32 $0x80, s29  }
0x3b: {  	p0 =	sne.s32 s26, $0x2780;
	s31 =	smov.u32 s26;
	s26 =	sadd.s32 $0x100, s26  }
0x3c: {  	[tilespmem:s20], [sflag:$0x2] =	stream.indirect.gather [hbm4b:s5+s18], $0x80, s28, s18, $0xb8;
	[tilespmem:$0x1E900] =	vst v63  }
0x3d: {  	s28 =	smov.u32 s30;
	_ =	swait.ge [sflag:s21], $0x4000  }
0x3e: {  	[sflag:s21] =	ssyncset.done $0x0  }
0x3f: {  	[sflag:s21] =	ssyncadd.s32 $0xFFFFC000  }
0x40: {  	_ =	swait.ge [sflag:s22], $0x80  }
0x41: {  	s30 =	sadd.s32 $0xFFFFFF80, s31;
	[sflag:s22] =	ssyncset.done $0x0  }
0x42: {  	s1 =	sand.u32 $0x7C00, s30;
	s30 =	sand.u32 $0x300, s30;
	[sflag:s22] =	ssyncadd.s32 $0xFFFFFF80  }
0x43: {  	[spmem:s3] =	stream.indirect.scatter.add.f32 [tilespmem:s19], [sflag:$0x5], $0x80, s16, s18, $0xb8;
	[tilespmem:$0x1E900] =	vst v63  }
0x44: {  	s1 =	sadd.s32 s2, s1;
	_ =	swait.ge [sflag:s13], $0x4000  }
0x45: {  	s1 =	sor.u32 s30, s1;
	[sflag:s13] =	ssyncset.done $0x0  }
0x46: {  	s1 =	sshrl.u32 s1, $0x3;
	[sflag:s13] =	ssyncadd.s32 $0xFFFFC000  }
0x47: {  	s1 =	sadd.s32 s6, s1  }
0x48: {  	[tilespmem:s16], [sflag:$0x3] =	stream.linear.gather [hbm4b:s1+s4], $0x80, $0x38;
	[tilespmem:$0x1E900] =	vst v63  }
0x49: {  	_ = 	snop  }
0x4a: {  	[tilespmem:s19], [sflag:$0x1] =	stream.indirect.gather [hbm4b:s5+s18], $0x80, s29, s18, $0xb8;
	[tilespmem:$0x1E900] =	vst v63  }
0x4b: {  	_ =	swait.ge [sflag:s23], $0x4000  }
0x4c: {  	[sflag:s23] =	ssyncset.done $0x0  }
0x4d: {  	[sflag:s23] =	ssyncadd.s32 $0xFFFFC000  }
0x4e: {  	_ =	swait.ge [sflag:s24], $0x80  }
0x4f: {  	s1 =	sand.u32 $0x7C00, s31;
	[sflag:s24] =	ssyncset.done $0x0  }
0x50: {  	s30 =	sand.u32 $0x380, s31;
	s1 =	sadd.s32 s2, s1;
	[sflag:s24] =	ssyncadd.s32 $0xFFFFFF80  }
0x51: {  	[spmem:s3] =	stream.indirect.scatter.add.f32 [tilespmem:s20], [sflag:$0x5], $0x80, s17, s18, $0xb8;
	[tilespmem:$0x1E900] =	vst v63  }
.Ltmp0:
0x52: {  	_ = 	snop;
	(pc) =	sbr.rel @p0 .LBB2_2-.Ltmp0, $4  }
0x53: {  	s1 =	sor.u32 s30, s1;
	_ =	swait.ge [sflag:s13], $0x4000  }
0x54: {  	s1 =	sshrl.u32 s1, $0x3;
	[sflag:s13] =	ssyncset.done $0x0  }
0x55: {  	s29 =	sadd.s32 $0x100, s29;
	s1 =	sadd.s32 s6, s1;
	[sflag:s13] =	ssyncadd.s32 $0xFFFFC000  }
0x56: {  	[tilespmem:s17], [sflag:$0x4] =	stream.linear.gather [hbm4b:s1+s4], $0x80, $0x38;
	[tilespmem:$0x1E900] =	vst v63  }
0x57: {  	[tilespmem:s20], [sflag:$0x2] =	stream.indirect.gather [hbm4b:s5+s18], $0x80, s28, s18, $0xb8;
	[tilespmem:$0x1E900] =	vst v63  }
0x58: {  	_ =	swait.ge [sflag:s21], $0x4000  }
0x59: {  	[sflag:s21] =	ssyncset.done $0x0  }
0x5a: {  	[sflag:s21] =	ssyncadd.s32 $0xFFFFC000  }
0x5b: {  	_ =	swait.ge [sflag:s22], $0x80  }
0x5c: {  	[sflag:s22] =	ssyncset.done $0x0  }
0x5d: {  	[sflag:s22] =	ssyncadd.s32 $0xFFFFFF80  }
0x5e: {  	[spmem:s3] =	stream.indirect.scatter.add.f32 [tilespmem:s19], [sflag:$0x5], $0x80, s16, s18, $0xb8;
	[tilespmem:$0x1E900] =	vst v63  }
0x5f: {  	_ =	swait.ge [sflag:s13], $0x4000  }
0x60: {  	[sflag:s13] =	ssyncset.done $0x0  }
0x61: {  	[sflag:s13] =	ssyncadd.s32 $0xFFFFC000  }
0x62: {  	_ =	swait.ge [sflag:s23], $0x4000  }
0x63: {  	[sflag:s23] =	ssyncset.done $0x0  }
0x64: {  	[sflag:s23] =	ssyncadd.s32 $0xFFFFC000  }
0x65: {  	_ =	swait.ge [sflag:s24], $0x80  }
0x66: {  	[sflag:s24] =	ssyncset.done $0x0  }
0x67: {  	[sflag:s24] =	ssyncadd.s32 $0xFFFFFF80  }
0x68: {  	[spmem:s3] =	stream.indirect.scatter.add.f32 [tilespmem:s20], [sflag:$0x5], $0x80, s17, s18, $0xb8;
	[tilespmem:$0x1E900] =	vst v63  }
0x69: {  	_ =	swait.ge [sflag:s13], $0x4000  }
0x6a: {  	s25 =	sadd.s32 $0x1, s25;
	[sflag:s13] =	ssyncset.done $0x0  }
0x6b: {  	p0 =	sne.s32 s25, s12;
	[sflag:s13] =	ssyncadd.s32 $0xFFFFC000  }
.Ltmp1:
0x6c: {  	[bflag:$0x0] =	sbarrier.arrive $0xFFFF;
	(pc) =	sbr.rel @p0 .LBB2_1-.Ltmp1, $4  }
0x6d: {  	[hbm:s11], [sflag:s14] =	dma.local [spmem:s15], $0x2800  }
0x6e: {  	_ =	swait.ge [sflag:s13], $0x2800  }
0x6f: {  	[sflag:s13] =	ssyncset.done $0x0  }
0x70: {  	[sflag:s13] =	ssyncadd.s32 $0xFFFFD800  }
0x71: {  	_ =	sfence.sel $0x180000  }
0x72: {  	[bflag:$0x0] =	sbarrier.arrive $0xFFFF  }
0x73: {  	_ =	strace $0x90000050  }
0x74: {  	[bflag:$0x2] =	sbarrier.arrive $0xFFFF  }
0x75: {  	p0 =	sne.s32 s0, $0x0;
	s0 =	rddreg [dreg:$0x2]  }
0x76: {  	s0 =	sadd.s32 @!p0 $0x100000, s0  }
0x77: {  	[sflag:s0] =	ssyncadd.tile.s32 @!p0 $0x1;
	_ =	shalt  }
.Lfunc_end2:
_tile_overlayer_lowered:
.L_overlay_start_2:
0x78: {  	(tag) =	ssettag $0x2  }
0x79: {  	s0 =	rddreg [dreg:$0x0];
	s2 =	stileid.u32  }
0x7a: {  	s1 =	rddreg [dreg:$0x1];
	p0 =	sne.s32 s2, $0x0  }
0x7b: {  	s3 =	rddreg [dreg:$0x2];
	[bflag:$0x3] =	sbarrier.arrive $0xFFFF;
	s2 =	simm.s32 @!p0 $0x1C05  }
0x7c: {  	[timem:s3], [sflag:s2] =	dma.local @!p0 [hbm:s0], s1  }
0x7d: {  	s0 =	simm.s32 @!p0 $0x5  }
0x7e: {  	_ =	swait.ge @!p0 [sflag:s0], s1  }
0x7f: {  	s1 =	ssub.s32 @!p0 $0x0, s1;
	[sflag:s0] =	ssyncset.done @!p0 $0x0  }
0x80: {  	[sflag:s0] =	ssyncadd.s32 @!p0 s1  }
0x81: {  	[bflag:$0x3] =	sbarrier.arrive $0xFFFF  }
0x82: {  	_ =	shalt  }

// kernel: kernel.25.cloned.1.call-start
scs
__scs_entry_jumppad:
0x0: {  	(pc) =	sbr.rel $0x88, $3  }
0x1: {  	(tag) =	ssettag $0x0;
	lr =	simm.s32 $0x1  }
0x2: {  	[smem:$0x3F97] =	sst lr;
	_ =	strace $0xD0000000  }
0x3: {  	_ = 	snop  }
0x4: {  	_ = 	snop  }
0x5: {  	_ = 	snop  }
0x6: {  	_ = 	snop  }
0x7: {  	_ = 	snop  }
__scs_overlays_trampoline_lowered:
0x8: {  	[smem:$0x3FA6] =	sst s0  }
0x9: {  	[smem:$0x3FA7] =	sst s1  }
0xa: {  	[smem:$0x3FA8] =	sst s2  }
0xb: {  	[smem:$0x3FA9] =	sst s3  }
0xc: {  	[smem:$0x3FAA] =	sst s4  }
0xd: {  	[smem:$0x3FAB] =	sst s5  }
0xe: {  	[smem:$0x3FAC] =	sst s6  }
0xf: {  	[smem:$0x3FAD] =	sst s7  }
0x10: {  	[smem:$0x3FAE] =	sst s8  }
0x11: {  	[smem:$0x3FAF] =	sst s9;
	s0 =	simm.s32 @!p0 $0x0  }
0x12: {  	s1 =	sld [smem:$0x3F95];
	s0 =	simm.s32 @p0 $0x1  }
0x13: {  	[smem:$0x3FB0] =	sst s0;
	s0 =	simm.s32 @!p1 $0x0  }
0x14: {  	s2 =	sld [smem:$0x3F94];
	s0 =	simm.s32 @p1 $0x1  }
0x15: {  	[smem:$0x3FB1] =	sst s0;
	s0 =	simm.s32 @!p2 $0x0  }
0x16: {  	s3 =	sld [smem:$0x3FDB];
	s0 =	simm.s32 @p2 $0x1  }
0x17: {  	s4 =	simm.s32 $0x1BF5;
	[smem:$0x3FB3] =	sst s0  }
0x18: {  	s0 =	sld [smem:$0x3F96];
	_ =	swait.ge [sflag:s4], $0x0  }
0x19: {  	s7 =	sld [smem:$0x3F97]  }
0x1a: {  	s8 =	sadd.s32 $0xFFFFE003, lr  }
0x1b: {  	s9 =	sadd.s32 $0xFFFFFEF7, lr;
	s5 =	simm.s32 $0xFFFFFFFF;
	p2 =	slt.u32 s8, $0xFFFFF086  }
0x1c: {  	p1 =	slt.u32 s9, $0xF7A;
	s5 =	simm.s32 @!p2 $0x0  }
0x1d: {  	s5 =	simm.s32 @p1 $0x1;
	p0 =	seq.s32 s7, s2  }
0x1e: {  	s7 =	smul.u32 @!p0 $0xF7A, s2;
	p2 =	seq.s32 @!p0 s5, $0x0  }
0x1f: {  	s9 =	smul.u32 $0xF7A, s1;
	s8 =	simm.s32 @!p0 $0x1BF5;
	p2 =	por !p2, p0  }
0x20: {  	[sflag:s8] =	ssyncset.s32 @!p0 $0xFFFFF086;
	s6 =	sadd.s32 @!p0 s3, s7;
	s7 =	simm.s32 @!p0 $0x108  }
0x21: {  	s3 =	sadd.s32 s3, s9;
	s6 =	sadd.s32 @!p0 $0x88, s6;
	s7 =	simm.s32 @p2 $0x1082  }
0x22: {  	[simem:s7], [sflag:s8] =	dma.local @!p0 [hbm:s6], $0xF7A  }
0x23: {  	s9 =	sor.u32 $0xD0000000, s2;
	s6 =	simm.s32 $0x108;
	_ =	swait.ge @!p0 [sflag:s8], $0x0  }
0x24: {  	s3 =	sadd.s32 $0x88, s3;
	s6 =	simm.s32 @!p1 $0x1082;
	[sflag:s4] =	ssyncset.s32 $0xFFFFF086  }
0x25: {  	[simem:s6], [sflag:s4] =	dma.local [hbm:s3], $0xF7A  }
0x26: {  	[smem:$0x3F97] =	sst s1;
	(tag) =	ssettag s2;
	_ =	strace s9  }
0x27: {  	s1 =	sld [smem:$0x3FA7]  }
0x28: {  	s2 =	sld [smem:$0x3FA8]  }
0x29: {  	s4 =	sld [smem:$0x3FAA]  }
0x2a: {  	p0 =	seq.s32 s5, $0x0;
	s5 =	sld [smem:$0x3FAB]  }
0x2b: {  	s6 =	sld [smem:$0x3FAC]  }
0x2c: {  	s7 =	sld [smem:$0x3FAD]  }
0x2d: {  	s3 =	simm.s32 $0x108;
	s8 =	sld [smem:$0x3FAE]  }
0x2e: {  	s3 =	simm.s32 @!p0 $0x1082;
	s9 =	sld [smem:$0x3FAF]  }
0x2f: {  	lr =	sadd.s32 s0, s3;
	s0 =	sld [smem:$0x3FA6]  }
0x30: {  	s3 =	sld [smem:$0x3FA9]  }
0x31: {  	[smem:$0x3FB2] =	sst s10  }
0x32: {  	s10 =	sld [smem:$0x3FB0];
	_ =	sdelay $0x3  }
0x33: {  	p0 =	seq.s32 s10, $0x1;
	s10 =	sld [smem:$0x3FB2];
	_ =	sdelay $0x3  }
0x34: {  	[smem:$0x3FB2] =	sst s10  }
0x35: {  	s10 =	sld [smem:$0x3FB1];
	_ =	sdelay $0x3  }
0x36: {  	p1 =	seq.s32 s10, $0x1;
	s10 =	sld [smem:$0x3FB2];
	_ =	sdelay $0x3  }
0x37: {  	[smem:$0x3FB2] =	sst s10  }
0x38: {  	s10 =	sld [smem:$0x3FB3]  }
0x39: {  	_ = 	snop;
	(pc) =	sbr.ind lr, $3  }
0x3a: {  	_ = 	snop  }
0x3b: {  	_ = 	snop  }
0x3c: {  	p2 =	seq.s32 s10, $0x1;
	s10 =	sld [smem:$0x3FB2]  }
0x3d: {  	_ =	shalt  }
0x3e: {  	_ =	shalt  }
0x3f: {  	_ =	shalt  }
0x40: {  	_ =	shalt  }
0x41: {  	_ =	shalt  }
0x42: {  	_ =	shalt  }
0x43: {  	_ =	shalt  }
0x44: {  	_ =	shalt  }
0x45: {  	_ =	shalt  }
0x46: {  	_ =	shalt  }
0x47: {  	_ =	shalt  }
0x48: {  	_ =	shalt  }
0x49: {  	_ =	shalt  }
0x4a: {  	_ =	shalt  }
0x4b: {  	_ =	shalt  }
0x4c: {  	_ =	shalt  }
0x4d: {  	_ =	shalt  }
0x4e: {  	_ =	shalt  }
0x4f: {  	_ =	shalt  }
0x50: {  	_ =	shalt  }
0x51: {  	_ =	shalt  }
0x52: {  	_ =	shalt  }
0x53: {  	_ =	shalt  }
0x54: {  	_ =	shalt  }
0x55: {  	_ =	shalt  }
0x56: {  	_ =	shalt  }
0x57: {  	_ =	shalt  }
0x58: {  	_ =	shalt  }
0x59: {  	_ =	shalt  }
0x5a: {  	_ =	shalt  }
0x5b: {  	_ =	shalt  }
0x5c: {  	_ =	shalt  }
0x5d: {  	_ =	shalt  }
0x5e: {  	_ =	shalt  }
0x5f: {  	_ =	shalt  }
0x60: {  	_ =	shalt  }
0x61: {  	_ =	shalt  }
0x62: {  	_ =	shalt  }
0x63: {  	_ =	shalt  }
0x64: {  	_ =	shalt  }
0x65: {  	_ =	shalt  }
0x66: {  	_ =	shalt  }
0x67: {  	_ =	shalt  }
0x68: {  	_ =	shalt  }
0x69: {  	_ =	shalt  }
0x6a: {  	_ =	shalt  }
0x6b: {  	_ =	shalt  }
0x6c: {  	_ =	shalt  }
0x6d: {  	_ =	shalt  }
0x6e: {  	_ =	shalt  }
0x6f: {  	_ =	shalt  }
0x70: {  	_ =	shalt  }
0x71: {  	_ =	shalt  }
0x72: {  	_ =	shalt  }
0x73: {  	_ =	shalt  }
0x74: {  	_ =	shalt  }
0x75: {  	_ =	shalt  }
0x76: {  	_ =	shalt  }
0x77: {  	_ =	shalt  }
0x78: {  	_ =	shalt  }
0x79: {  	_ =	shalt  }
0x7a: {  	_ =	shalt  }
0x7b: {  	_ =	shalt  }
0x7c: {  	_ =	shalt  }
0x7d: {  	_ =	shalt  }
0x7e: {  	_ =	shalt  }
0x7f: {  	_ =	shalt  }
0x80: {  	_ =	shalt  }
0x81: {  	_ =	shalt  }
0x82: {  	_ =	shalt  }
0x83: {  	_ =	shalt  }
0x84: {  	_ =	shalt  }
0x85: {  	_ =	shalt  }
0x86: {  	_ =	shalt  }
0x87: {  	_ =	shalt  }
.Lfunc_end0:
.L_simem_size_0:
called_computation.4_lowered:
.L_overlay_start_0:
0x88: {  	s2 =	sld [smem:$0x3FD9]  }
0x89: {  	s3 =	sld [smem:$0x3FFE];
	_ =	sdelay $0x1  }
0x8a: {  	s1 =	srdreg.scid  }
0x8b: {  	s0 =	sand.u32 $0x1, s1  }
0x8c: {  	s16 =	sshll.u32 s0, $0xA;
	s2 =	sadd.s32 s3, s2  }
0x8d: {  	s2 =	sadd.s32 s2, s16  }
0x8e: {  	[smem:$0x3FBE] =	sst s2  }
0x8f: {  	_ = 	snop  }
0x90: {  	(tm) =	ssettm $0x1  }
0x91: {  	s17 =	sld [smem:$0x3FFB];
	_ =	sdelay $0x3  }
0x92: {  	_ =	strace s17  }
0x93: {  	s2 =	sld [smem:$0x3FFC];
	_ =	sdelay $0x3  }
0x94: {  	_ =	strace s2  }
0x95: {  	s2 =	sld [smem:$0x3FFD];
	_ =	sdelay $0x3  }
0x96: {  	_ =	strace s2  }
0x97: {  	_ =	strace $0x8FFFFFFF  }
0x98: {  	s18 =	sld [smem:$0x3FDB];
	_ =	sdelay $0x1  }
0x99: {  	s19 =	simm.s32 $_scs_section_size  }
0x9a: {  	s4 =	simm.s32 $_size__tile_overlayer_lowered;
	s5 =	simm.s32 $_tile_overlayer_lowered  }
0x9b: {  	s22 =	simm.s32 $0x1BFF;
	s21 =	sshll.u32 s5, $0x1;
	s2 =	sadd.s32 s19, s18  }
0x9c: {  	s6 =	simm.s32 $0x0;
	s20 =	sshll.u32 s4, $0x1;
	s4 =	sadd.s32 s21, s2  }
0x9d: {  	[timem:s6], [sflag:s22] =	dma.local [hbm:s4], s20  }
0x9e: {  	_ =	swait.ge [sflag:s22], s20  }
0x9f: {  	s3 =	ssub.s32 $0x0, s20;
	[sflag:s22] =	ssyncset.done $0x0  }
0xa0: {  	[sflag:s22] =	ssyncadd.s32 s3;
	_ =	sdelay $0x1  }
0xa1: {  	s23 =	simm.s32 $0x1B8B  }
0xa2: {  	_ =	swait.ge [sflag:s23], $0x1  }
0xa3: {  	[sflag:s23] =	ssyncset.done $0x0  }
0xa4: {  	s25 =	simm.s32 $0x1B8E;
	s24 =	sld [smem:$0x3FFE];
	[sflag:s23] =	ssyncadd.s32 $0xFFFFFFFF  }
0xa5: {  	s26 =	simm.s32 $execute0_lowered;
	[smem:$0x3FD2] =	sst s25  }
0xa6: {  	s4 =	sshll.u32 s26, $0x1;
	_ =	strace $0x80000052;
	[dreg:$0x1] =	wrdreg $0xFFFFFFFF  }
0xa7: {  	s28 =	simm.s32 $_size_execute0_lowered;
	s2 =	sadd.s32 s2, s4;
	[dreg:$0x0] =	wrdreg $0x0  }
0xa8: {  	s4 =	sshll.u32 s28, $0x1;
	[dreg:$0x2] =	wrdreg s2  }
0xa9: {  	[dreg:$0x3] =	wrdreg s4  }
0xaa: {  	[dreg:$0x4] =	wrdreg $0xC0  }
0xab: {  	_ =	task [dreg:s6], $0x5FFFF  }
0xac: {  	[dreg:$0x1] =	wrdreg $0xFFFFFFFF  }
0xad: {  	[dreg:$0x0] =	wrdreg $0x60  }
0xae: {  	[dreg:$0x2] =	wrdreg s24  }
0xaf: {  	[dreg:$0x3] =	wrdreg $0xA9000  }
0xb0: {  	[dreg:$0x4] =	wrdreg $0x9  }
0xb1: {  	_ =	task.clear_ibuf [dreg:s6], $0x5FFFF;
	_ =	strace $0x90000052  }
0xb2: {  	s29 =	simm.s32 $0x9;
	_ =	strace $0x80000054  }
0xb3: {  	_ =	swait.ge [sflag:s29], $0x1  }
0xb4: {  	[sflag:s29] =	ssyncadd.s32 $0xFFFFFFFF  }
0xb5: {  	_ =	strace $0x90000054  }
0xb6: {  	_ =	sfence  }
0xb7: {  	s30 =	sld [smem:$0x0];
	_ =	sdelay $0x2  }
0xb8: {  	s31 =	sshll.u32 s1, $0xD;
	s1 =	sshrl.u32 s1, $0x2  }
0xb9: {  	s3 =	sand.u32 $0x4000, s31;
	s1 =	sadd.s32 s1, s30  }
0xba: {  	s0 =	sor.u32 s3, s0;
	s1 =	sshll.u32 s1, $0x11  }
0xbb: {  	s0 =	sor.u32 s1, s0  }
0xbc: {  	s0 =	sadd.s32 $0x8F2B, s0  }
0xbd: {  	[sflag:s0] =	ssyncadd.remote.s32 $0x1  }
0xbe: {  	_ =	sfence.sel $0xFFFF  }
0xbf: {  	[dreg:$0x0] =	wrdreg $0xFFFFFFFF;
	(pc) =	sbr.abs _section_cstart, $3  }
0xc0: {  	[dreg:$0x1] =	wrdreg $0xFFFFFFFF  }
0xc1: {  	_ =	task.clear_ibuf [dreg:s6], $0x2FFFF;
	_ =	strace $0x9FFFFFFF  }
0xc2: {  	(tm) =	ssettm $0x7FFFFFFF  }
0xc3: {  	_ =	shalt  }
tec
execute0_lowered:
.L_overlay_start_1:
0x0: {  	(tag) =	ssettag $0x1  }
0x1: {  	s1 =	srdreg.scid;
	s8 =	rddreg [dreg:$0x0]  }
0x2: {  	s0 =	stileid.u32;
	s3 =	rddreg [dreg:$0x1];
	s4 =	simm.s32 $0x0  }
0x3: {  	s17 =	simm.s32 $0x2880;
	s18 =	simm.s32 $0x80;
	s19 =	simm.s32 $0x2900  }
0x4: {  	s20 =	simm.s32 $0x6900;
	s21 =	simm.s32 $0x1;
	s2 =	smul.u32 $0x2800, s0  }
0x5: {  	s22 =	simm.s32 $0x3;
	s23 =	simm.s32 $0x2;
	s11 =	smul.u32 $0x14000, s0  }
0x6: {  	s24 =	simm.s32 $0x4;
	s9 =	sand.u32 $0x1, s1;
	s13 =	smul.u32 $0x50000, s0  }
0x7: {  	s25 =	simm.s32 $0x0;
	[smem:$0x7FF] =	sst s4;
	s5 =	smul.u32 $0x28000, s9  }
0x8: {  	s7 =	sadd.s32 $0x53600, s8;
	s10 =	smul.u32 $0x140000, s9;
	s9 =	ssub.s32 $0x2, s9  }
0x9: {  	s31 =	sshll.u32 s0, $0x6;
	_ =	strace $0x80000053;
	s28 =	sshrl.u32 s9, $0x1  }
0xa: {  	s29 =	sshrl.u32 s2, $0x3;
	s30 =	sshrl.u32 s13, $0x2;
	s13 =	simm.s32 $0x5  }
0xb: {  	s5 =	sadd.s32 s2, s5;
	s10 =	sadd.s32 s11, s10;
	s15 =	ssub.s32 s9, s28  }
0xc: {  	s16 =	sadd.s32 s30, s3;
	s6 =	sshrl.u32 s5, $0x3;
	s5 =	sadd.s32 $0x3600, s8  }
0xd: {  	s10 =	sshrl.u32 s10, $0x3;
	s12 =	sadd.s32 s6, s8;
	s6 =	sadd.s32 $0xAFC00, s8  }
0xe: {  	s14 =	sadd.s32 s10, s8;
	s8 =	sadd.s32 $0xB4C00, s12;
	s9 =	sadd.s32 s6, s29  }
0xf: {  	s11 =	sadd.s32 $0x55E00, s14;
	s12 =	smax.u32 s15, $0x1;
	s14 =	sor.u32 $0x1C05, s31  }
0x10: {  	s15 =	sshrl.u32 s16, $0x3;
	s16 =	simm.s32 $0x2800;
	s10 =	sadd.s32 $0x10, s9  }
.LBB2_1:
0x11: {  	[tilespmem:s4], [sflag:$0x5] =	stream.linear.gather [hbm4b:s8+s4], $0x2800, $0x38;
	[tilespmem:$0x1E900] =	vst v63  }
0x12: {  	_ =	swait.ge [sflag:s13], $0x2800  }
0x13: {  	[sflag:s13] =	ssyncset.done $0x0  }
0x14: {  	[sflag:s13] =	ssyncadd.s32 $0xFFFFD800  }
0x15: {  	[spmem:s15], [sflag:s14] =	dma.local [hbm:s7], $0x2800  }
0x16: {  	_ =	swait.ge [sflag:s13], $0x2800  }
0x17: {  	[sflag:s13] =	ssyncset.done $0x0  }
0x18: {  	[sflag:s13] =	ssyncadd.s32 $0xFFFFD800  }
0x19: {  	[bflag:$0x0] =	sbarrier.arrive $0xFFFF  }
0x1a: {  	[tilespmem:s16], [sflag:$0x3] =	stream.linear.gather [hbm4b:s9+s4], $0x80, $0x38;
	[tilespmem:$0x1E900] =	vst v63  }
0x1b: {  	_ = 	snop  }
0x1c: {  	[tilespmem:s17], [sflag:$0x4] =	stream.linear.gather [hbm4b:s10+s4], $0x80, $0x38;
	[tilespmem:$0x1E900] =	vst v63  }
0x1d: {  	_ = 	snop  }
0x1e: {  	[tilespmem:s19], [sflag:$0x1] =	stream.indirect.gather [hbm4b:s5+s18], $0x80, s4, s18, $0xb8;
	[tilespmem:$0x1E900] =	vst v63  }
0x1f: {  	_ = 	snop  }
0x20: {  	[tilespmem:s20], [sflag:$0x2] =	stream.indirect.gather [hbm4b:s5+s18], $0x80, s18, s18, $0xb8;
	[tilespmem:$0x1E900] =	vst v63  }
0x21: {  	_ =	swait.ge [sflag:s21], $0x4000  }
0x22: {  	[sflag:s21] =	ssyncset.done $0x0  }
0x23: {  	[sflag:s21] =	ssyncadd.s32 $0xFFFFC000  }
0x24: {  	s26 =	simm.s32 $0x100;
	_ =	swait.ge [sflag:s22], $0x80  }
0x25: {  	s28 =	sand.u32 $0x7C00, s26;
	[sflag:s22] =	ssyncset.done $0x0  }
0x26: {  	s26 =	sand.u32 $0x300, s26;
	s28 =	sadd.s32 s2, s28;
	[sflag:s22] =	ssyncadd.s32 $0xFFFFFF80  }
0x27: {  	[spmem:s3] =	stream.indirect.scatter.add.f32 [tilespmem:s19], [sflag:$0x5], $0x80, s16, s18, $0xb8;
	[tilespmem:$0x1E900] =	vst v63  }
0x28: {  	s26 =	sor.u32 s26, s28;
	_ =	swait.ge [sflag:s13], $0x4000  }
0x29: {  	s26 =	sshrl.u32 s26, $0x3;
	[sflag:s13] =	ssyncset.done $0x0  }
0x2a: {  	s26 =	sadd.s32 s6, s26;
	[sflag:s13] =	ssyncadd.s32 $0xFFFFC000  }
0x2b: {  	[tilespmem:s16], [sflag:$0x3] =	stream.linear.gather [hbm4b:s26+s4], $0x80, $0x38;
	[tilespmem:$0x1E900] =	vst v63  }
0x2c: {  	s30 =	simm.s32 $0x100  }
0x2d: {  	[tilespmem:s19], [sflag:$0x1] =	stream.indirect.gather [hbm4b:s5+s18], $0x80, s30, s18, $0xb8;
	[tilespmem:$0x1E900] =	vst v63  }
0x2e: {  	_ =	swait.ge [sflag:s23], $0x4000  }
0x2f: {  	[sflag:s23] =	ssyncset.done $0x0  }
0x30: {  	[sflag:s23] =	ssyncadd.s32 $0xFFFFC000  }
0x31: {  	s31 =	simm.s32 $0x180;
	_ =	swait.ge [sflag:s24], $0x80  }
0x32: {  	s28 =	sand.u32 $0x7C00, s31;
	[sflag:s24] =	ssyncset.done $0x0  }
0x33: {  	s28 =	sadd.s32 s2, s28;
	s26 =	sand.u32 $0x380, s31;
	[sflag:s24] =	ssyncadd.s32 $0xFFFFFF80  }
0x34: {  	[spmem:s3] =	stream.indirect.scatter.add.f32 [tilespmem:s20], [sflag:$0x5], $0x80, s17, s18, $0xb8;
	[tilespmem:$0x1E900] =	vst v63  }
0x35: {  	s26 =	sor.u32 s26, s28;
	_ =	swait.ge [sflag:s13], $0x4000  }
0x36: {  	s26 =	sshrl.u32 s26, $0x3;
	[sflag:s13] =	ssyncset.done $0x0  }
0x37: {  	s26 =	sadd.s32 s6, s26;
	[sflag:s13] =	ssyncadd.s32 $0xFFFFC000  }
0x38: {  	[tilespmem:s17], [sflag:$0x4] =	stream.linear.gather [hbm4b:s26+s4], $0x80, $0x38;
	[tilespmem:$0x1E900] =	vst v63  }
0x39: {  	s29 =	simm.s32 $0x200;
	s28 =	simm.s32 $0x180;
	s26 =	simm.s32 $0x280  }
.LBB2_2:
0x3a: {  	s30 =	sadd.s32 $0x80, s29  }
0x3b: {  	p0 =	sne.s32 s26, $0x2780;
	s31 =	smov.u32 s26;
	s26 =	sadd.s32 $0x100, s26  }
0x3c: {  	[tilespmem:s20], [sflag:$0x2] =	stream.indirect.gather [hbm4b:s5+s18], $0x80, s28, s18, $0xb8;
	[tilespmem:$0x1E900] =	vst v63  }
0x3d: {  	s28 =	smov.u32 s30;
	_ =	swait.ge [sflag:s21], $0x4000  }
0x3e: {  	[sflag:s21] =	ssyncset.done $0x0  }
0x3f: {  	[sflag:s21] =	ssyncadd.s32 $0xFFFFC000  }
0x40: {  	_ =	swait.ge [sflag:s22], $0x80  }
0x41: {  	s30 =	sadd.s32 $0xFFFFFF80, s31;
	[sflag:s22] =	ssyncset.done $0x0  }
0x42: {  	s1 =	sand.u32 $0x7C00, s30;
	s30 =	sand.u32 $0x300, s30;
	[sflag:s22] =	ssyncadd.s32 $0xFFFFFF80  }
0x43: {  	[spmem:s3] =	stream.indirect.scatter.add.f32 [tilespmem:s19], [sflag:$0x5], $0x80, s16, s18, $0xb8;
	[tilespmem:$0x1E900] =	vst v63  }
0x44: {  	s1 =	sadd.s32 s2, s1;
	_ =	swait.ge [sflag:s13], $0x4000  }
0x45: {  	s1 =	sor.u32 s30, s1;
	[sflag:s13] =	ssyncset.done $0x0  }
0x46: {  	s1 =	sshrl.u32 s1, $0x3;
	[sflag:s13] =	ssyncadd.s32 $0xFFFFC000  }
0x47: {  	s1 =	sadd.s32 s6, s1  }
0x48: {  	[tilespmem:s16], [sflag:$0x3] =	stream.linear.gather [hbm4b:s1+s4], $0x80, $0x38;
	[tilespmem:$0x1E900] =	vst v63  }
0x49: {  	_ = 	snop  }
0x4a: {  	[tilespmem:s19], [sflag:$0x1] =	stream.indirect.gather [hbm4b:s5+s18], $0x80, s29, s18, $0xb8;
	[tilespmem:$0x1E900] =	vst v63  }
0x4b: {  	_ =	swait.ge [sflag:s23], $0x4000  }
0x4c: {  	[sflag:s23] =	ssyncset.done $0x0  }
0x4d: {  	[sflag:s23] =	ssyncadd.s32 $0xFFFFC000  }
0x4e: {  	_ =	swait.ge [sflag:s24], $0x80  }
0x4f: {  	s1 =	sand.u32 $0x7C00, s31;
	[sflag:s24] =	ssyncset.done $0x0  }
0x50: {  	s30 =	sand.u32 $0x380, s31;
	s1 =	sadd.s32 s2, s1;
	[sflag:s24] =	ssyncadd.s32 $0xFFFFFF80  }
0x51: {  	[spmem:s3] =	stream.indirect.scatter.add.f32 [tilespmem:s20], [sflag:$0x5], $0x80, s17, s18, $0xb8;
	[tilespmem:$0x1E900] =	vst v63  }
.Ltmp0:
0x52: {  	_ = 	snop;
	(pc) =	sbr.rel @p0 .LBB2_2-.Ltmp0, $4  }
0x53: {  	s1 =	sor.u32 s30, s1;
	_ =	swait.ge [sflag:s13], $0x4000  }
0x54: {  	s1 =	sshrl.u32 s1, $0x3;
	[sflag:s13] =	ssyncset.done $0x0  }
0x55: {  	s29 =	sadd.s32 $0x100, s29;
	s1 =	sadd.s32 s6, s1;
	[sflag:s13] =	ssyncadd.s32 $0xFFFFC000  }
0x56: {  	[tilespmem:s17], [sflag:$0x4] =	stream.linear.gather [hbm4b:s1+s4], $0x80, $0x38;
	[tilespmem:$0x1E900] =	vst v63  }
0x57: {  	[tilespmem:s20], [sflag:$0x2] =	stream.indirect.gather [hbm4b:s5+s18], $0x80, s28, s18, $0xb8;
	[tilespmem:$0x1E900] =	vst v63  }
0x58: {  	_ =	swait.ge [sflag:s21], $0x4000  }
0x59: {  	[sflag:s21] =	ssyncset.done $0x0  }
0x5a: {  	[sflag:s21] =	ssyncadd.s32 $0xFFFFC000  }
0x5b: {  	_ =	swait.ge [sflag:s22], $0x80  }
0x5c: {  	[sflag:s22] =	ssyncset.done $0x0  }
0x5d: {  	[sflag:s22] =	ssyncadd.s32 $0xFFFFFF80  }
0x5e: {  	[spmem:s3] =	stream.indirect.scatter.add.f32 [tilespmem:s19], [sflag:$0x5], $0x80, s16, s18, $0xb8;
	[tilespmem:$0x1E900] =	vst v63  }
0x5f: {  	_ =	swait.ge [sflag:s13], $0x4000  }
0x60: {  	[sflag:s13] =	ssyncset.done $0x0  }
0x61: {  	[sflag:s13] =	ssyncadd.s32 $0xFFFFC000  }
0x62: {  	_ =	swait.ge [sflag:s23], $0x4000  }
0x63: {  	[sflag:s23] =	ssyncset.done $0x0  }
0x64: {  	[sflag:s23] =	ssyncadd.s32 $0xFFFFC000  }
0x65: {  	_ =	swait.ge [sflag:s24], $0x80  }
0x66: {  	[sflag:s24] =	ssyncset.done $0x0  }
0x67: {  	[sflag:s24] =	ssyncadd.s32 $0xFFFFFF80  }
0x68: {  	[spmem:s3] =	stream.indirect.scatter.add.f32 [tilespmem:s20], [sflag:$0x5], $0x80, s17, s18, $0xb8;
	[tilespmem:$0x1E900] =	vst v63  }
0x69: {  	_ =	swait.ge [sflag:s13], $0x4000  }
0x6a: {  	s25 =	sadd.s32 $0x1, s25;
	[sflag:s13] =	ssyncset.done $0x0  }
0x6b: {  	p0 =	sne.s32 s25, s12;
	[sflag:s13] =	ssyncadd.s32 $0xFFFFC000  }
.Ltmp1:
0x6c: {  	[bflag:$0x0] =	sbarrier.arrive $0xFFFF;
	(pc) =	sbr.rel @p0 .LBB2_1-.Ltmp1, $4  }
0x6d: {  	[hbm:s11], [sflag:s14] =	dma.local [spmem:s15], $0x2800  }
0x6e: {  	_ =	swait.ge [sflag:s13], $0x2800  }
0x6f: {  	[sflag:s13] =	ssyncset.done $0x0  }
0x70: {  	[sflag:s13] =	ssyncadd.s32 $0xFFFFD800  }
0x71: {  	_ =	sfence.sel $0x180000  }
0x72: {  	[bflag:$0x0] =	sbarrier.arrive $0xFFFF  }
0x73: {  	_ =	strace $0x90000053  }
0x74: {  	[bflag:$0x2] =	sbarrier.arrive $0xFFFF  }
0x75: {  	p0 =	sne.s32 s0, $0x0;
	s0 =	rddreg [dreg:$0x2]  }
0x76: {  	s0 =	sadd.s32 @!p0 $0x100000, s0  }
0x77: {  	[sflag:s0] =	ssyncadd.tile.s32 @!p0 $0x1;
	_ =	shalt  }
.Lfunc_end2:
_tile_overlayer_lowered:
.L_overlay_start_2:
0x78: {  	(tag) =	ssettag $0x2  }
0x79: {  	s0 =	rddreg [dreg:$0x0];
	s2 =	stileid.u32  }
0x7a: {  	s1 =	rddreg [dreg:$0x1];
	p0 =	sne.s32 s2, $0x0  }
0x7b: {  	s3 =	rddreg [dreg:$0x2];
	[bflag:$0x3] =	sbarrier.arrive $0xFFFF;
	s2 =	simm.s32 @!p0 $0x1C05  }
0x7c: {  	[timem:s3], [sflag:s2] =	dma.local @!p0 [hbm:s0], s1  }
0x7d: {  	s0 =	simm.s32 @!p0 $0x5  }
0x7e: {  	_ =	swait.ge @!p0 [sflag:s0], s1  }
0x7f: {  	s1 =	ssub.s32 @!p0 $0x0, s1;
	[sflag:s0] =	ssyncset.done @!p0 $0x0  }
0x80: {  	[sflag:s0] =	ssyncadd.s32 @!p0 s1  }
0x81: {  	[bflag:$0x3] =	sbarrier.arrive $0xFFFF  }
0x82: {  	_ =	shalt  }

</sc_bundles>
